<compile_context>
chip_gen: v7x
topology: tpu7x:2x2x1
jax: 0.10.2.dev20260603
libtpu: 0.0.44.dev20260713+nightly
codegen_flags: <defaults>
</compile_context>

<pallas_src>
import functools

import jax
import jax.numpy as jnp
from jax import lax
from jax.experimental import pallas as pl
from jax.experimental.pallas import tpu as pltpu
from jax.experimental.pallas import tpu_sc as plsc


def _build_lookup(B1, B2, V, D):
    info = plsc.get_sparse_core_info()
    NC, NS = info.num_cores, info.num_subcores
    NW = NC * NS
    DT = D // 8
    CT = B1 // 128
    n_pairs = B2 * CT
    p_per_w = n_pairs // NW
    idx_per_w = p_per_w * 128
    out_words = B2 * DT * CT * 1024
    mesh = plsc.VectorSubcoreMesh(core_axis_name="c", subcore_axis_name="s")

    @functools.partial(
        pl.kernel,
        mesh=mesh,
        out_type=jax.ShapeDtypeStruct((B2, DT, CT, 8, 128), jnp.float32),
        compiler_params=pltpu.CompilerParams(use_tc_tiling_on_sc=False,
                                             needs_layout_passes=False,
                                             disable_bounds_checks=True),
        scratch_types=[
            pltpu.VMEM((idx_per_w,), jnp.int32),
            pltpu.VMEM((128, D), jnp.float32),
            pltpu.VMEM((128, D), jnp.float32),
            pltpu.VMEM((DT, 8, 145), jnp.float32),
            pltpu.VMEM((DT, 8, 145), jnp.float32),
            pltpu.SemaphoreType.DMA,
            pltpu.SemaphoreType.DMA,
            pltpu.SemaphoreType.DMA,
            pltpu.SemaphoreType.DMA,
        ],
    )
    def lookup(idx_hbm, table_hbm, out_hbm, idx_v, rows0, rows1, t0, t1,
               sem_g0, sem_g1, sem_s0, sem_s1):
        wid = lax.axis_index("s") * NC + lax.axis_index("c")
        p_base = wid * p_per_w
        pltpu.sync_copy(idx_hbm.at[pl.ds(pl.multiple_of(p_base * 128, 8),
                                         idx_per_w)], idx_v)

        rows = (rows0, rows1)
        tbuf = (t0, t1)
        sem_g = (sem_g0, sem_g1)
        sem_s = (sem_s0, sem_s1)

        iota = lax.iota(jnp.int32, 16)
        dt_vecs = [(16 * j + iota) // 8 for j in range(D // 16)]
        r_vecs = [(16 * j + iota) % 8 for j in range(D // 16)]

        def fire_gather(q, b):
            idx_slice = idx_v.at[pl.ds(pl.multiple_of(q * 128, 8), 128)]
            pltpu.async_copy(table_hbm.at[idx_slice], rows[b], sem_g[b])

        def wait_gather(q, b):
            idx_slice = idx_v.at[pl.ds(pl.multiple_of(q * 128, 8), 128)]
            pltpu.make_async_copy(table_hbm.at[idx_slice], rows[b],
                                  sem_g[b]).wait()

        def fire_store(q, b):
            p = p_base + q
            pltpu.async_copy(tbuf[b].at[:, :, pl.ds(0, 128)],
                             out_hbm.at[p // CT, :, p % CT], sem_s[b])

        def wait_store(q, b):
            p = p_base + q
            pltpu.make_async_copy(tbuf[b].at[:, :, pl.ds(0, 128)],
                                  out_hbm.at[p // CT, :, p % CT],
                                  sem_s[b]).wait()

        def transpose(b):
            src, dst = rows[b], tbuf[b]

            @plsc.parallel_loop(0, 128, unroll=8)
            def kbody(k):
                l_vec = jnp.full((16,), k, jnp.int32)
                for j in range(D // 16):
                    x = src[k, pl.ds(16 * j, 16)]
                    plsc.store_scatter(dst, [dt_vecs[j], r_vecs[j], l_vec], x)

        fire_gather(0, 0)
        fire_gather(1, 1)
        for q in (0, 1):
            b = q & 1
            wait_gather(q, b)
            transpose(b)
            fire_store(q, b)
            fire_gather(q + 2, b)

        def body(i, carry):
            q = 2 + 2 * i
            for b in (0, 1):
                wait_gather(q + b, b)
                wait_store(q + b - 2, b)
                transpose(b)
                fire_store(q + b, b)
                fire_gather(q + b + 2, b)
            return carry

        lax.fori_loop(0, (p_per_w - 4) // 2, body, 0)

        for q in (p_per_w - 2, p_per_w - 1):
            b = q & 1
            wait_gather(q, b)
            wait_store(q - 2, b)
            transpose(b)
            fire_store(q, b)
        wait_store(p_per_w - 2, 0)
        wait_store(p_per_w - 1, 1)

    return lookup


def kernel(token_ids, weight):
    V, D = weight.shape
    B1, B2 = token_ids.shape
    idx_flat = token_ids.astype(jnp.int32).T.reshape(B1 * B2)
    out5 = _build_lookup(B1, B2, V, D)(idx_flat, weight)
    return out5.transpose(2, 4, 0, 1, 3).reshape(B1, B2, D)

# --- scband reference (transcript-rebuilt; emitter-appended) ---
"""Pipeline reference for scband-embedding-78108275245086 (READ-ONLY COPY).

The authoritative reference and input builder live on the scoring server;
editing this copy changes nothing except your own understanding.
"""

import jax, jax.numpy as jnp
import numpy as np

NUM_EMBEDDINGS = 1000000
EMBEDDING_DIM = 64

def setup_inputs(seed: int = 0) -> dict:
    key = jax.random.key(seed)
    k1, k2 = jax.random.split(key)
    token_ids = jax.random.randint(k1, (16384, 50), 0, NUM_EMBEDDINGS, dtype=jnp.int64 if jax.config.jax_enable_x64 else jnp.int32)
    # trunc_normal_ init: truncated normal in [-2, 2], std=1
    weight = jax.random.truncated_normal(k2, -2.0, 2.0, (NUM_EMBEDDINGS, EMBEDDING_DIM), dtype=jnp.float32)
    return {"token_ids": token_ids, "weight": weight}

def reference(token_ids, weight):
    # weight[token_ids] -> gather rows of the embedding table
    return jnp.take(weight, token_ids, axis=0)

if __name__ == "__main__":
    import jax
    _d = setup_inputs()
    print(jax.jit(kernel)(*tuple(_d.values())))

</pallas_src>

<mosaic_0001>
#map = affine_map<(d0, d1) -> (0)>
#map1 = affine_map<(d0, d1) -> (0, 0)>
#map2 = affine_map<(d0, d1) -> (0, 0, 0, 0, 0)>
module attributes {stable_mosaic.version = 14 : i64} {
  func.func @lookup(%arg0: i32, %arg1: i32, %arg2: memref<819200xi32, #tpu.memory_space<hbm>>, %arg3: memref<1000000x64xf32, #tpu.memory_space<hbm>>, %arg4: memref<50x8x128x8x128xf32, #tpu.memory_space<hbm>>, %arg5: memref<25600xi32, #tpu.memory_space<vmem>>, %arg6: memref<128x64xf32, #tpu.memory_space<vmem>>, %arg7: memref<128x64xf32, #tpu.memory_space<vmem>>, %arg8: memref<8x8x145xf32, #tpu.memory_space<vmem>>, %arg9: memref<8x8x145xf32, #tpu.memory_space<vmem>>, %arg10: memref<!tpu.dma_semaphore, #tpu.memory_space<semaphore_mem>>, %arg11: memref<!tpu.dma_semaphore, #tpu.memory_space<semaphore_mem>>, %arg12: memref<!tpu.dma_semaphore, #tpu.memory_space<semaphore_mem>>, %arg13: memref<!tpu.dma_semaphore, #tpu.memory_space<semaphore_mem>>) attributes {dimension_semantics = [#tpu.dimension_semantics<core_parallel>, #tpu.dimension_semantics<subcore_parallel>], iteration_bounds = array<i64: 2, 16>, scalar_prefetch = 0 : i64, scratch_operands = 9 : i64, tpu.core_type = #tpu.core_type<sc_vector_subcore>, window_params = [{transform_indices = #map}, {transform_indices = #map1}, {transform_indices = #map2}]} {
    %mul3A = arith.constant 2 : i32
    %mul3A_0 = arith.muli %arg1, %mul3A : i32
    %add3A = arith.addi %mul3A_0, %arg0 : i32
    %mul3A_1 = arith.constant 200 : i32
    %mul3A_2 = arith.muli %add3A, %mul3A_1 : i32
    %mul3A_3 = arith.constant 128 : i32
    %mul3A_4 = arith.muli %mul3A_2, %mul3A_3 : i32
    %multiple_of3A = tpu.assume_multiple %mul3A_4, 8 : i32
    "tpu.region"() ({
      %run_scoped3A = tpu.sem_alloc : memref<!tpu.dma_semaphore, #tpu.memory_space<semaphore_mem>>
      %dma_start3A_773 = tpu.memref_slice %arg2[%multiple_of3A] : memref<819200xi32, #tpu.memory_space<hbm>> -> memref<25600xi32, #tpu.memory_space<hbm>>
      %dma_start3A_774 = tpu.memref_slice %arg2[%multiple_of3A] : memref<819200xi32, #tpu.memory_space<hbm>> -> memref<25600xi32, #tpu.memory_space<hbm>>
      tpu.enqueue_dma source(%dma_start3A_774 : memref<25600xi32, #tpu.memory_space<hbm>>) target(%arg5 : memref<25600xi32, #tpu.memory_space<vmem>>) target_semaphore(%run_scoped3A : memref<!tpu.dma_semaphore, #tpu.memory_space<semaphore_mem>>)
      %dma_wait3A_775 = tpu.memref_slice %arg2[%multiple_of3A] : memref<819200xi32, #tpu.memory_space<hbm>> -> memref<25600xi32, #tpu.memory_space<hbm>>
      %dma_wait3A_776 = tpu.memref_slice %arg2[%multiple_of3A] : memref<819200xi32, #tpu.memory_space<hbm>> -> memref<25600xi32, #tpu.memory_space<hbm>>
      tpu.wait_dma2 semaphore(%run_scoped3A : memref<!tpu.dma_semaphore, #tpu.memory_space<semaphore_mem>>) src(%dma_wait3A_776 : memref<25600xi32, #tpu.memory_space<hbm>>) dst(%arg5 : memref<25600xi32, #tpu.memory_space<vmem>>)
      tpu.yield
    }) : () -> ()
    %iota3A = tpu.iota {dimensions = array<i32: 0>} : vector<16xi32>
    %add3A_5 = arith.constant 0 : i32
    %add3A_6 = vector.broadcast %add3A_5 : i32 to vector<16xi32>
    %add3A_7 = arith.addi %add3A_6, %iota3A : vector<16xi32>
    %jit3A = arith.constant 8 : i32
    %div3A = vector.broadcast %jit3A : i32 to vector<16xi32>
    %div3A_8 = arith.divsi %add3A_7, %div3A : vector<16xi32>
    %sign3A = arith.constant 0 : i32
    %sign3A_9 = vector.broadcast %sign3A : i32 to vector<16xi32>
    %sign3A_10 = arith.cmpi sgt, %add3A_7, %sign3A_9 : vector<16xi32>
    %sign3A_11 = arith.extui %sign3A_10 : vector<16xi1> to vector<16xi32>
    %sign3A_12 = arith.constant 0 : i32
    %sign3A_13 = vector.broadcast %sign3A_12 : i32 to vector<16xi32>
    %sign3A_14 = arith.cmpi slt, %add3A_7, %sign3A_13 : vector<16xi32>
    %sign3A_15 = arith.extui %sign3A_14 : vector<16xi1> to vector<16xi32>
    %sign3A_16 = arith.subi %sign3A_11, %sign3A_15 : vector<16xi32>
    %sign3A_17 = arith.constant 0 : i32
    %sign3A_18 = arith.cmpi sgt, %jit3A, %sign3A_17 : i32
    %sign3A_19 = arith.extui %sign3A_18 : i1 to i32
    %sign3A_20 = arith.constant 0 : i32
    %sign3A_21 = arith.cmpi slt, %jit3A, %sign3A_20 : i32
    %sign3A_22 = arith.extui %sign3A_21 : i1 to i32
    %sign3A_23 = arith.subi %sign3A_19, %sign3A_22 : i32
    %ne3A = vector.broadcast %sign3A_23 : i32 to vector<16xi32>
    %ne3A_24 = arith.cmpi ne, %sign3A_16, %ne3A : vector<16xi32>
    %rem3A = vector.broadcast %jit3A : i32 to vector<16xi32>
    %rem3A_25 = arith.remsi %add3A_7, %rem3A : vector<16xi32>
    %ne3A_26 = arith.constant 0 : i32
    %ne3A_27 = vector.broadcast %ne3A_26 : i32 to vector<16xi32>
    %ne3A_28 = arith.cmpi ne, %rem3A_25, %ne3A_27 : vector<16xi32>
    %and3A = arith.andi %ne3A_24, %ne3A_28 : vector<16xi1>
    %sub3A = arith.constant 1 : i32
    %sub3A_29 = vector.broadcast %sub3A : i32 to vector<16xi32>
    %sub3A_30 = arith.subi %div3A_8, %sub3A_29 : vector<16xi32>
    %select_n3A = arith.select %and3A, %sub3A_30, %div3A_8 : vector<16xi1>, vector<16xi32>
    %add3A_31 = arith.constant 16 : i32
    %add3A_32 = vector.broadcast %add3A_31 : i32 to vector<16xi32>
    %add3A_33 = arith.addi %add3A_32, %iota3A : vector<16xi32>
    %jit3A_34 = arith.constant 8 : i32
    %div3A_35 = vector.broadcast %jit3A_34 : i32 to vector<16xi32>
    %div3A_36 = arith.divsi %add3A_33, %div3A_35 : vector<16xi32>
    %sign3A_37 = arith.constant 0 : i32
    %sign3A_38 = vector.broadcast %sign3A_37 : i32 to vector<16xi32>
    %sign3A_39 = arith.cmpi sgt, %add3A_33, %sign3A_38 : vector<16xi32>
    %sign3A_40 = arith.extui %sign3A_39 : vector<16xi1> to vector<16xi32>
    %sign3A_41 = arith.constant 0 : i32
    %sign3A_42 = vector.broadcast %sign3A_41 : i32 to vector<16xi32>
    %sign3A_43 = arith.cmpi slt, %add3A_33, %sign3A_42 : vector<16xi32>
    %sign3A_44 = arith.extui %sign3A_43 : vector<16xi1> to vector<16xi32>
    %sign3A_45 = arith.subi %sign3A_40, %sign3A_44 : vector<16xi32>
    %sign3A_46 = arith.constant 0 : i32
    %sign3A_47 = arith.cmpi sgt, %jit3A_34, %sign3A_46 : i32
    %sign3A_48 = arith.extui %sign3A_47 : i1 to i32
    %sign3A_49 = arith.constant 0 : i32
    %sign3A_50 = arith.cmpi slt, %jit3A_34, %sign3A_49 : i32
    %sign3A_51 = arith.extui %sign3A_50 : i1 to i32
    %sign3A_52 = arith.subi %sign3A_48, %sign3A_51 : i32
    %ne3A_53 = vector.broadcast %sign3A_52 : i32 to vector<16xi32>
    %ne3A_54 = arith.cmpi ne, %sign3A_45, %ne3A_53 : vector<16xi32>
    %rem3A_55 = vector.broadcast %jit3A_34 : i32 to vector<16xi32>
    %rem3A_56 = arith.remsi %add3A_33, %rem3A_55 : vector<16xi32>
    %ne3A_57 = arith.constant 0 : i32
    %ne3A_58 = vector.broadcast %ne3A_57 : i32 to vector<16xi32>
    %ne3A_59 = arith.cmpi ne, %rem3A_56, %ne3A_58 : vector<16xi32>
    %and3A_60 = arith.andi %ne3A_54, %ne3A_59 : vector<16xi1>
    %sub3A_61 = arith.constant 1 : i32
    %sub3A_62 = vector.broadcast %sub3A_61 : i32 to vector<16xi32>
    %sub3A_63 = arith.subi %div3A_36, %sub3A_62 : vector<16xi32>
    %select_n3A_64 = arith.select %and3A_60, %sub3A_63, %div3A_36 : vector<16xi1>, vector<16xi32>
    %add3A_65 = arith.constant 32 : i32
    %add3A_66 = vector.broadcast %add3A_65 : i32 to vector<16xi32>
    %add3A_67 = arith.addi %add3A_66, %iota3A : vector<16xi32>
    %jit3A_68 = arith.constant 8 : i32
    %div3A_69 = vector.broadcast %jit3A_68 : i32 to vector<16xi32>
    %div3A_70 = arith.divsi %add3A_67, %div3A_69 : vector<16xi32>
    %sign3A_71 = arith.constant 0 : i32
    %sign3A_72 = vector.broadcast %sign3A_71 : i32 to vector<16xi32>
    %sign3A_73 = arith.cmpi sgt, %add3A_67, %sign3A_72 : vector<16xi32>
    %sign3A_74 = arith.extui %sign3A_73 : vector<16xi1> to vector<16xi32>
    %sign3A_75 = arith.constant 0 : i32
    %sign3A_76 = vector.broadcast %sign3A_75 : i32 to vector<16xi32>
    %sign3A_77 = arith.cmpi slt, %add3A_67, %sign3A_76 : vector<16xi32>
    %sign3A_78 = arith.extui %sign3A_77 : vector<16xi1> to vector<16xi32>
    %sign3A_79 = arith.subi %sign3A_74, %sign3A_78 : vector<16xi32>
    %sign3A_80 = arith.constant 0 : i32
    %sign3A_81 = arith.cmpi sgt, %jit3A_68, %sign3A_80 : i32
    %sign3A_82 = arith.extui %sign3A_81 : i1 to i32
    %sign3A_83 = arith.constant 0 : i32
    %sign3A_84 = arith.cmpi slt, %jit3A_68, %sign3A_83 : i32
    %sign3A_85 = arith.extui %sign3A_84 : i1 to i32
    %sign3A_86 = arith.subi %sign3A_82, %sign3A_85 : i32
    %ne3A_87 = vector.broadcast %sign3A_86 : i32 to vector<16xi32>
    %ne3A_88 = arith.cmpi ne, %sign3A_79, %ne3A_87 : vector<16xi32>
    %rem3A_89 = vector.broadcast %jit3A_68 : i32 to vector<16xi32>
    %rem3A_90 = arith.remsi %add3A_67, %rem3A_89 : vector<16xi32>
    %ne3A_91 = arith.constant 0 : i32
    %ne3A_92 = vector.broadcast %ne3A_91 : i32 to vector<16xi32>
    %ne3A_93 = arith.cmpi ne, %rem3A_90, %ne3A_92 : vector<16xi32>
    %and3A_94 = arith.andi %ne3A_88, %ne3A_93 : vector<16xi1>
    %sub3A_95 = arith.constant 1 : i32
    %sub3A_96 = vector.broadcast %sub3A_95 : i32 to vector<16xi32>
    %sub3A_97 = arith.subi %div3A_70, %sub3A_96 : vector<16xi32>
    %select_n3A_98 = arith.select %and3A_94, %sub3A_97, %div3A_70 : vector<16xi1>, vector<16xi32>
    %add3A_99 = arith.constant 48 : i32
    %add3A_100 = vector.broadcast %add3A_99 : i32 to vector<16xi32>
    %add3A_101 = arith.addi %add3A_100, %iota3A : vector<16xi32>
    %jit3A_102 = arith.constant 8 : i32
    %div3A_103 = vector.broadcast %jit3A_102 : i32 to vector<16xi32>
    %div3A_104 = arith.divsi %add3A_101, %div3A_103 : vector<16xi32>
    %sign3A_105 = arith.constant 0 : i32
    %sign3A_106 = vector.broadcast %sign3A_105 : i32 to vector<16xi32>
    %sign3A_107 = arith.cmpi sgt, %add3A_101, %sign3A_106 : vector<16xi32>
    %sign3A_108 = arith.extui %sign3A_107 : vector<16xi1> to vector<16xi32>
    %sign3A_109 = arith.constant 0 : i32
    %sign3A_110 = vector.broadcast %sign3A_109 : i32 to vector<16xi32>
    %sign3A_111 = arith.cmpi slt, %add3A_101, %sign3A_110 : vector<16xi32>
    %sign3A_112 = arith.extui %sign3A_111 : vector<16xi1> to vector<16xi32>
    %sign3A_113 = arith.subi %sign3A_108, %sign3A_112 : vector<16xi32>
    %sign3A_114 = arith.constant 0 : i32
    %sign3A_115 = arith.cmpi sgt, %jit3A_102, %sign3A_114 : i32
    %sign3A_116 = arith.extui %sign3A_115 : i1 to i32
    %sign3A_117 = arith.constant 0 : i32
    %sign3A_118 = arith.cmpi slt, %jit3A_102, %sign3A_117 : i32
    %sign3A_119 = arith.extui %sign3A_118 : i1 to i32
    %sign3A_120 = arith.subi %sign3A_116, %sign3A_119 : i32
    %ne3A_121 = vector.broadcast %sign3A_120 : i32 to vector<16xi32>
    %ne3A_122 = arith.cmpi ne, %sign3A_113, %ne3A_121 : vector<16xi32>
    %rem3A_123 = vector.broadcast %jit3A_102 : i32 to vector<16xi32>
    %rem3A_124 = arith.remsi %add3A_101, %rem3A_123 : vector<16xi32>
    %ne3A_125 = arith.constant 0 : i32
    %ne3A_126 = vector.broadcast %ne3A_125 : i32 to vector<16xi32>
    %ne3A_127 = arith.cmpi ne, %rem3A_124, %ne3A_126 : vector<16xi32>
    %and3A_128 = arith.andi %ne3A_122, %ne3A_127 : vector<16xi1>
    %sub3A_129 = arith.constant 1 : i32
    %sub3A_130 = vector.broadcast %sub3A_129 : i32 to vector<16xi32>
    %sub3A_131 = arith.subi %div3A_104, %sub3A_130 : vector<16xi32>
    %select_n3A_132 = arith.select %and3A_128, %sub3A_131, %div3A_104 : vector<16xi1>, vector<16xi32>
    %add3A_133 = arith.constant 0 : i32
    %add3A_134 = vector.broadcast %add3A_133 : i32 to vector<16xi32>
    %add3A_135 = arith.addi %add3A_134, %iota3A : vector<16xi32>
    %jit3A_136 = arith.constant 8 : i32
    %eq3A = arith.constant 0 : i32
    %eq3A_137 = arith.cmpi eq, %jit3A_136, %eq3A : i32
    %jit3A_138 = arith.constant 1 : i32
    %select_n3A_139 = arith.select %eq3A_137, %jit3A_138, %jit3A_136 : i32
    %rem3A_140 = vector.broadcast %select_n3A_139 : i32 to vector<16xi32>
    %rem3A_141 = arith.remsi %add3A_135, %rem3A_140 : vector<16xi32>
    %ne3A_142 = arith.constant 0 : i32
    %ne3A_143 = vector.broadcast %ne3A_142 : i32 to vector<16xi32>
    %ne3A_144 = arith.cmpi ne, %rem3A_141, %ne3A_143 : vector<16xi32>
    %lt3A = arith.constant 0 : i32
    %lt3A_145 = vector.broadcast %lt3A : i32 to vector<16xi32>
    %lt3A_146 = arith.cmpi slt, %rem3A_141, %lt3A_145 : vector<16xi32>
    %lt3A_147 = arith.constant 0 : i32
    %lt3A_148 = arith.cmpi slt, %select_n3A_139, %lt3A_147 : i32
    %ne3A_149 = vector.broadcast %lt3A_148 : i1 to vector<16xi1>
    %ne3A_150 = vector.broadcast %ne3A_149 : vector<16xi1> to vector<16xi1>
    %ne3A_151 = arith.xori %lt3A_146, %ne3A_150 : vector<16xi1>
    %and3A_152 = arith.andi %ne3A_151, %ne3A_144 : vector<16xi1>
    %add3A_153 = vector.broadcast %select_n3A_139 : i32 to vector<16xi32>
    %add3A_154 = arith.addi %rem3A_141, %add3A_153 : vector<16xi32>
    %select_n3A_155 = arith.select %and3A_152, %add3A_154, %rem3A_141 : vector<16xi1>, vector<16xi32>
    %add3A_156 = arith.constant 16 : i32
    %add3A_157 = vector.broadcast %add3A_156 : i32 to vector<16xi32>
    %add3A_158 = arith.addi %add3A_157, %iota3A : vector<16xi32>
    %jit3A_159 = arith.constant 8 : i32
    %eq3A_160 = arith.constant 0 : i32
    %eq3A_161 = arith.cmpi eq, %jit3A_159, %eq3A_160 : i32
    %jit3A_162 = arith.constant 1 : i32
    %select_n3A_163 = arith.select %eq3A_161, %jit3A_162, %jit3A_159 : i32
    %rem3A_164 = vector.broadcast %select_n3A_163 : i32 to vector<16xi32>
    %rem3A_165 = arith.remsi %add3A_158, %rem3A_164 : vector<16xi32>
    %ne3A_166 = arith.constant 0 : i32
    %ne3A_167 = vector.broadcast %ne3A_166 : i32 to vector<16xi32>
    %ne3A_168 = arith.cmpi ne, %rem3A_165, %ne3A_167 : vector<16xi32>
    %lt3A_169 = arith.constant 0 : i32
    %lt3A_170 = vector.broadcast %lt3A_169 : i32 to vector<16xi32>
    %lt3A_171 = arith.cmpi slt, %rem3A_165, %lt3A_170 : vector<16xi32>
    %lt3A_172 = arith.constant 0 : i32
    %lt3A_173 = arith.cmpi slt, %select_n3A_163, %lt3A_172 : i32
    %ne3A_174 = vector.broadcast %lt3A_173 : i1 to vector<16xi1>
    %ne3A_175 = vector.broadcast %ne3A_174 : vector<16xi1> to vector<16xi1>
    %ne3A_176 = arith.xori %lt3A_171, %ne3A_175 : vector<16xi1>
    %and3A_177 = arith.andi %ne3A_176, %ne3A_168 : vector<16xi1>
    %add3A_178 = vector.broadcast %select_n3A_163 : i32 to vector<16xi32>
    %add3A_179 = arith.addi %rem3A_165, %add3A_178 : vector<16xi32>
    %select_n3A_180 = arith.select %and3A_177, %add3A_179, %rem3A_165 : vector<16xi1>, vector<16xi32>
    %add3A_181 = arith.constant 32 : i32
    %add3A_182 = vector.broadcast %add3A_181 : i32 to vector<16xi32>
    %add3A_183 = arith.addi %add3A_182, %iota3A : vector<16xi32>
    %jit3A_184 = arith.constant 8 : i32
    %eq3A_185 = arith.constant 0 : i32
    %eq3A_186 = arith.cmpi eq, %jit3A_184, %eq3A_185 : i32
    %jit3A_187 = arith.constant 1 : i32
    %select_n3A_188 = arith.select %eq3A_186, %jit3A_187, %jit3A_184 : i32
    %rem3A_189 = vector.broadcast %select_n3A_188 : i32 to vector<16xi32>
    %rem3A_190 = arith.remsi %add3A_183, %rem3A_189 : vector<16xi32>
    %ne3A_191 = arith.constant 0 : i32
    %ne3A_192 = vector.broadcast %ne3A_191 : i32 to vector<16xi32>
    %ne3A_193 = arith.cmpi ne, %rem3A_190, %ne3A_192 : vector<16xi32>
    %lt3A_194 = arith.constant 0 : i32
    %lt3A_195 = vector.broadcast %lt3A_194 : i32 to vector<16xi32>
    %lt3A_196 = arith.cmpi slt, %rem3A_190, %lt3A_195 : vector<16xi32>
    %lt3A_197 = arith.constant 0 : i32
    %lt3A_198 = arith.cmpi slt, %select_n3A_188, %lt3A_197 : i32
    %ne3A_199 = vector.broadcast %lt3A_198 : i1 to vector<16xi1>
    %ne3A_200 = vector.broadcast %ne3A_199 : vector<16xi1> to vector<16xi1>
    %ne3A_201 = arith.xori %lt3A_196, %ne3A_200 : vector<16xi1>
    %and3A_202 = arith.andi %ne3A_201, %ne3A_193 : vector<16xi1>
    %add3A_203 = vector.broadcast %select_n3A_188 : i32 to vector<16xi32>
    %add3A_204 = arith.addi %rem3A_190, %add3A_203 : vector<16xi32>
    %select_n3A_205 = arith.select %and3A_202, %add3A_204, %rem3A_190 : vector<16xi1>, vector<16xi32>
    %add3A_206 = arith.constant 48 : i32
    %add3A_207 = vector.broadcast %add3A_206 : i32 to vector<16xi32>
    %add3A_208 = arith.addi %add3A_207, %iota3A : vector<16xi32>
    %jit3A_209 = arith.constant 8 : i32
    %eq3A_210 = arith.constant 0 : i32
    %eq3A_211 = arith.cmpi eq, %jit3A_209, %eq3A_210 : i32
    %jit3A_212 = arith.constant 1 : i32
    %select_n3A_213 = arith.select %eq3A_211, %jit3A_212, %jit3A_209 : i32
    %rem3A_214 = vector.broadcast %select_n3A_213 : i32 to vector<16xi32>
    %rem3A_215 = arith.remsi %add3A_208, %rem3A_214 : vector<16xi32>
    %ne3A_216 = arith.constant 0 : i32
    %ne3A_217 = vector.broadcast %ne3A_216 : i32 to vector<16xi32>
    %ne3A_218 = arith.cmpi ne, %rem3A_215, %ne3A_217 : vector<16xi32>
    %lt3A_219 = arith.constant 0 : i32
    %lt3A_220 = vector.broadcast %lt3A_219 : i32 to vector<16xi32>
    %lt3A_221 = arith.cmpi slt, %rem3A_215, %lt3A_220 : vector<16xi32>
    %lt3A_222 = arith.constant 0 : i32
    %lt3A_223 = arith.cmpi slt, %select_n3A_213, %lt3A_222 : i32
    %ne3A_224 = vector.broadcast %lt3A_223 : i1 to vector<16xi1>
    %ne3A_225 = vector.broadcast %ne3A_224 : vector<16xi1> to vector<16xi1>
    %ne3A_226 = arith.xori %lt3A_221, %ne3A_225 : vector<16xi1>
    %and3A_227 = arith.andi %ne3A_226, %ne3A_218 : vector<16xi1>
    %add3A_228 = vector.broadcast %select_n3A_213 : i32 to vector<16xi32>
    %add3A_229 = arith.addi %rem3A_215, %add3A_228 : vector<16xi32>
    %select_n3A_230 = arith.select %and3A_227, %add3A_229, %rem3A_215 : vector<16xi1>, vector<16xi32>
    %multiple_of3A_231 = arith.constant 0 : i32
    %multiple_of3A_232 = tpu.assume_multiple %multiple_of3A_231, 8 : i32
    %dma_start3A = tpu.memref_slice %arg5[%multiple_of3A_232] : memref<25600xi32, #tpu.memory_space<vmem>> -> memref<128xi32, #tpu.memory_space<vmem>>
    %dma_start3A_233 = arith.constant 0 : i32
    %dma_start3A_234 = arith.constant 0 : i32
    %dma_start3A_235 = tpu.memref_slice %arg3[%dma_start3A_233, %dma_start3A_234] : memref<1000000x64xf32, #tpu.memory_space<hbm>> -> memref<1000000x64xf32, #tpu.memory_space<hbm>>
    tpu.enqueue_indirect_dma source(%dma_start3A_235 : memref<1000000x64xf32, #tpu.memory_space<hbm>>) target(%arg6 : memref<128x64xf32, #tpu.memory_space<vmem>>) offsets(%dma_start3A : memref<128xi32, #tpu.memory_space<vmem>>) semaphore(%arg10 : memref<!tpu.dma_semaphore, #tpu.memory_space<semaphore_mem>>)
    %multiple_of3A_236 = arith.constant 128 : i32
    %multiple_of3A_237 = tpu.assume_multiple %multiple_of3A_236, 8 : i32
    %dma_start3A_238 = tpu.memref_slice %arg5[%multiple_of3A_237] : memref<25600xi32, #tpu.memory_space<vmem>> -> memref<128xi32, #tpu.memory_space<vmem>>
    %dma_start3A_239 = arith.constant 0 : i32
    %dma_start3A_240 = arith.constant 0 : i32
    %dma_start3A_241 = tpu.memref_slice %arg3[%dma_start3A_239, %dma_start3A_240] : memref<1000000x64xf32, #tpu.memory_space<hbm>> -> memref<1000000x64xf32, #tpu.memory_space<hbm>>
    tpu.enqueue_indirect_dma source(%dma_start3A_241 : memref<1000000x64xf32, #tpu.memory_space<hbm>>) target(%arg7 : memref<128x64xf32, #tpu.memory_space<vmem>>) offsets(%dma_start3A_238 : memref<128xi32, #tpu.memory_space<vmem>>) semaphore(%arg11 : memref<!tpu.dma_semaphore, #tpu.memory_space<semaphore_mem>>)
    %multiple_of3A_242 = arith.constant 0 : i32
    %multiple_of3A_243 = tpu.assume_multiple %multiple_of3A_242, 8 : i32
    %dma_wait3A = tpu.memref_slice %arg5[%multiple_of3A_243] : memref<25600xi32, #tpu.memory_space<vmem>> -> memref<128xi32, #tpu.memory_space<vmem>>
    %dma_wait3A_244 = arith.constant 0 : i32
    %dma_wait3A_245 = arith.constant 0 : i32
    %dma_wait3A_246 = tpu.memref_slice %arg3[%dma_wait3A_244, %dma_wait3A_245] : memref<1000000x64xf32, #tpu.memory_space<hbm>> -> memref<1000000x64xf32, #tpu.memory_space<hbm>>
    tpu.wait_indirect_dma semaphore(%arg10 : memref<!tpu.dma_semaphore, #tpu.memory_space<semaphore_mem>>) src(%dma_wait3A_246 : memref<1000000x64xf32, #tpu.memory_space<hbm>>) dst(%arg6 : memref<128x64xf32, #tpu.memory_space<vmem>>)
    %parallel_loop3A = arith.constant 0 : i32
    %parallel_loop3A_247 = arith.constant 128 : i32
    %parallel_loop3A_248 = arith.constant 1 : i32
    scf.for %parallel_loop3A_773 = %parallel_loop3A to %parallel_loop3A_247 step %parallel_loop3A_248  : i32 {
      %parallel_loop3A_774 = vector.broadcast %parallel_loop3A_773 : i32 to vector<16xi32>
      %parallel_loop3A_775 = arith.index_cast %parallel_loop3A_773 : i32 to index
      %parallel_loop3A_776 = arith.constant 0 : index
      %parallel_loop3A_777 = tpu.vector_load %arg6[%parallel_loop3A_775, %parallel_loop3A_776] {strides = array<i32>} : memref<128x64xf32, #tpu.memory_space<vmem>>, vector<16xf32>,
      tpu.vector_store_idx %arg8[%select_n3A, %select_n3A_155, %parallel_loop3A_774], %parallel_loop3A_777 : memref<8x8x145xf32, #tpu.memory_space<vmem>>[vector<16xi32>, vector<16xi32>, vector<16xi32>], vector<16xf32>,
      %parallel_loop3A_778 = arith.index_cast %parallel_loop3A_773 : i32 to index
      %parallel_loop3A_779 = arith.constant 16 : index
      %parallel_loop3A_780 = tpu.vector_load %arg6[%parallel_loop3A_778, %parallel_loop3A_779] {strides = array<i32>} : memref<128x64xf32, #tpu.memory_space<vmem>>, vector<16xf32>,
      tpu.vector_store_idx %arg8[%select_n3A_64, %select_n3A_180, %parallel_loop3A_774], %parallel_loop3A_780 : memref<8x8x145xf32, #tpu.memory_space<vmem>>[vector<16xi32>, vector<16xi32>, vector<16xi32>], vector<16xf32>,
      %parallel_loop3A_781 = arith.index_cast %parallel_loop3A_773 : i32 to index
      %parallel_loop3A_782 = arith.constant 32 : index
      %parallel_loop3A_783 = tpu.vector_load %arg6[%parallel_loop3A_781, %parallel_loop3A_782] {strides = array<i32>} : memref<128x64xf32, #tpu.memory_space<vmem>>, vector<16xf32>,
      tpu.vector_store_idx %arg8[%select_n3A_98, %select_n3A_205, %parallel_loop3A_774], %parallel_loop3A_783 : memref<8x8x145xf32, #tpu.memory_space<vmem>>[vector<16xi32>, vector<16xi32>, vector<16xi32>], vector<16xf32>,
      %parallel_loop3A_784 = arith.index_cast %parallel_loop3A_773 : i32 to index
      %parallel_loop3A_785 = arith.constant 48 : index
      %parallel_loop3A_786 = tpu.vector_load %arg6[%parallel_loop3A_784, %parallel_loop3A_785] {strides = array<i32>} : memref<128x64xf32, #tpu.memory_space<vmem>>, vector<16xf32>,
      tpu.vector_store_idx %arg8[%select_n3A_132, %select_n3A_230, %parallel_loop3A_774], %parallel_loop3A_786 : memref<8x8x145xf32, #tpu.memory_space<vmem>>[vector<16xi32>, vector<16xi32>, vector<16xi32>], vector<16xf32>,
    } {sc.loop_unroll_factor = 8 : i64, sc.parallel_access}
    %add3A_249 = arith.constant 0 : i32
    %add3A_250 = arith.addi %mul3A_2, %add3A_249 : i32
    %jit3A_251 = arith.constant 128 : i32
    %div3A_252 = arith.divsi %add3A_250, %jit3A_251 : i32
    %sign3A_253 = arith.constant 0 : i32
    %sign3A_254 = arith.cmpi sgt, %add3A_250, %sign3A_253 : i32
    %sign3A_255 = arith.extui %sign3A_254 : i1 to i32
    %sign3A_256 = arith.constant 0 : i32
    %sign3A_257 = arith.cmpi slt, %add3A_250, %sign3A_256 : i32
    %sign3A_258 = arith.extui %sign3A_257 : i1 to i32
    %sign3A_259 = arith.subi %sign3A_255, %sign3A_258 : i32
    %sign3A_260 = arith.constant 0 : i32
    %sign3A_261 = arith.cmpi sgt, %jit3A_251, %sign3A_260 : i32
    %sign3A_262 = arith.extui %sign3A_261 : i1 to i32
    %sign3A_263 = arith.constant 0 : i32
    %sign3A_264 = arith.cmpi slt, %jit3A_251, %sign3A_263 : i32
    %sign3A_265 = arith.extui %sign3A_264 : i1 to i32
    %sign3A_266 = arith.subi %sign3A_262, %sign3A_265 : i32
    %ne3A_267 = arith.cmpi ne, %sign3A_259, %sign3A_266 : i32
    %rem3A_268 = arith.remsi %add3A_250, %jit3A_251 : i32
    %ne3A_269 = arith.constant 0 : i32
    %ne3A_270 = arith.cmpi ne, %rem3A_268, %ne3A_269 : i32
    %and3A_271 = arith.andi %ne3A_267, %ne3A_270 : i1
    %sub3A_272 = arith.constant 1 : i32
    %sub3A_273 = arith.subi %div3A_252, %sub3A_272 : i32
    %select_n3A_274 = arith.select %and3A_271, %sub3A_273, %div3A_252 : i32
    %jit3A_275 = arith.constant 128 : i32
    %eq3A_276 = arith.constant 0 : i32
    %eq3A_277 = arith.cmpi eq, %jit3A_275, %eq3A_276 : i32
    %jit3A_278 = arith.constant 1 : i32
    %select_n3A_279 = arith.select %eq3A_277, %jit3A_278, %jit3A_275 : i32
    %rem3A_280 = arith.remsi %add3A_250, %select_n3A_279 : i32
    %ne3A_281 = arith.constant 0 : i32
    %ne3A_282 = arith.cmpi ne, %rem3A_280, %ne3A_281 : i32
    %lt3A_283 = arith.constant 0 : i32
    %lt3A_284 = arith.cmpi slt, %rem3A_280, %lt3A_283 : i32
    %lt3A_285 = arith.constant 0 : i32
    %lt3A_286 = arith.cmpi slt, %select_n3A_279, %lt3A_285 : i32
    %ne3A_287 = arith.xori %lt3A_284, %lt3A_286 : i1
    %and3A_288 = arith.andi %ne3A_287, %ne3A_282 : i1
    %add3A_289 = arith.addi %rem3A_280, %select_n3A_279 : i32
    %select_n3A_290 = arith.select %and3A_288, %add3A_289, %rem3A_280 : i32
    %dma_start3A_291 = arith.constant 0 : i32
    %dma_start3A_292 = arith.constant 0 : i32
    %dma_start3A_293 = arith.constant 0 : i32
    %dma_start3A_294 = tpu.memref_slice %arg8[%dma_start3A_291, %dma_start3A_292, %dma_start3A_293] : memref<8x8x145xf32, #tpu.memory_space<vmem>> -> memref<8x8x128xf32, #tpu.memory_space<vmem>>
    %dma_start3A_295 = arith.constant 0 : i32
    %dma_start3A_296 = arith.constant 0 : i32
    %dma_start3A_297 = arith.constant 0 : i32
    %dma_start3A_298 = tpu.memref_slice %arg4[%select_n3A_274, %dma_start3A_295, %select_n3A_290, %dma_start3A_296, %dma_start3A_297] : memref<50x8x128x8x128xf32, #tpu.memory_space<hbm>> -> memref<1x8x1x8x128xf32, #tpu.memory_space<hbm>>
    %dma_start3A_299 = tpu.memref_squeeze %dma_start3A_298 : memref<1x8x1x8x128xf32, #tpu.memory_space<hbm>> -> memref<8x8x128xf32, #tpu.memory_space<hbm>>
    %dma_start3A_300 = arith.constant 0 : i32
    %dma_start3A_301 = arith.constant 0 : i32
    %dma_start3A_302 = arith.constant 0 : i32
    %dma_start3A_303 = tpu.memref_slice %arg4[%select_n3A_274, %dma_start3A_300, %select_n3A_290, %dma_start3A_301, %dma_start3A_302] : memref<50x8x128x8x128xf32, #tpu.memory_space<hbm>> -> memref<1x8x1x8x128xf32, #tpu.memory_space<hbm>>
    %dma_start3A_304 = tpu.memref_squeeze %dma_start3A_303 : memref<1x8x1x8x128xf32, #tpu.memory_space<hbm>> -> memref<8x8x128xf32, #tpu.memory_space<hbm>>
    %dma_start3A_305 = arith.constant 0 : i32
    %dma_start3A_306 = arith.constant 0 : i32
    %dma_start3A_307 = arith.constant 0 : i32
    %dma_start3A_308 = tpu.memref_slice %arg8[%dma_start3A_305, %dma_start3A_306, %dma_start3A_307] : memref<8x8x145xf32, #tpu.memory_space<vmem>> -> memref<8x8x128xf32, #tpu.memory_space<vmem>>
    tpu.enqueue_dma source(%dma_start3A_308 : memref<8x8x128xf32, #tpu.memory_space<vmem>>) target(%dma_start3A_304 : memref<8x8x128xf32, #tpu.memory_space<hbm>>) target_semaphore(%arg12 : memref<!tpu.dma_semaphore, #tpu.memory_space<semaphore_mem>>)
    %multiple_of3A_309 = arith.constant 256 : i32
    %multiple_of3A_310 = tpu.assume_multiple %multiple_of3A_309, 8 : i32
    %dma_start3A_311 = tpu.memref_slice %arg5[%multiple_of3A_310] : memref<25600xi32, #tpu.memory_space<vmem>> -> memref<128xi32, #tpu.memory_space<vmem>>
    %dma_start3A_312 = arith.constant 0 : i32
    %dma_start3A_313 = arith.constant 0 : i32
    %dma_start3A_314 = tpu.memref_slice %arg3[%dma_start3A_312, %dma_start3A_313] : memref<1000000x64xf32, #tpu.memory_space<hbm>> -> memref<1000000x64xf32, #tpu.memory_space<hbm>>
    tpu.enqueue_indirect_dma source(%dma_start3A_314 : memref<1000000x64xf32, #tpu.memory_space<hbm>>) target(%arg6 : memref<128x64xf32, #tpu.memory_space<vmem>>) offsets(%dma_start3A_311 : memref<128xi32, #tpu.memory_space<vmem>>) semaphore(%arg10 : memref<!tpu.dma_semaphore, #tpu.memory_space<semaphore_mem>>)
    %multiple_of3A_315 = arith.constant 128 : i32
    %multiple_of3A_316 = tpu.assume_multiple %multiple_of3A_315, 8 : i32
    %dma_wait3A_317 = tpu.memref_slice %arg5[%multiple_of3A_316] : memref<25600xi32, #tpu.memory_space<vmem>> -> memref<128xi32, #tpu.memory_space<vmem>>
    %dma_wait3A_318 = arith.constant 0 : i32
    %dma_wait3A_319 = arith.constant 0 : i32
    %dma_wait3A_320 = tpu.memref_slice %arg3[%dma_wait3A_318, %dma_wait3A_319] : memref<1000000x64xf32, #tpu.memory_space<hbm>> -> memref<1000000x64xf32, #tpu.memory_space<hbm>>
    tpu.wait_indirect_dma semaphore(%arg11 : memref<!tpu.dma_semaphore, #tpu.memory_space<semaphore_mem>>) src(%dma_wait3A_320 : memref<1000000x64xf32, #tpu.memory_space<hbm>>) dst(%arg7 : memref<128x64xf32, #tpu.memory_space<vmem>>)
    %parallel_loop3A_321 = arith.constant 0 : i32
    %parallel_loop3A_322 = arith.constant 128 : i32
    %parallel_loop3A_323 = arith.constant 1 : i32
    scf.for %parallel_loop3A_773 = %parallel_loop3A_321 to %parallel_loop3A_322 step %parallel_loop3A_323  : i32 {
      %parallel_loop3A_774 = vector.broadcast %parallel_loop3A_773 : i32 to vector<16xi32>
      %parallel_loop3A_775 = arith.index_cast %parallel_loop3A_773 : i32 to index
      %parallel_loop3A_776 = arith.constant 0 : index
      %parallel_loop3A_777 = tpu.vector_load %arg7[%parallel_loop3A_775, %parallel_loop3A_776] {strides = array<i32>} : memref<128x64xf32, #tpu.memory_space<vmem>>, vector<16xf32>,
      tpu.vector_store_idx %arg9[%select_n3A, %select_n3A_155, %parallel_loop3A_774], %parallel_loop3A_777 : memref<8x8x145xf32, #tpu.memory_space<vmem>>[vector<16xi32>, vector<16xi32>, vector<16xi32>], vector<16xf32>,
      %parallel_loop3A_778 = arith.index_cast %parallel_loop3A_773 : i32 to index
      %parallel_loop3A_779 = arith.constant 16 : index
      %parallel_loop3A_780 = tpu.vector_load %arg7[%parallel_loop3A_778, %parallel_loop3A_779] {strides = array<i32>} : memref<128x64xf32, #tpu.memory_space<vmem>>, vector<16xf32>,
      tpu.vector_store_idx %arg9[%select_n3A_64, %select_n3A_180, %parallel_loop3A_774], %parallel_loop3A_780 : memref<8x8x145xf32, #tpu.memory_space<vmem>>[vector<16xi32>, vector<16xi32>, vector<16xi32>], vector<16xf32>,
      %parallel_loop3A_781 = arith.index_cast %parallel_loop3A_773 : i32 to index
      %parallel_loop3A_782 = arith.constant 32 : index
      %parallel_loop3A_783 = tpu.vector_load %arg7[%parallel_loop3A_781, %parallel_loop3A_782] {strides = array<i32>} : memref<128x64xf32, #tpu.memory_space<vmem>>, vector<16xf32>,
      tpu.vector_store_idx %arg9[%select_n3A_98, %select_n3A_205, %parallel_loop3A_774], %parallel_loop3A_783 : memref<8x8x145xf32, #tpu.memory_space<vmem>>[vector<16xi32>, vector<16xi32>, vector<16xi32>], vector<16xf32>,
      %parallel_loop3A_784 = arith.index_cast %parallel_loop3A_773 : i32 to index
      %parallel_loop3A_785 = arith.constant 48 : index
      %parallel_loop3A_786 = tpu.vector_load %arg7[%parallel_loop3A_784, %parallel_loop3A_785] {strides = array<i32>} : memref<128x64xf32, #tpu.memory_space<vmem>>, vector<16xf32>,
      tpu.vector_store_idx %arg9[%select_n3A_132, %select_n3A_230, %parallel_loop3A_774], %parallel_loop3A_786 : memref<8x8x145xf32, #tpu.memory_space<vmem>>[vector<16xi32>, vector<16xi32>, vector<16xi32>], vector<16xf32>,
    } {sc.loop_unroll_factor = 8 : i64, sc.parallel_access}
    %add3A_324 = arith.constant 1 : i32
    %add3A_325 = arith.addi %mul3A_2, %add3A_324 : i32
    %jit3A_326 = arith.constant 128 : i32
    %div3A_327 = arith.divsi %add3A_325, %jit3A_326 : i32
    %sign3A_328 = arith.constant 0 : i32
    %sign3A_329 = arith.cmpi sgt, %add3A_325, %sign3A_328 : i32
    %sign3A_330 = arith.extui %sign3A_329 : i1 to i32
    %sign3A_331 = arith.constant 0 : i32
    %sign3A_332 = arith.cmpi slt, %add3A_325, %sign3A_331 : i32
    %sign3A_333 = arith.extui %sign3A_332 : i1 to i32
    %sign3A_334 = arith.subi %sign3A_330, %sign3A_333 : i32
    %sign3A_335 = arith.constant 0 : i32
    %sign3A_336 = arith.cmpi sgt, %jit3A_326, %sign3A_335 : i32
    %sign3A_337 = arith.extui %sign3A_336 : i1 to i32
    %sign3A_338 = arith.constant 0 : i32
    %sign3A_339 = arith.cmpi slt, %jit3A_326, %sign3A_338 : i32
    %sign3A_340 = arith.extui %sign3A_339 : i1 to i32
    %sign3A_341 = arith.subi %sign3A_337, %sign3A_340 : i32
    %ne3A_342 = arith.cmpi ne, %sign3A_334, %sign3A_341 : i32
    %rem3A_343 = arith.remsi %add3A_325, %jit3A_326 : i32
    %ne3A_344 = arith.constant 0 : i32
    %ne3A_345 = arith.cmpi ne, %rem3A_343, %ne3A_344 : i32
    %and3A_346 = arith.andi %ne3A_342, %ne3A_345 : i1
    %sub3A_347 = arith.constant 1 : i32
    %sub3A_348 = arith.subi %div3A_327, %sub3A_347 : i32
    %select_n3A_349 = arith.select %and3A_346, %sub3A_348, %div3A_327 : i32
    %jit3A_350 = arith.constant 128 : i32
    %eq3A_351 = arith.constant 0 : i32
    %eq3A_352 = arith.cmpi eq, %jit3A_350, %eq3A_351 : i32
    %jit3A_353 = arith.constant 1 : i32
    %select_n3A_354 = arith.select %eq3A_352, %jit3A_353, %jit3A_350 : i32
    %rem3A_355 = arith.remsi %add3A_325, %select_n3A_354 : i32
    %ne3A_356 = arith.constant 0 : i32
    %ne3A_357 = arith.cmpi ne, %rem3A_355, %ne3A_356 : i32
    %lt3A_358 = arith.constant 0 : i32
    %lt3A_359 = arith.cmpi slt, %rem3A_355, %lt3A_358 : i32
    %lt3A_360 = arith.constant 0 : i32
    %lt3A_361 = arith.cmpi slt, %select_n3A_354, %lt3A_360 : i32
    %ne3A_362 = arith.xori %lt3A_359, %lt3A_361 : i1
    %and3A_363 = arith.andi %ne3A_362, %ne3A_357 : i1
    %add3A_364 = arith.addi %rem3A_355, %select_n3A_354 : i32
    %select_n3A_365 = arith.select %and3A_363, %add3A_364, %rem3A_355 : i32
    %dma_start3A_366 = arith.constant 0 : i32
    %dma_start3A_367 = arith.constant 0 : i32
    %dma_start3A_368 = arith.constant 0 : i32
    %dma_start3A_369 = tpu.memref_slice %arg9[%dma_start3A_366, %dma_start3A_367, %dma_start3A_368] : memref<8x8x145xf32, #tpu.memory_space<vmem>> -> memref<8x8x128xf32, #tpu.memory_space<vmem>>
    %dma_start3A_370 = arith.constant 0 : i32
    %dma_start3A_371 = arith.constant 0 : i32
    %dma_start3A_372 = arith.constant 0 : i32
    %dma_start3A_373 = tpu.memref_slice %arg4[%select_n3A_349, %dma_start3A_370, %select_n3A_365, %dma_start3A_371, %dma_start3A_372] : memref<50x8x128x8x128xf32, #tpu.memory_space<hbm>> -> memref<1x8x1x8x128xf32, #tpu.memory_space<hbm>>
    %dma_start3A_374 = tpu.memref_squeeze %dma_start3A_373 : memref<1x8x1x8x128xf32, #tpu.memory_space<hbm>> -> memref<8x8x128xf32, #tpu.memory_space<hbm>>
    %dma_start3A_375 = arith.constant 0 : i32
    %dma_start3A_376 = arith.constant 0 : i32
    %dma_start3A_377 = arith.constant 0 : i32
    %dma_start3A_378 = tpu.memref_slice %arg4[%select_n3A_349, %dma_start3A_375, %select_n3A_365, %dma_start3A_376, %dma_start3A_377] : memref<50x8x128x8x128xf32, #tpu.memory_space<hbm>> -> memref<1x8x1x8x128xf32, #tpu.memory_space<hbm>>
    %dma_start3A_379 = tpu.memref_squeeze %dma_start3A_378 : memref<1x8x1x8x128xf32, #tpu.memory_space<hbm>> -> memref<8x8x128xf32, #tpu.memory_space<hbm>>
    %dma_start3A_380 = arith.constant 0 : i32
    %dma_start3A_381 = arith.constant 0 : i32
    %dma_start3A_382 = arith.constant 0 : i32
    %dma_start3A_383 = tpu.memref_slice %arg9[%dma_start3A_380, %dma_start3A_381, %dma_start3A_382] : memref<8x8x145xf32, #tpu.memory_space<vmem>> -> memref<8x8x128xf32, #tpu.memory_space<vmem>>
    tpu.enqueue_dma source(%dma_start3A_383 : memref<8x8x128xf32, #tpu.memory_space<vmem>>) target(%dma_start3A_379 : memref<8x8x128xf32, #tpu.memory_space<hbm>>) target_semaphore(%arg13 : memref<!tpu.dma_semaphore, #tpu.memory_space<semaphore_mem>>)
    %multiple_of3A_384 = arith.constant 384 : i32
    %multiple_of3A_385 = tpu.assume_multiple %multiple_of3A_384, 8 : i32
    %dma_start3A_386 = tpu.memref_slice %arg5[%multiple_of3A_385] : memref<25600xi32, #tpu.memory_space<vmem>> -> memref<128xi32, #tpu.memory_space<vmem>>
    %dma_start3A_387 = arith.constant 0 : i32
    %dma_start3A_388 = arith.constant 0 : i32
    %dma_start3A_389 = tpu.memref_slice %arg3[%dma_start3A_387, %dma_start3A_388] : memref<1000000x64xf32, #tpu.memory_space<hbm>> -> memref<1000000x64xf32, #tpu.memory_space<hbm>>
    tpu.enqueue_indirect_dma source(%dma_start3A_389 : memref<1000000x64xf32, #tpu.memory_space<hbm>>) target(%arg7 : memref<128x64xf32, #tpu.memory_space<vmem>>) offsets(%dma_start3A_386 : memref<128xi32, #tpu.memory_space<vmem>>) semaphore(%arg11 : memref<!tpu.dma_semaphore, #tpu.memory_space<semaphore_mem>>)
    %scan3A = arith.constant 0 : i32
    %scan3A_390 = arith.constant 0 : i32
    %scan3A_391 = arith.constant 98 : i32
    %scan3A_392 = arith.addi %scan3A_390, %scan3A_391 : i32
    %scan3A_393 = arith.constant 1 : i32
    scf.for %scan3A_773 = %scan3A_390 to %scan3A_392 step %scan3A_393  : i32 {
      %mul3A_774 = arith.constant 2 : i32
      %mul3A_775 = arith.muli %mul3A_774, %scan3A_773 : i32
      %add3A_776 = arith.constant 2 : i32
      %add3A_777 = arith.addi %add3A_776, %mul3A_775 : i32
      %add3A_778 = arith.constant 0 : i32
      %add3A_779 = arith.addi %add3A_777, %add3A_778 : i32
      %mul3A_780 = arith.constant 128 : i32
      %mul3A_781 = arith.muli %add3A_779, %mul3A_780 : i32
      %multiple_of3A_782 = tpu.assume_multiple %mul3A_781, 8 : i32
      %dma_wait3A_783 = tpu.memref_slice %arg5[%multiple_of3A_782] : memref<25600xi32, #tpu.memory_space<vmem>> -> memref<128xi32, #tpu.memory_space<vmem>>
      %dma_wait3A_784 = arith.constant 0 : i32
      %dma_wait3A_785 = arith.constant 0 : i32
      %dma_wait3A_786 = tpu.memref_slice %arg3[%dma_wait3A_784, %dma_wait3A_785] : memref<1000000x64xf32, #tpu.memory_space<hbm>> -> memref<1000000x64xf32, #tpu.memory_space<hbm>>
      tpu.wait_indirect_dma semaphore(%arg10 : memref<!tpu.dma_semaphore, #tpu.memory_space<semaphore_mem>>) src(%dma_wait3A_786 : memref<1000000x64xf32, #tpu.memory_space<hbm>>) dst(%arg6 : memref<128x64xf32, #tpu.memory_space<vmem>>)
      %add3A_787 = arith.constant 0 : i32
      %add3A_788 = arith.addi %add3A_777, %add3A_787 : i32
      %sub3A_789 = arith.constant 2 : i32
      %sub3A_790 = arith.subi %add3A_788, %sub3A_789 : i32
      %add3A_791 = arith.addi %mul3A_2, %sub3A_790 : i32
      %jit3A_792 = arith.constant 128 : i32
      %div3A_793 = arith.divsi %add3A_791, %jit3A_792 : i32
      %sign3A_794 = arith.constant 0 : i32
      %sign3A_795 = arith.cmpi sgt, %add3A_791, %sign3A_794 : i32
      %sign3A_796 = arith.extui %sign3A_795 : i1 to i32
      %sign3A_797 = arith.constant 0 : i32
      %sign3A_798 = arith.cmpi slt, %add3A_791, %sign3A_797 : i32
      %sign3A_799 = arith.extui %sign3A_798 : i1 to i32
      %sign3A_800 = arith.subi %sign3A_796, %sign3A_799 : i32
      %sign3A_801 = arith.constant 0 : i32
      %sign3A_802 = arith.cmpi sgt, %jit3A_792, %sign3A_801 : i32
      %sign3A_803 = arith.extui %sign3A_802 : i1 to i32
      %sign3A_804 = arith.constant 0 : i32
      %sign3A_805 = arith.cmpi slt, %jit3A_792, %sign3A_804 : i32
      %sign3A_806 = arith.extui %sign3A_805 : i1 to i32
      %sign3A_807 = arith.subi %sign3A_803, %sign3A_806 : i32
      %ne3A_808 = arith.cmpi ne, %sign3A_800, %sign3A_807 : i32
      %rem3A_809 = arith.remsi %add3A_791, %jit3A_792 : i32
      %ne3A_810 = arith.constant 0 : i32
      %ne3A_811 = arith.cmpi ne, %rem3A_809, %ne3A_810 : i32
      %and3A_812 = arith.andi %ne3A_808, %ne3A_811 : i1
      %sub3A_813 = arith.constant 1 : i32
      %sub3A_814 = arith.subi %div3A_793, %sub3A_813 : i32
      %select_n3A_815 = arith.select %and3A_812, %sub3A_814, %div3A_793 : i32
      %jit3A_816 = arith.constant 128 : i32
      %eq3A_817 = arith.constant 0 : i32
      %eq3A_818 = arith.cmpi eq, %jit3A_816, %eq3A_817 : i32
      %jit3A_819 = arith.constant 1 : i32
      %select_n3A_820 = arith.select %eq3A_818, %jit3A_819, %jit3A_816 : i32
      %rem3A_821 = arith.remsi %add3A_791, %select_n3A_820 : i32
      %ne3A_822 = arith.constant 0 : i32
      %ne3A_823 = arith.cmpi ne, %rem3A_821, %ne3A_822 : i32
      %lt3A_824 = arith.constant 0 : i32
      %lt3A_825 = arith.cmpi slt, %rem3A_821, %lt3A_824 : i32
      %lt3A_826 = arith.constant 0 : i32
      %lt3A_827 = arith.cmpi slt, %select_n3A_820, %lt3A_826 : i32
      %ne3A_828 = arith.xori %lt3A_825, %lt3A_827 : i1
      %and3A_829 = arith.andi %ne3A_828, %ne3A_823 : i1
      %add3A_830 = arith.addi %rem3A_821, %select_n3A_820 : i32
      %select_n3A_831 = arith.select %and3A_829, %add3A_830, %rem3A_821 : i32
      %dma_wait3A_832 = arith.constant 0 : i32
      %dma_wait3A_833 = arith.constant 0 : i32
      %dma_wait3A_834 = arith.constant 0 : i32
      %dma_wait3A_835 = tpu.memref_slice %arg8[%dma_wait3A_832, %dma_wait3A_833, %dma_wait3A_834] : memref<8x8x145xf32, #tpu.memory_space<vmem>> -> memref<8x8x128xf32, #tpu.memory_space<vmem>>
      %dma_wait3A_836 = arith.constant 0 : i32
      %dma_wait3A_837 = arith.constant 0 : i32
      %dma_wait3A_838 = arith.constant 0 : i32
      %dma_wait3A_839 = tpu.memref_slice %arg4[%select_n3A_815, %dma_wait3A_836, %select_n3A_831, %dma_wait3A_837, %dma_wait3A_838] : memref<50x8x128x8x128xf32, #tpu.memory_space<hbm>> -> memref<1x8x1x8x128xf32, #tpu.memory_space<hbm>>
      %dma_wait3A_840 = tpu.memref_squeeze %dma_wait3A_839 : memref<1x8x1x8x128xf32, #tpu.memory_space<hbm>> -> memref<8x8x128xf32, #tpu.memory_space<hbm>>
      %dma_wait3A_841 = arith.constant 0 : i32
      %dma_wait3A_842 = arith.constant 0 : i32
      %dma_wait3A_843 = arith.constant 0 : i32
      %dma_wait3A_844 = tpu.memref_slice %arg4[%select_n3A_815, %dma_wait3A_841, %select_n3A_831, %dma_wait3A_842, %dma_wait3A_843] : memref<50x8x128x8x128xf32, #tpu.memory_space<hbm>> -> memref<1x8x1x8x128xf32, #tpu.memory_space<hbm>>
      %dma_wait3A_845 = tpu.memref_squeeze %dma_wait3A_844 : memref<1x8x1x8x128xf32, #tpu.memory_space<hbm>> -> memref<8x8x128xf32, #tpu.memory_space<hbm>>
      %dma_wait3A_846 = arith.constant 0 : i32
      %dma_wait3A_847 = arith.constant 0 : i32
      %dma_wait3A_848 = arith.constant 0 : i32
      %dma_wait3A_849 = tpu.memref_slice %arg8[%dma_wait3A_846, %dma_wait3A_847, %dma_wait3A_848] : memref<8x8x145xf32, #tpu.memory_space<vmem>> -> memref<8x8x128xf32, #tpu.memory_space<vmem>>
      tpu.wait_dma2 semaphore(%arg12 : memref<!tpu.dma_semaphore, #tpu.memory_space<semaphore_mem>>) src(%dma_wait3A_849 : memref<8x8x128xf32, #tpu.memory_space<vmem>>) dst(%dma_wait3A_845 : memref<8x8x128xf32, #tpu.memory_space<hbm>>)
      %parallel_loop3A_850 = arith.constant 0 : i32
      %parallel_loop3A_851 = arith.constant 128 : i32
      %parallel_loop3A_852 = arith.constant 1 : i32
      scf.for %parallel_loop3A_1072 = %parallel_loop3A_850 to %parallel_loop3A_851 step %parallel_loop3A_852  : i32 {
        %parallel_loop3A_1073 = vector.broadcast %parallel_loop3A_1072 : i32 to vector<16xi32>
        %parallel_loop3A_1074 = arith.index_cast %parallel_loop3A_1072 : i32 to index
        %parallel_loop3A_1075 = arith.constant 0 : index
        %parallel_loop3A_1076 = tpu.vector_load %arg6[%parallel_loop3A_1074, %parallel_loop3A_1075] {strides = array<i32>} : memref<128x64xf32, #tpu.memory_space<vmem>>, vector<16xf32>,
        tpu.vector_store_idx %arg8[%select_n3A, %select_n3A_155, %parallel_loop3A_1073], %parallel_loop3A_1076 : memref<8x8x145xf32, #tpu.memory_space<vmem>>[vector<16xi32>, vector<16xi32>, vector<16xi32>], vector<16xf32>,
        %parallel_loop3A_1077 = arith.index_cast %parallel_loop3A_1072 : i32 to index
        %parallel_loop3A_1078 = arith.constant 16 : index
        %parallel_loop3A_1079 = tpu.vector_load %arg6[%parallel_loop3A_1077, %parallel_loop3A_1078] {strides = array<i32>} : memref<128x64xf32, #tpu.memory_space<vmem>>, vector<16xf32>,
        tpu.vector_store_idx %arg8[%select_n3A_64, %select_n3A_180, %parallel_loop3A_1073], %parallel_loop3A_1079 : memref<8x8x145xf32, #tpu.memory_space<vmem>>[vector<16xi32>, vector<16xi32>, vector<16xi32>], vector<16xf32>,
        %parallel_loop3A_1080 = arith.index_cast %parallel_loop3A_1072 : i32 to index
        %parallel_loop3A_1081 = arith.constant 32 : index
        %parallel_loop3A_1082 = tpu.vector_load %arg6[%parallel_loop3A_1080, %parallel_loop3A_1081] {strides = array<i32>} : memref<128x64xf32, #tpu.memory_space<vmem>>, vector<16xf32>,
        tpu.vector_store_idx %arg8[%select_n3A_98, %select_n3A_205, %parallel_loop3A_1073], %parallel_loop3A_1082 : memref<8x8x145xf32, #tpu.memory_space<vmem>>[vector<16xi32>, vector<16xi32>, vector<16xi32>], vector<16xf32>,
        %parallel_loop3A_1083 = arith.index_cast %parallel_loop3A_1072 : i32 to index
        %parallel_loop3A_1084 = arith.constant 48 : index
        %parallel_loop3A_1085 = tpu.vector_load %arg6[%parallel_loop3A_1083, %parallel_loop3A_1084] {strides = array<i32>} : memref<128x64xf32, #tpu.memory_space<vmem>>, vector<16xf32>,
        tpu.vector_store_idx %arg8[%select_n3A_132, %select_n3A_230, %parallel_loop3A_1073], %parallel_loop3A_1085 : memref<8x8x145xf32, #tpu.memory_space<vmem>>[vector<16xi32>, vector<16xi32>, vector<16xi32>], vector<16xf32>,
      } {sc.loop_unroll_factor = 8 : i64, sc.parallel_access}
      %add3A_853 = arith.constant 0 : i32
      %add3A_854 = arith.addi %add3A_777, %add3A_853 : i32
      %add3A_855 = arith.addi %mul3A_2, %add3A_854 : i32
      %jit3A_856 = arith.constant 128 : i32
      %div3A_857 = arith.divsi %add3A_855, %jit3A_856 : i32
      %sign3A_858 = arith.constant 0 : i32
      %sign3A_859 = arith.cmpi sgt, %add3A_855, %sign3A_858 : i32
      %sign3A_860 = arith.extui %sign3A_859 : i1 to i32
      %sign3A_861 = arith.constant 0 : i32
      %sign3A_862 = arith.cmpi slt, %add3A_855, %sign3A_861 : i32
      %sign3A_863 = arith.extui %sign3A_862 : i1 to i32
      %sign3A_864 = arith.subi %sign3A_860, %sign3A_863 : i32
      %sign3A_865 = arith.constant 0 : i32
      %sign3A_866 = arith.cmpi sgt, %jit3A_856, %sign3A_865 : i32
      %sign3A_867 = arith.extui %sign3A_866 : i1 to i32
      %sign3A_868 = arith.constant 0 : i32
      %sign3A_869 = arith.cmpi slt, %jit3A_856, %sign3A_868 : i32
      %sign3A_870 = arith.extui %sign3A_869 : i1 to i32
      %sign3A_871 = arith.subi %sign3A_867, %sign3A_870 : i32
      %ne3A_872 = arith.cmpi ne, %sign3A_864, %sign3A_871 : i32
      %rem3A_873 = arith.remsi %add3A_855, %jit3A_856 : i32
      %ne3A_874 = arith.constant 0 : i32
      %ne3A_875 = arith.cmpi ne, %rem3A_873, %ne3A_874 : i32
      %and3A_876 = arith.andi %ne3A_872, %ne3A_875 : i1
      %sub3A_877 = arith.constant 1 : i32
      %sub3A_878 = arith.subi %div3A_857, %sub3A_877 : i32
      %select_n3A_879 = arith.select %and3A_876, %sub3A_878, %div3A_857 : i32
      %jit3A_880 = arith.constant 128 : i32
      %eq3A_881 = arith.constant 0 : i32
      %eq3A_882 = arith.cmpi eq, %jit3A_880, %eq3A_881 : i32
      %jit3A_883 = arith.constant 1 : i32
      %select_n3A_884 = arith.select %eq3A_882, %jit3A_883, %jit3A_880 : i32
      %rem3A_885 = arith.remsi %add3A_855, %select_n3A_884 : i32
      %ne3A_886 = arith.constant 0 : i32
      %ne3A_887 = arith.cmpi ne, %rem3A_885, %ne3A_886 : i32
      %lt3A_888 = arith.constant 0 : i32
      %lt3A_889 = arith.cmpi slt, %rem3A_885, %lt3A_888 : i32
      %lt3A_890 = arith.constant 0 : i32
      %lt3A_891 = arith.cmpi slt, %select_n3A_884, %lt3A_890 : i32
      %ne3A_892 = arith.xori %lt3A_889, %lt3A_891 : i1
      %and3A_893 = arith.andi %ne3A_892, %ne3A_887 : i1
      %add3A_894 = arith.addi %rem3A_885, %select_n3A_884 : i32
      %select_n3A_895 = arith.select %and3A_893, %add3A_894, %rem3A_885 : i32
      %dma_start3A_896 = arith.constant 0 : i32
      %dma_start3A_897 = arith.constant 0 : i32
      %dma_start3A_898 = arith.constant 0 : i32
      %dma_start3A_899 = tpu.memref_slice %arg8[%dma_start3A_896, %dma_start3A_897, %dma_start3A_898] : memref<8x8x145xf32, #tpu.memory_space<vmem>> -> memref<8x8x128xf32, #tpu.memory_space<vmem>>
      %dma_start3A_900 = arith.constant 0 : i32
      %dma_start3A_901 = arith.constant 0 : i32
      %dma_start3A_902 = arith.constant 0 : i32
      %dma_start3A_903 = tpu.memref_slice %arg4[%select_n3A_879, %dma_start3A_900, %select_n3A_895, %dma_start3A_901, %dma_start3A_902] : memref<50x8x128x8x128xf32, #tpu.memory_space<hbm>> -> memref<1x8x1x8x128xf32, #tpu.memory_space<hbm>>
      %dma_start3A_904 = tpu.memref_squeeze %dma_start3A_903 : memref<1x8x1x8x128xf32, #tpu.memory_space<hbm>> -> memref<8x8x128xf32, #tpu.memory_space<hbm>>
      %dma_start3A_905 = arith.constant 0 : i32
      %dma_start3A_906 = arith.constant 0 : i32
      %dma_start3A_907 = arith.constant 0 : i32
      %dma_start3A_908 = tpu.memref_slice %arg4[%select_n3A_879, %dma_start3A_905, %select_n3A_895, %dma_start3A_906, %dma_start3A_907] : memref<50x8x128x8x128xf32, #tpu.memory_space<hbm>> -> memref<1x8x1x8x128xf32, #tpu.memory_space<hbm>>
      %dma_start3A_909 = tpu.memref_squeeze %dma_start3A_908 : memref<1x8x1x8x128xf32, #tpu.memory_space<hbm>> -> memref<8x8x128xf32, #tpu.memory_space<hbm>>
      %dma_start3A_910 = arith.constant 0 : i32
      %dma_start3A_911 = arith.constant 0 : i32
      %dma_start3A_912 = arith.constant 0 : i32
      %dma_start3A_913 = tpu.memref_slice %arg8[%dma_start3A_910, %dma_start3A_911, %dma_start3A_912] : memref<8x8x145xf32, #tpu.memory_space<vmem>> -> memref<8x8x128xf32, #tpu.memory_space<vmem>>
      tpu.enqueue_dma source(%dma_start3A_913 : memref<8x8x128xf32, #tpu.memory_space<vmem>>) target(%dma_start3A_909 : memref<8x8x128xf32, #tpu.memory_space<hbm>>) target_semaphore(%arg12 : memref<!tpu.dma_semaphore, #tpu.memory_space<semaphore_mem>>)
      %add3A_914 = arith.constant 0 : i32
      %add3A_915 = arith.addi %add3A_777, %add3A_914 : i32
      %add3A_916 = arith.constant 2 : i32
      %add3A_917 = arith.addi %add3A_915, %add3A_916 : i32
      %mul3A_918 = arith.constant 128 : i32
      %mul3A_919 = arith.muli %add3A_917, %mul3A_918 : i32
      %multiple_of3A_920 = tpu.assume_multiple %mul3A_919, 8 : i32
      %dma_start3A_921 = tpu.memref_slice %arg5[%multiple_of3A_920] : memref<25600xi32, #tpu.memory_space<vmem>> -> memref<128xi32, #tpu.memory_space<vmem>>
      %dma_start3A_922 = arith.constant 0 : i32
      %dma_start3A_923 = arith.constant 0 : i32
      %dma_start3A_924 = tpu.memref_slice %arg3[%dma_start3A_922, %dma_start3A_923] : memref<1000000x64xf32, #tpu.memory_space<hbm>> -> memref<1000000x64xf32, #tpu.memory_space<hbm>>
      tpu.enqueue_indirect_dma source(%dma_start3A_924 : memref<1000000x64xf32, #tpu.memory_space<hbm>>) target(%arg6 : memref<128x64xf32, #tpu.memory_space<vmem>>) offsets(%dma_start3A_921 : memref<128xi32, #tpu.memory_space<vmem>>) semaphore(%arg10 : memref<!tpu.dma_semaphore, #tpu.memory_space<semaphore_mem>>)
      %add3A_925 = arith.constant 1 : i32
      %add3A_926 = arith.addi %add3A_777, %add3A_925 : i32
      %mul3A_927 = arith.constant 128 : i32
      %mul3A_928 = arith.muli %add3A_926, %mul3A_927 : i32
      %multiple_of3A_929 = tpu.assume_multiple %mul3A_928, 8 : i32
      %dma_wait3A_930 = tpu.memref_slice %arg5[%multiple_of3A_929] : memref<25600xi32, #tpu.memory_space<vmem>> -> memref<128xi32, #tpu.memory_space<vmem>>
      %dma_wait3A_931 = arith.constant 0 : i32
      %dma_wait3A_932 = arith.constant 0 : i32
      %dma_wait3A_933 = tpu.memref_slice %arg3[%dma_wait3A_931, %dma_wait3A_932] : memref<1000000x64xf32, #tpu.memory_space<hbm>> -> memref<1000000x64xf32, #tpu.memory_space<hbm>>
      tpu.wait_indirect_dma semaphore(%arg11 : memref<!tpu.dma_semaphore, #tpu.memory_space<semaphore_mem>>) src(%dma_wait3A_933 : memref<1000000x64xf32, #tpu.memory_space<hbm>>) dst(%arg7 : memref<128x64xf32, #tpu.memory_space<vmem>>)
      %add3A_934 = arith.constant 1 : i32
      %add3A_935 = arith.addi %add3A_777, %add3A_934 : i32
      %sub3A_936 = arith.constant 2 : i32
      %sub3A_937 = arith.subi %add3A_935, %sub3A_936 : i32
      %add3A_938 = arith.addi %mul3A_2, %sub3A_937 : i32
      %jit3A_939 = arith.constant 128 : i32
      %div3A_940 = arith.divsi %add3A_938, %jit3A_939 : i32
      %sign3A_941 = arith.constant 0 : i32
      %sign3A_942 = arith.cmpi sgt, %add3A_938, %sign3A_941 : i32
      %sign3A_943 = arith.extui %sign3A_942 : i1 to i32
      %sign3A_944 = arith.constant 0 : i32
      %sign3A_945 = arith.cmpi slt, %add3A_938, %sign3A_944 : i32
      %sign3A_946 = arith.extui %sign3A_945 : i1 to i32
      %sign3A_947 = arith.subi %sign3A_943, %sign3A_946 : i32
      %sign3A_948 = arith.constant 0 : i32
      %sign3A_949 = arith.cmpi sgt, %jit3A_939, %sign3A_948 : i32
      %sign3A_950 = arith.extui %sign3A_949 : i1 to i32
      %sign3A_951 = arith.constant 0 : i32
      %sign3A_952 = arith.cmpi slt, %jit3A_939, %sign3A_951 : i32
      %sign3A_953 = arith.extui %sign3A_952 : i1 to i32
      %sign3A_954 = arith.subi %sign3A_950, %sign3A_953 : i32
      %ne3A_955 = arith.cmpi ne, %sign3A_947, %sign3A_954 : i32
      %rem3A_956 = arith.remsi %add3A_938, %jit3A_939 : i32
      %ne3A_957 = arith.constant 0 : i32
      %ne3A_958 = arith.cmpi ne, %rem3A_956, %ne3A_957 : i32
      %and3A_959 = arith.andi %ne3A_955, %ne3A_958 : i1
      %sub3A_960 = arith.constant 1 : i32
      %sub3A_961 = arith.subi %div3A_940, %sub3A_960 : i32
      %select_n3A_962 = arith.select %and3A_959, %sub3A_961, %div3A_940 : i32
      %jit3A_963 = arith.constant 128 : i32
      %eq3A_964 = arith.constant 0 : i32
      %eq3A_965 = arith.cmpi eq, %jit3A_963, %eq3A_964 : i32
      %jit3A_966 = arith.constant 1 : i32
      %select_n3A_967 = arith.select %eq3A_965, %jit3A_966, %jit3A_963 : i32
      %rem3A_968 = arith.remsi %add3A_938, %select_n3A_967 : i32
      %ne3A_969 = arith.constant 0 : i32
      %ne3A_970 = arith.cmpi ne, %rem3A_968, %ne3A_969 : i32
      %lt3A_971 = arith.constant 0 : i32
      %lt3A_972 = arith.cmpi slt, %rem3A_968, %lt3A_971 : i32
      %lt3A_973 = arith.constant 0 : i32
      %lt3A_974 = arith.cmpi slt, %select_n3A_967, %lt3A_973 : i32
      %ne3A_975 = arith.xori %lt3A_972, %lt3A_974 : i1
      %and3A_976 = arith.andi %ne3A_975, %ne3A_970 : i1
      %add3A_977 = arith.addi %rem3A_968, %select_n3A_967 : i32
      %select_n3A_978 = arith.select %and3A_976, %add3A_977, %rem3A_968 : i32
      %dma_wait3A_979 = arith.constant 0 : i32
      %dma_wait3A_980 = arith.constant 0 : i32
      %dma_wait3A_981 = arith.constant 0 : i32
      %dma_wait3A_982 = tpu.memref_slice %arg9[%dma_wait3A_979, %dma_wait3A_980, %dma_wait3A_981] : memref<8x8x145xf32, #tpu.memory_space<vmem>> -> memref<8x8x128xf32, #tpu.memory_space<vmem>>
      %dma_wait3A_983 = arith.constant 0 : i32
      %dma_wait3A_984 = arith.constant 0 : i32
      %dma_wait3A_985 = arith.constant 0 : i32
      %dma_wait3A_986 = tpu.memref_slice %arg4[%select_n3A_962, %dma_wait3A_983, %select_n3A_978, %dma_wait3A_984, %dma_wait3A_985] : memref<50x8x128x8x128xf32, #tpu.memory_space<hbm>> -> memref<1x8x1x8x128xf32, #tpu.memory_space<hbm>>
      %dma_wait3A_987 = tpu.memref_squeeze %dma_wait3A_986 : memref<1x8x1x8x128xf32, #tpu.memory_space<hbm>> -> memref<8x8x128xf32, #tpu.memory_space<hbm>>
      %dma_wait3A_988 = arith.constant 0 : i32
      %dma_wait3A_989 = arith.constant 0 : i32
      %dma_wait3A_990 = arith.constant 0 : i32
      %dma_wait3A_991 = tpu.memref_slice %arg4[%select_n3A_962, %dma_wait3A_988, %select_n3A_978, %dma_wait3A_989, %dma_wait3A_990] : memref<50x8x128x8x128xf32, #tpu.memory_space<hbm>> -> memref<1x8x1x8x128xf32, #tpu.memory_space<hbm>>
      %dma_wait3A_992 = tpu.memref_squeeze %dma_wait3A_991 : memref<1x8x1x8x128xf32, #tpu.memory_space<hbm>> -> memref<8x8x128xf32, #tpu.memory_space<hbm>>
      %dma_wait3A_993 = arith.constant 0 : i32
      %dma_wait3A_994 = arith.constant 0 : i32
      %dma_wait3A_995 = arith.constant 0 : i32
      %dma_wait3A_996 = tpu.memref_slice %arg9[%dma_wait3A_993, %dma_wait3A_994, %dma_wait3A_995] : memref<8x8x145xf32, #tpu.memory_space<vmem>> -> memref<8x8x128xf32, #tpu.memory_space<vmem>>
      tpu.wait_dma2 semaphore(%arg13 : memref<!tpu.dma_semaphore, #tpu.memory_space<semaphore_mem>>) src(%dma_wait3A_996 : memref<8x8x128xf32, #tpu.memory_space<vmem>>) dst(%dma_wait3A_992 : memref<8x8x128xf32, #tpu.memory_space<hbm>>)
      %parallel_loop3A_997 = arith.constant 0 : i32
      %parallel_loop3A_998 = arith.constant 128 : i32
      %parallel_loop3A_999 = arith.constant 1 : i32
      scf.for %parallel_loop3A_1072 = %parallel_loop3A_997 to %parallel_loop3A_998 step %parallel_loop3A_999  : i32 {
        %parallel_loop3A_1073 = vector.broadcast %parallel_loop3A_1072 : i32 to vector<16xi32>
        %parallel_loop3A_1074 = arith.index_cast %parallel_loop3A_1072 : i32 to index
        %parallel_loop3A_1075 = arith.constant 0 : index
        %parallel_loop3A_1076 = tpu.vector_load %arg7[%parallel_loop3A_1074, %parallel_loop3A_1075] {strides = array<i32>} : memref<128x64xf32, #tpu.memory_space<vmem>>, vector<16xf32>,
        tpu.vector_store_idx %arg9[%select_n3A, %select_n3A_155, %parallel_loop3A_1073], %parallel_loop3A_1076 : memref<8x8x145xf32, #tpu.memory_space<vmem>>[vector<16xi32>, vector<16xi32>, vector<16xi32>], vector<16xf32>,
        %parallel_loop3A_1077 = arith.index_cast %parallel_loop3A_1072 : i32 to index
        %parallel_loop3A_1078 = arith.constant 16 : index
        %parallel_loop3A_1079 = tpu.vector_load %arg7[%parallel_loop3A_1077, %parallel_loop3A_1078] {strides = array<i32>} : memref<128x64xf32, #tpu.memory_space<vmem>>, vector<16xf32>,
        tpu.vector_store_idx %arg9[%select_n3A_64, %select_n3A_180, %parallel_loop3A_1073], %parallel_loop3A_1079 : memref<8x8x145xf32, #tpu.memory_space<vmem>>[vector<16xi32>, vector<16xi32>, vector<16xi32>], vector<16xf32>,
        %parallel_loop3A_1080 = arith.index_cast %parallel_loop3A_1072 : i32 to index
        %parallel_loop3A_1081 = arith.constant 32 : index
        %parallel_loop3A_1082 = tpu.vector_load %arg7[%parallel_loop3A_1080, %parallel_loop3A_1081] {strides = array<i32>} : memref<128x64xf32, #tpu.memory_space<vmem>>, vector<16xf32>,
        tpu.vector_store_idx %arg9[%select_n3A_98, %select_n3A_205, %parallel_loop3A_1073], %parallel_loop3A_1082 : memref<8x8x145xf32, #tpu.memory_space<vmem>>[vector<16xi32>, vector<16xi32>, vector<16xi32>], vector<16xf32>,
        %parallel_loop3A_1083 = arith.index_cast %parallel_loop3A_1072 : i32 to index
        %parallel_loop3A_1084 = arith.constant 48 : index
        %parallel_loop3A_1085 = tpu.vector_load %arg7[%parallel_loop3A_1083, %parallel_loop3A_1084] {strides = array<i32>} : memref<128x64xf32, #tpu.memory_space<vmem>>, vector<16xf32>,
        tpu.vector_store_idx %arg9[%select_n3A_132, %select_n3A_230, %parallel_loop3A_1073], %parallel_loop3A_1085 : memref<8x8x145xf32, #tpu.memory_space<vmem>>[vector<16xi32>, vector<16xi32>, vector<16xi32>], vector<16xf32>,
      } {sc.loop_unroll_factor = 8 : i64, sc.parallel_access}
      %add3A_1000 = arith.constant 1 : i32
      %add3A_1001 = arith.addi %add3A_777, %add3A_1000 : i32
      %add3A_1002 = arith.addi %mul3A_2, %add3A_1001 : i32
      %jit3A_1003 = arith.constant 128 : i32
      %div3A_1004 = arith.divsi %add3A_1002, %jit3A_1003 : i32
      %sign3A_1005 = arith.constant 0 : i32
      %sign3A_1006 = arith.cmpi sgt, %add3A_1002, %sign3A_1005 : i32
      %sign3A_1007 = arith.extui %sign3A_1006 : i1 to i32
      %sign3A_1008 = arith.constant 0 : i32
      %sign3A_1009 = arith.cmpi slt, %add3A_1002, %sign3A_1008 : i32
      %sign3A_1010 = arith.extui %sign3A_1009 : i1 to i32
      %sign3A_1011 = arith.subi %sign3A_1007, %sign3A_1010 : i32
      %sign3A_1012 = arith.constant 0 : i32
      %sign3A_1013 = arith.cmpi sgt, %jit3A_1003, %sign3A_1012 : i32
      %sign3A_1014 = arith.extui %sign3A_1013 : i1 to i32
      %sign3A_1015 = arith.constant 0 : i32
      %sign3A_1016 = arith.cmpi slt, %jit3A_1003, %sign3A_1015 : i32
      %sign3A_1017 = arith.extui %sign3A_1016 : i1 to i32
      %sign3A_1018 = arith.subi %sign3A_1014, %sign3A_1017 : i32
      %ne3A_1019 = arith.cmpi ne, %sign3A_1011, %sign3A_1018 : i32
      %rem3A_1020 = arith.remsi %add3A_1002, %jit3A_1003 : i32
      %ne3A_1021 = arith.constant 0 : i32
      %ne3A_1022 = arith.cmpi ne, %rem3A_1020, %ne3A_1021 : i32
      %and3A_1023 = arith.andi %ne3A_1019, %ne3A_1022 : i1
      %sub3A_1024 = arith.constant 1 : i32
      %sub3A_1025 = arith.subi %div3A_1004, %sub3A_1024 : i32
      %select_n3A_1026 = arith.select %and3A_1023, %sub3A_1025, %div3A_1004 : i32
      %jit3A_1027 = arith.constant 128 : i32
      %eq3A_1028 = arith.constant 0 : i32
      %eq3A_1029 = arith.cmpi eq, %jit3A_1027, %eq3A_1028 : i32
      %jit3A_1030 = arith.constant 1 : i32
      %select_n3A_1031 = arith.select %eq3A_1029, %jit3A_1030, %jit3A_1027 : i32
      %rem3A_1032 = arith.remsi %add3A_1002, %select_n3A_1031 : i32
      %ne3A_1033 = arith.constant 0 : i32
      %ne3A_1034 = arith.cmpi ne, %rem3A_1032, %ne3A_1033 : i32
      %lt3A_1035 = arith.constant 0 : i32
      %lt3A_1036 = arith.cmpi slt, %rem3A_1032, %lt3A_1035 : i32
      %lt3A_1037 = arith.constant 0 : i32
      %lt3A_1038 = arith.cmpi slt, %select_n3A_1031, %lt3A_1037 : i32
      %ne3A_1039 = arith.xori %lt3A_1036, %lt3A_1038 : i1
      %and3A_1040 = arith.andi %ne3A_1039, %ne3A_1034 : i1
      %add3A_1041 = arith.addi %rem3A_1032, %select_n3A_1031 : i32
      %select_n3A_1042 = arith.select %and3A_1040, %add3A_1041, %rem3A_1032 : i32
      %dma_start3A_1043 = arith.constant 0 : i32
      %dma_start3A_1044 = arith.constant 0 : i32
      %dma_start3A_1045 = arith.constant 0 : i32
      %dma_start3A_1046 = tpu.memref_slice %arg9[%dma_start3A_1043, %dma_start3A_1044, %dma_start3A_1045] : memref<8x8x145xf32, #tpu.memory_space<vmem>> -> memref<8x8x128xf32, #tpu.memory_space<vmem>>
      %dma_start3A_1047 = arith.constant 0 : i32
      %dma_start3A_1048 = arith.constant 0 : i32
      %dma_start3A_1049 = arith.constant 0 : i32
      %dma_start3A_1050 = tpu.memref_slice %arg4[%select_n3A_1026, %dma_start3A_1047, %select_n3A_1042, %dma_start3A_1048, %dma_start3A_1049] : memref<50x8x128x8x128xf32, #tpu.memory_space<hbm>> -> memref<1x8x1x8x128xf32, #tpu.memory_space<hbm>>
      %dma_start3A_1051 = tpu.memref_squeeze %dma_start3A_1050 : memref<1x8x1x8x128xf32, #tpu.memory_space<hbm>> -> memref<8x8x128xf32, #tpu.memory_space<hbm>>
      %dma_start3A_1052 = arith.constant 0 : i32
      %dma_start3A_1053 = arith.constant 0 : i32
      %dma_start3A_1054 = arith.constant 0 : i32
      %dma_start3A_1055 = tpu.memref_slice %arg4[%select_n3A_1026, %dma_start3A_1052, %select_n3A_1042, %dma_start3A_1053, %dma_start3A_1054] : memref<50x8x128x8x128xf32, #tpu.memory_space<hbm>> -> memref<1x8x1x8x128xf32, #tpu.memory_space<hbm>>
      %dma_start3A_1056 = tpu.memref_squeeze %dma_start3A_1055 : memref<1x8x1x8x128xf32, #tpu.memory_space<hbm>> -> memref<8x8x128xf32, #tpu.memory_space<hbm>>
      %dma_start3A_1057 = arith.constant 0 : i32
      %dma_start3A_1058 = arith.constant 0 : i32
      %dma_start3A_1059 = arith.constant 0 : i32
      %dma_start3A_1060 = tpu.memref_slice %arg9[%dma_start3A_1057, %dma_start3A_1058, %dma_start3A_1059] : memref<8x8x145xf32, #tpu.memory_space<vmem>> -> memref<8x8x128xf32, #tpu.memory_space<vmem>>
      tpu.enqueue_dma source(%dma_start3A_1060 : memref<8x8x128xf32, #tpu.memory_space<vmem>>) target(%dma_start3A_1056 : memref<8x8x128xf32, #tpu.memory_space<hbm>>) target_semaphore(%arg13 : memref<!tpu.dma_semaphore, #tpu.memory_space<semaphore_mem>>)
      %add3A_1061 = arith.constant 1 : i32
      %add3A_1062 = arith.addi %add3A_777, %add3A_1061 : i32
      %add3A_1063 = arith.constant 2 : i32
      %add3A_1064 = arith.addi %add3A_1062, %add3A_1063 : i32
      %mul3A_1065 = arith.constant 128 : i32
      %mul3A_1066 = arith.muli %add3A_1064, %mul3A_1065 : i32
      %multiple_of3A_1067 = tpu.assume_multiple %mul3A_1066, 8 : i32
      %dma_start3A_1068 = tpu.memref_slice %arg5[%multiple_of3A_1067] : memref<25600xi32, #tpu.memory_space<vmem>> -> memref<128xi32, #tpu.memory_space<vmem>>
      %dma_start3A_1069 = arith.constant 0 : i32
      %dma_start3A_1070 = arith.constant 0 : i32
      %dma_start3A_1071 = tpu.memref_slice %arg3[%dma_start3A_1069, %dma_start3A_1070] : memref<1000000x64xf32, #tpu.memory_space<hbm>> -> memref<1000000x64xf32, #tpu.memory_space<hbm>>
      tpu.enqueue_indirect_dma source(%dma_start3A_1071 : memref<1000000x64xf32, #tpu.memory_space<hbm>>) target(%arg7 : memref<128x64xf32, #tpu.memory_space<vmem>>) offsets(%dma_start3A_1068 : memref<128xi32, #tpu.memory_space<vmem>>) semaphore(%arg11 : memref<!tpu.dma_semaphore, #tpu.memory_space<semaphore_mem>>)
    }
    %scan3A_394 = arith.constant 98 : i32
    %multiple_of3A_395 = arith.constant 25344 : i32
    %multiple_of3A_396 = tpu.assume_multiple %multiple_of3A_395, 8 : i32
    %dma_wait3A_397 = tpu.memref_slice %arg5[%multiple_of3A_396] : memref<25600xi32, #tpu.memory_space<vmem>> -> memref<128xi32, #tpu.memory_space<vmem>>
    %dma_wait3A_398 = arith.constant 0 : i32
    %dma_wait3A_399 = arith.constant 0 : i32
    %dma_wait3A_400 = tpu.memref_slice %arg3[%dma_wait3A_398, %dma_wait3A_399] : memref<1000000x64xf32, #tpu.memory_space<hbm>> -> memref<1000000x64xf32, #tpu.memory_space<hbm>>
    tpu.wait_indirect_dma semaphore(%arg10 : memref<!tpu.dma_semaphore, #tpu.memory_space<semaphore_mem>>) src(%dma_wait3A_400 : memref<1000000x64xf32, #tpu.memory_space<hbm>>) dst(%arg6 : memref<128x64xf32, #tpu.memory_space<vmem>>)
    %add3A_401 = arith.constant 196 : i32
    %add3A_402 = arith.addi %mul3A_2, %add3A_401 : i32
    %jit3A_403 = arith.constant 128 : i32
    %div3A_404 = arith.divsi %add3A_402, %jit3A_403 : i32
    %sign3A_405 = arith.constant 0 : i32
    %sign3A_406 = arith.cmpi sgt, %add3A_402, %sign3A_405 : i32
    %sign3A_407 = arith.extui %sign3A_406 : i1 to i32
    %sign3A_408 = arith.constant 0 : i32
    %sign3A_409 = arith.cmpi slt, %add3A_402, %sign3A_408 : i32
    %sign3A_410 = arith.extui %sign3A_409 : i1 to i32
    %sign3A_411 = arith.subi %sign3A_407, %sign3A_410 : i32
    %sign3A_412 = arith.constant 0 : i32
    %sign3A_413 = arith.cmpi sgt, %jit3A_403, %sign3A_412 : i32
    %sign3A_414 = arith.extui %sign3A_413 : i1 to i32
    %sign3A_415 = arith.constant 0 : i32
    %sign3A_416 = arith.cmpi slt, %jit3A_403, %sign3A_415 : i32
    %sign3A_417 = arith.extui %sign3A_416 : i1 to i32
    %sign3A_418 = arith.subi %sign3A_414, %sign3A_417 : i32
    %ne3A_419 = arith.cmpi ne, %sign3A_411, %sign3A_418 : i32
    %rem3A_420 = arith.remsi %add3A_402, %jit3A_403 : i32
    %ne3A_421 = arith.constant 0 : i32
    %ne3A_422 = arith.cmpi ne, %rem3A_420, %ne3A_421 : i32
    %and3A_423 = arith.andi %ne3A_419, %ne3A_422 : i1
    %sub3A_424 = arith.constant 1 : i32
    %sub3A_425 = arith.subi %div3A_404, %sub3A_424 : i32
    %select_n3A_426 = arith.select %and3A_423, %sub3A_425, %div3A_404 : i32
    %jit3A_427 = arith.constant 128 : i32
    %eq3A_428 = arith.constant 0 : i32
    %eq3A_429 = arith.cmpi eq, %jit3A_427, %eq3A_428 : i32
    %jit3A_430 = arith.constant 1 : i32
    %select_n3A_431 = arith.select %eq3A_429, %jit3A_430, %jit3A_427 : i32
    %rem3A_432 = arith.remsi %add3A_402, %select_n3A_431 : i32
    %ne3A_433 = arith.constant 0 : i32
    %ne3A_434 = arith.cmpi ne, %rem3A_432, %ne3A_433 : i32
    %lt3A_435 = arith.constant 0 : i32
    %lt3A_436 = arith.cmpi slt, %rem3A_432, %lt3A_435 : i32
    %lt3A_437 = arith.constant 0 : i32
    %lt3A_438 = arith.cmpi slt, %select_n3A_431, %lt3A_437 : i32
    %ne3A_439 = arith.xori %lt3A_436, %lt3A_438 : i1
    %and3A_440 = arith.andi %ne3A_439, %ne3A_434 : i1
    %add3A_441 = arith.addi %rem3A_432, %select_n3A_431 : i32
    %select_n3A_442 = arith.select %and3A_440, %add3A_441, %rem3A_432 : i32
    %dma_wait3A_443 = arith.constant 0 : i32
    %dma_wait3A_444 = arith.constant 0 : i32
    %dma_wait3A_445 = arith.constant 0 : i32
    %dma_wait3A_446 = tpu.memref_slice %arg8[%dma_wait3A_443, %dma_wait3A_444, %dma_wait3A_445] : memref<8x8x145xf32, #tpu.memory_space<vmem>> -> memref<8x8x128xf32, #tpu.memory_space<vmem>>
    %dma_wait3A_447 = arith.constant 0 : i32
    %dma_wait3A_448 = arith.constant 0 : i32
    %dma_wait3A_449 = arith.constant 0 : i32
    %dma_wait3A_450 = tpu.memref_slice %arg4[%select_n3A_426, %dma_wait3A_447, %select_n3A_442, %dma_wait3A_448, %dma_wait3A_449] : memref<50x8x128x8x128xf32, #tpu.memory_space<hbm>> -> memref<1x8x1x8x128xf32, #tpu.memory_space<hbm>>
    %dma_wait3A_451 = tpu.memref_squeeze %dma_wait3A_450 : memref<1x8x1x8x128xf32, #tpu.memory_space<hbm>> -> memref<8x8x128xf32, #tpu.memory_space<hbm>>
    %dma_wait3A_452 = arith.constant 0 : i32
    %dma_wait3A_453 = arith.constant 0 : i32
    %dma_wait3A_454 = arith.constant 0 : i32
    %dma_wait3A_455 = tpu.memref_slice %arg4[%select_n3A_426, %dma_wait3A_452, %select_n3A_442, %dma_wait3A_453, %dma_wait3A_454] : memref<50x8x128x8x128xf32, #tpu.memory_space<hbm>> -> memref<1x8x1x8x128xf32, #tpu.memory_space<hbm>>
    %dma_wait3A_456 = tpu.memref_squeeze %dma_wait3A_455 : memref<1x8x1x8x128xf32, #tpu.memory_space<hbm>> -> memref<8x8x128xf32, #tpu.memory_space<hbm>>
    %dma_wait3A_457 = arith.constant 0 : i32
    %dma_wait3A_458 = arith.constant 0 : i32
    %dma_wait3A_459 = arith.constant 0 : i32
    %dma_wait3A_460 = tpu.memref_slice %arg8[%dma_wait3A_457, %dma_wait3A_458, %dma_wait3A_459] : memref<8x8x145xf32, #tpu.memory_space<vmem>> -> memref<8x8x128xf32, #tpu.memory_space<vmem>>
    tpu.wait_dma2 semaphore(%arg12 : memref<!tpu.dma_semaphore, #tpu.memory_space<semaphore_mem>>) src(%dma_wait3A_460 : memref<8x8x128xf32, #tpu.memory_space<vmem>>) dst(%dma_wait3A_456 : memref<8x8x128xf32, #tpu.memory_space<hbm>>)
    %parallel_loop3A_461 = arith.constant 0 : i32
    %parallel_loop3A_462 = arith.constant 128 : i32
    %parallel_loop3A_463 = arith.constant 1 : i32
    scf.for %parallel_loop3A_773 = %parallel_loop3A_461 to %parallel_loop3A_462 step %parallel_loop3A_463  : i32 {
      %parallel_loop3A_774 = vector.broadcast %parallel_loop3A_773 : i32 to vector<16xi32>
      %parallel_loop3A_775 = arith.index_cast %parallel_loop3A_773 : i32 to index
      %parallel_loop3A_776 = arith.constant 0 : index
      %parallel_loop3A_777 = tpu.vector_load %arg6[%parallel_loop3A_775, %parallel_loop3A_776] {strides = array<i32>} : memref<128x64xf32, #tpu.memory_space<vmem>>, vector<16xf32>,
      tpu.vector_store_idx %arg8[%select_n3A, %select_n3A_155, %parallel_loop3A_774], %parallel_loop3A_777 : memref<8x8x145xf32, #tpu.memory_space<vmem>>[vector<16xi32>, vector<16xi32>, vector<16xi32>], vector<16xf32>,
      %parallel_loop3A_778 = arith.index_cast %parallel_loop3A_773 : i32 to index
      %parallel_loop3A_779 = arith.constant 16 : index
      %parallel_loop3A_780 = tpu.vector_load %arg6[%parallel_loop3A_778, %parallel_loop3A_779] {strides = array<i32>} : memref<128x64xf32, #tpu.memory_space<vmem>>, vector<16xf32>,
      tpu.vector_store_idx %arg8[%select_n3A_64, %select_n3A_180, %parallel_loop3A_774], %parallel_loop3A_780 : memref<8x8x145xf32, #tpu.memory_space<vmem>>[vector<16xi32>, vector<16xi32>, vector<16xi32>], vector<16xf32>,
      %parallel_loop3A_781 = arith.index_cast %parallel_loop3A_773 : i32 to index
      %parallel_loop3A_782 = arith.constant 32 : index
      %parallel_loop3A_783 = tpu.vector_load %arg6[%parallel_loop3A_781, %parallel_loop3A_782] {strides = array<i32>} : memref<128x64xf32, #tpu.memory_space<vmem>>, vector<16xf32>,
      tpu.vector_store_idx %arg8[%select_n3A_98, %select_n3A_205, %parallel_loop3A_774], %parallel_loop3A_783 : memref<8x8x145xf32, #tpu.memory_space<vmem>>[vector<16xi32>, vector<16xi32>, vector<16xi32>], vector<16xf32>,
      %parallel_loop3A_784 = arith.index_cast %parallel_loop3A_773 : i32 to index
      %parallel_loop3A_785 = arith.constant 48 : index
      %parallel_loop3A_786 = tpu.vector_load %arg6[%parallel_loop3A_784, %parallel_loop3A_785] {strides = array<i32>} : memref<128x64xf32, #tpu.memory_space<vmem>>, vector<16xf32>,
      tpu.vector_store_idx %arg8[%select_n3A_132, %select_n3A_230, %parallel_loop3A_774], %parallel_loop3A_786 : memref<8x8x145xf32, #tpu.memory_space<vmem>>[vector<16xi32>, vector<16xi32>, vector<16xi32>], vector<16xf32>,
    } {sc.loop_unroll_factor = 8 : i64, sc.parallel_access}
    %add3A_464 = arith.constant 198 : i32
    %add3A_465 = arith.addi %mul3A_2, %add3A_464 : i32
    %jit3A_466 = arith.constant 128 : i32
    %div3A_467 = arith.divsi %add3A_465, %jit3A_466 : i32
    %sign3A_468 = arith.constant 0 : i32
    %sign3A_469 = arith.cmpi sgt, %add3A_465, %sign3A_468 : i32
    %sign3A_470 = arith.extui %sign3A_469 : i1 to i32
    %sign3A_471 = arith.constant 0 : i32
    %sign3A_472 = arith.cmpi slt, %add3A_465, %sign3A_471 : i32
    %sign3A_473 = arith.extui %sign3A_472 : i1 to i32
    %sign3A_474 = arith.subi %sign3A_470, %sign3A_473 : i32
    %sign3A_475 = arith.constant 0 : i32
    %sign3A_476 = arith.cmpi sgt, %jit3A_466, %sign3A_475 : i32
    %sign3A_477 = arith.extui %sign3A_476 : i1 to i32
    %sign3A_478 = arith.constant 0 : i32
    %sign3A_479 = arith.cmpi slt, %jit3A_466, %sign3A_478 : i32
    %sign3A_480 = arith.extui %sign3A_479 : i1 to i32
    %sign3A_481 = arith.subi %sign3A_477, %sign3A_480 : i32
    %ne3A_482 = arith.cmpi ne, %sign3A_474, %sign3A_481 : i32
    %rem3A_483 = arith.remsi %add3A_465, %jit3A_466 : i32
    %ne3A_484 = arith.constant 0 : i32
    %ne3A_485 = arith.cmpi ne, %rem3A_483, %ne3A_484 : i32
    %and3A_486 = arith.andi %ne3A_482, %ne3A_485 : i1
    %sub3A_487 = arith.constant 1 : i32
    %sub3A_488 = arith.subi %div3A_467, %sub3A_487 : i32
    %select_n3A_489 = arith.select %and3A_486, %sub3A_488, %div3A_467 : i32
    %jit3A_490 = arith.constant 128 : i32
    %eq3A_491 = arith.constant 0 : i32
    %eq3A_492 = arith.cmpi eq, %jit3A_490, %eq3A_491 : i32
    %jit3A_493 = arith.constant 1 : i32
    %select_n3A_494 = arith.select %eq3A_492, %jit3A_493, %jit3A_490 : i32
    %rem3A_495 = arith.remsi %add3A_465, %select_n3A_494 : i32
    %ne3A_496 = arith.constant 0 : i32
    %ne3A_497 = arith.cmpi ne, %rem3A_495, %ne3A_496 : i32
    %lt3A_498 = arith.constant 0 : i32
    %lt3A_499 = arith.cmpi slt, %rem3A_495, %lt3A_498 : i32
    %lt3A_500 = arith.constant 0 : i32
    %lt3A_501 = arith.cmpi slt, %select_n3A_494, %lt3A_500 : i32
    %ne3A_502 = arith.xori %lt3A_499, %lt3A_501 : i1
    %and3A_503 = arith.andi %ne3A_502, %ne3A_497 : i1
    %add3A_504 = arith.addi %rem3A_495, %select_n3A_494 : i32
    %select_n3A_505 = arith.select %and3A_503, %add3A_504, %rem3A_495 : i32
    %dma_start3A_506 = arith.constant 0 : i32
    %dma_start3A_507 = arith.constant 0 : i32
    %dma_start3A_508 = arith.constant 0 : i32
    %dma_start3A_509 = tpu.memref_slice %arg8[%dma_start3A_506, %dma_start3A_507, %dma_start3A_508] : memref<8x8x145xf32, #tpu.memory_space<vmem>> -> memref<8x8x128xf32, #tpu.memory_space<vmem>>
    %dma_start3A_510 = arith.constant 0 : i32
    %dma_start3A_511 = arith.constant 0 : i32
    %dma_start3A_512 = arith.constant 0 : i32
    %dma_start3A_513 = tpu.memref_slice %arg4[%select_n3A_489, %dma_start3A_510, %select_n3A_505, %dma_start3A_511, %dma_start3A_512] : memref<50x8x128x8x128xf32, #tpu.memory_space<hbm>> -> memref<1x8x1x8x128xf32, #tpu.memory_space<hbm>>
    %dma_start3A_514 = tpu.memref_squeeze %dma_start3A_513 : memref<1x8x1x8x128xf32, #tpu.memory_space<hbm>> -> memref<8x8x128xf32, #tpu.memory_space<hbm>>
    %dma_start3A_515 = arith.constant 0 : i32
    %dma_start3A_516 = arith.constant 0 : i32
    %dma_start3A_517 = arith.constant 0 : i32
    %dma_start3A_518 = tpu.memref_slice %arg4[%select_n3A_489, %dma_start3A_515, %select_n3A_505, %dma_start3A_516, %dma_start3A_517] : memref<50x8x128x8x128xf32, #tpu.memory_space<hbm>> -> memref<1x8x1x8x128xf32, #tpu.memory_space<hbm>>
    %dma_start3A_519 = tpu.memref_squeeze %dma_start3A_518 : memref<1x8x1x8x128xf32, #tpu.memory_space<hbm>> -> memref<8x8x128xf32, #tpu.memory_space<hbm>>
    %dma_start3A_520 = arith.constant 0 : i32
    %dma_start3A_521 = arith.constant 0 : i32
    %dma_start3A_522 = arith.constant 0 : i32
    %dma_start3A_523 = tpu.memref_slice %arg8[%dma_start3A_520, %dma_start3A_521, %dma_start3A_522] : memref<8x8x145xf32, #tpu.memory_space<vmem>> -> memref<8x8x128xf32, #tpu.memory_space<vmem>>
    tpu.enqueue_dma source(%dma_start3A_523 : memref<8x8x128xf32, #tpu.memory_space<vmem>>) target(%dma_start3A_519 : memref<8x8x128xf32, #tpu.memory_space<hbm>>) target_semaphore(%arg12 : memref<!tpu.dma_semaphore, #tpu.memory_space<semaphore_mem>>)
    %multiple_of3A_524 = arith.constant 25472 : i32
    %multiple_of3A_525 = tpu.assume_multiple %multiple_of3A_524, 8 : i32
    %dma_wait3A_526 = tpu.memref_slice %arg5[%multiple_of3A_525] : memref<25600xi32, #tpu.memory_space<vmem>> -> memref<128xi32, #tpu.memory_space<vmem>>
    %dma_wait3A_527 = arith.constant 0 : i32
    %dma_wait3A_528 = arith.constant 0 : i32
    %dma_wait3A_529 = tpu.memref_slice %arg3[%dma_wait3A_527, %dma_wait3A_528] : memref<1000000x64xf32, #tpu.memory_space<hbm>> -> memref<1000000x64xf32, #tpu.memory_space<hbm>>
    tpu.wait_indirect_dma semaphore(%arg11 : memref<!tpu.dma_semaphore, #tpu.memory_space<semaphore_mem>>) src(%dma_wait3A_529 : memref<1000000x64xf32, #tpu.memory_space<hbm>>) dst(%arg7 : memref<128x64xf32, #tpu.memory_space<vmem>>)
    %add3A_530 = arith.constant 197 : i32
    %add3A_531 = arith.addi %mul3A_2, %add3A_530 : i32
    %jit3A_532 = arith.constant 128 : i32
    %div3A_533 = arith.divsi %add3A_531, %jit3A_532 : i32
    %sign3A_534 = arith.constant 0 : i32
    %sign3A_535 = arith.cmpi sgt, %add3A_531, %sign3A_534 : i32
    %sign3A_536 = arith.extui %sign3A_535 : i1 to i32
    %sign3A_537 = arith.constant 0 : i32
    %sign3A_538 = arith.cmpi slt, %add3A_531, %sign3A_537 : i32
    %sign3A_539 = arith.extui %sign3A_538 : i1 to i32
    %sign3A_540 = arith.subi %sign3A_536, %sign3A_539 : i32
    %sign3A_541 = arith.constant 0 : i32
    %sign3A_542 = arith.cmpi sgt, %jit3A_532, %sign3A_541 : i32
    %sign3A_543 = arith.extui %sign3A_542 : i1 to i32
    %sign3A_544 = arith.constant 0 : i32
    %sign3A_545 = arith.cmpi slt, %jit3A_532, %sign3A_544 : i32
    %sign3A_546 = arith.extui %sign3A_545 : i1 to i32
    %sign3A_547 = arith.subi %sign3A_543, %sign3A_546 : i32
    %ne3A_548 = arith.cmpi ne, %sign3A_540, %sign3A_547 : i32
    %rem3A_549 = arith.remsi %add3A_531, %jit3A_532 : i32
    %ne3A_550 = arith.constant 0 : i32
    %ne3A_551 = arith.cmpi ne, %rem3A_549, %ne3A_550 : i32
    %and3A_552 = arith.andi %ne3A_548, %ne3A_551 : i1
    %sub3A_553 = arith.constant 1 : i32
    %sub3A_554 = arith.subi %div3A_533, %sub3A_553 : i32
    %select_n3A_555 = arith.select %and3A_552, %sub3A_554, %div3A_533 : i32
    %jit3A_556 = arith.constant 128 : i32
    %eq3A_557 = arith.constant 0 : i32
    %eq3A_558 = arith.cmpi eq, %jit3A_556, %eq3A_557 : i32
    %jit3A_559 = arith.constant 1 : i32
    %select_n3A_560 = arith.select %eq3A_558, %jit3A_559, %jit3A_556 : i32
    %rem3A_561 = arith.remsi %add3A_531, %select_n3A_560 : i32
    %ne3A_562 = arith.constant 0 : i32
    %ne3A_563 = arith.cmpi ne, %rem3A_561, %ne3A_562 : i32
    %lt3A_564 = arith.constant 0 : i32
    %lt3A_565 = arith.cmpi slt, %rem3A_561, %lt3A_564 : i32
    %lt3A_566 = arith.constant 0 : i32
    %lt3A_567 = arith.cmpi slt, %select_n3A_560, %lt3A_566 : i32
    %ne3A_568 = arith.xori %lt3A_565, %lt3A_567 : i1
    %and3A_569 = arith.andi %ne3A_568, %ne3A_563 : i1
    %add3A_570 = arith.addi %rem3A_561, %select_n3A_560 : i32
    %select_n3A_571 = arith.select %and3A_569, %add3A_570, %rem3A_561 : i32
    %dma_wait3A_572 = arith.constant 0 : i32
    %dma_wait3A_573 = arith.constant 0 : i32
    %dma_wait3A_574 = arith.constant 0 : i32
    %dma_wait3A_575 = tpu.memref_slice %arg9[%dma_wait3A_572, %dma_wait3A_573, %dma_wait3A_574] : memref<8x8x145xf32, #tpu.memory_space<vmem>> -> memref<8x8x128xf32, #tpu.memory_space<vmem>>
    %dma_wait3A_576 = arith.constant 0 : i32
    %dma_wait3A_577 = arith.constant 0 : i32
    %dma_wait3A_578 = arith.constant 0 : i32
    %dma_wait3A_579 = tpu.memref_slice %arg4[%select_n3A_555, %dma_wait3A_576, %select_n3A_571, %dma_wait3A_577, %dma_wait3A_578] : memref<50x8x128x8x128xf32, #tpu.memory_space<hbm>> -> memref<1x8x1x8x128xf32, #tpu.memory_space<hbm>>
    %dma_wait3A_580 = tpu.memref_squeeze %dma_wait3A_579 : memref<1x8x1x8x128xf32, #tpu.memory_space<hbm>> -> memref<8x8x128xf32, #tpu.memory_space<hbm>>
    %dma_wait3A_581 = arith.constant 0 : i32
    %dma_wait3A_582 = arith.constant 0 : i32
    %dma_wait3A_583 = arith.constant 0 : i32
    %dma_wait3A_584 = tpu.memref_slice %arg4[%select_n3A_555, %dma_wait3A_581, %select_n3A_571, %dma_wait3A_582, %dma_wait3A_583] : memref<50x8x128x8x128xf32, #tpu.memory_space<hbm>> -> memref<1x8x1x8x128xf32, #tpu.memory_space<hbm>>
    %dma_wait3A_585 = tpu.memref_squeeze %dma_wait3A_584 : memref<1x8x1x8x128xf32, #tpu.memory_space<hbm>> -> memref<8x8x128xf32, #tpu.memory_space<hbm>>
    %dma_wait3A_586 = arith.constant 0 : i32
    %dma_wait3A_587 = arith.constant 0 : i32
    %dma_wait3A_588 = arith.constant 0 : i32
    %dma_wait3A_589 = tpu.memref_slice %arg9[%dma_wait3A_586, %dma_wait3A_587, %dma_wait3A_588] : memref<8x8x145xf32, #tpu.memory_space<vmem>> -> memref<8x8x128xf32, #tpu.memory_space<vmem>>
    tpu.wait_dma2 semaphore(%arg13 : memref<!tpu.dma_semaphore, #tpu.memory_space<semaphore_mem>>) src(%dma_wait3A_589 : memref<8x8x128xf32, #tpu.memory_space<vmem>>) dst(%dma_wait3A_585 : memref<8x8x128xf32, #tpu.memory_space<hbm>>)
    %parallel_loop3A_590 = arith.constant 0 : i32
    %parallel_loop3A_591 = arith.constant 128 : i32
    %parallel_loop3A_592 = arith.constant 1 : i32
    scf.for %parallel_loop3A_773 = %parallel_loop3A_590 to %parallel_loop3A_591 step %parallel_loop3A_592  : i32 {
      %parallel_loop3A_774 = vector.broadcast %parallel_loop3A_773 : i32 to vector<16xi32>
      %parallel_loop3A_775 = arith.index_cast %parallel_loop3A_773 : i32 to index
      %parallel_loop3A_776 = arith.constant 0 : index
      %parallel_loop3A_777 = tpu.vector_load %arg7[%parallel_loop3A_775, %parallel_loop3A_776] {strides = array<i32>} : memref<128x64xf32, #tpu.memory_space<vmem>>, vector<16xf32>,
      tpu.vector_store_idx %arg9[%select_n3A, %select_n3A_155, %parallel_loop3A_774], %parallel_loop3A_777 : memref<8x8x145xf32, #tpu.memory_space<vmem>>[vector<16xi32>, vector<16xi32>, vector<16xi32>], vector<16xf32>,
      %parallel_loop3A_778 = arith.index_cast %parallel_loop3A_773 : i32 to index
      %parallel_loop3A_779 = arith.constant 16 : index
      %parallel_loop3A_780 = tpu.vector_load %arg7[%parallel_loop3A_778, %parallel_loop3A_779] {strides = array<i32>} : memref<128x64xf32, #tpu.memory_space<vmem>>, vector<16xf32>,
      tpu.vector_store_idx %arg9[%select_n3A_64, %select_n3A_180, %parallel_loop3A_774], %parallel_loop3A_780 : memref<8x8x145xf32, #tpu.memory_space<vmem>>[vector<16xi32>, vector<16xi32>, vector<16xi32>], vector<16xf32>,
      %parallel_loop3A_781 = arith.index_cast %parallel_loop3A_773 : i32 to index
      %parallel_loop3A_782 = arith.constant 32 : index
      %parallel_loop3A_783 = tpu.vector_load %arg7[%parallel_loop3A_781, %parallel_loop3A_782] {strides = array<i32>} : memref<128x64xf32, #tpu.memory_space<vmem>>, vector<16xf32>,
      tpu.vector_store_idx %arg9[%select_n3A_98, %select_n3A_205, %parallel_loop3A_774], %parallel_loop3A_783 : memref<8x8x145xf32, #tpu.memory_space<vmem>>[vector<16xi32>, vector<16xi32>, vector<16xi32>], vector<16xf32>,
      %parallel_loop3A_784 = arith.index_cast %parallel_loop3A_773 : i32 to index
      %parallel_loop3A_785 = arith.constant 48 : index
      %parallel_loop3A_786 = tpu.vector_load %arg7[%parallel_loop3A_784, %parallel_loop3A_785] {strides = array<i32>} : memref<128x64xf32, #tpu.memory_space<vmem>>, vector<16xf32>,
      tpu.vector_store_idx %arg9[%select_n3A_132, %select_n3A_230, %parallel_loop3A_774], %parallel_loop3A_786 : memref<8x8x145xf32, #tpu.memory_space<vmem>>[vector<16xi32>, vector<16xi32>, vector<16xi32>], vector<16xf32>,
    } {sc.loop_unroll_factor = 8 : i64, sc.parallel_access}
    %add3A_593 = arith.constant 199 : i32
    %add3A_594 = arith.addi %mul3A_2, %add3A_593 : i32
    %jit3A_595 = arith.constant 128 : i32
    %div3A_596 = arith.divsi %add3A_594, %jit3A_595 : i32
    %sign3A_597 = arith.constant 0 : i32
    %sign3A_598 = arith.cmpi sgt, %add3A_594, %sign3A_597 : i32
    %sign3A_599 = arith.extui %sign3A_598 : i1 to i32
    %sign3A_600 = arith.constant 0 : i32
    %sign3A_601 = arith.cmpi slt, %add3A_594, %sign3A_600 : i32
    %sign3A_602 = arith.extui %sign3A_601 : i1 to i32
    %sign3A_603 = arith.subi %sign3A_599, %sign3A_602 : i32
    %sign3A_604 = arith.constant 0 : i32
    %sign3A_605 = arith.cmpi sgt, %jit3A_595, %sign3A_604 : i32
    %sign3A_606 = arith.extui %sign3A_605 : i1 to i32
    %sign3A_607 = arith.constant 0 : i32
    %sign3A_608 = arith.cmpi slt, %jit3A_595, %sign3A_607 : i32
    %sign3A_609 = arith.extui %sign3A_608 : i1 to i32
    %sign3A_610 = arith.subi %sign3A_606, %sign3A_609 : i32
    %ne3A_611 = arith.cmpi ne, %sign3A_603, %sign3A_610 : i32
    %rem3A_612 = arith.remsi %add3A_594, %jit3A_595 : i32
    %ne3A_613 = arith.constant 0 : i32
    %ne3A_614 = arith.cmpi ne, %rem3A_612, %ne3A_613 : i32
    %and3A_615 = arith.andi %ne3A_611, %ne3A_614 : i1
    %sub3A_616 = arith.constant 1 : i32
    %sub3A_617 = arith.subi %div3A_596, %sub3A_616 : i32
    %select_n3A_618 = arith.select %and3A_615, %sub3A_617, %div3A_596 : i32
    %jit3A_619 = arith.constant 128 : i32
    %eq3A_620 = arith.constant 0 : i32
    %eq3A_621 = arith.cmpi eq, %jit3A_619, %eq3A_620 : i32
    %jit3A_622 = arith.constant 1 : i32
    %select_n3A_623 = arith.select %eq3A_621, %jit3A_622, %jit3A_619 : i32
    %rem3A_624 = arith.remsi %add3A_594, %select_n3A_623 : i32
    %ne3A_625 = arith.constant 0 : i32
    %ne3A_626 = arith.cmpi ne, %rem3A_624, %ne3A_625 : i32
    %lt3A_627 = arith.constant 0 : i32
    %lt3A_628 = arith.cmpi slt, %rem3A_624, %lt3A_627 : i32
    %lt3A_629 = arith.constant 0 : i32
    %lt3A_630 = arith.cmpi slt, %select_n3A_623, %lt3A_629 : i32
    %ne3A_631 = arith.xori %lt3A_628, %lt3A_630 : i1
    %and3A_632 = arith.andi %ne3A_631, %ne3A_626 : i1
    %add3A_633 = arith.addi %rem3A_624, %select_n3A_623 : i32
    %select_n3A_634 = arith.select %and3A_632, %add3A_633, %rem3A_624 : i32
    %dma_start3A_635 = arith.constant 0 : i32
    %dma_start3A_636 = arith.constant 0 : i32
    %dma_start3A_637 = arith.constant 0 : i32
    %dma_start3A_638 = tpu.memref_slice %arg9[%dma_start3A_635, %dma_start3A_636, %dma_start3A_637] : memref<8x8x145xf32, #tpu.memory_space<vmem>> -> memref<8x8x128xf32, #tpu.memory_space<vmem>>
    %dma_start3A_639 = arith.constant 0 : i32
    %dma_start3A_640 = arith.constant 0 : i32
    %dma_start3A_641 = arith.constant 0 : i32
    %dma_start3A_642 = tpu.memref_slice %arg4[%select_n3A_618, %dma_start3A_639, %select_n3A_634, %dma_start3A_640, %dma_start3A_641] : memref<50x8x128x8x128xf32, #tpu.memory_space<hbm>> -> memref<1x8x1x8x128xf32, #tpu.memory_space<hbm>>
    %dma_start3A_643 = tpu.memref_squeeze %dma_start3A_642 : memref<1x8x1x8x128xf32, #tpu.memory_space<hbm>> -> memref<8x8x128xf32, #tpu.memory_space<hbm>>
    %dma_start3A_644 = arith.constant 0 : i32
    %dma_start3A_645 = arith.constant 0 : i32
    %dma_start3A_646 = arith.constant 0 : i32
    %dma_start3A_647 = tpu.memref_slice %arg4[%select_n3A_618, %dma_start3A_644, %select_n3A_634, %dma_start3A_645, %dma_start3A_646] : memref<50x8x128x8x128xf32, #tpu.memory_space<hbm>> -> memref<1x8x1x8x128xf32, #tpu.memory_space<hbm>>
    %dma_start3A_648 = tpu.memref_squeeze %dma_start3A_647 : memref<1x8x1x8x128xf32, #tpu.memory_space<hbm>> -> memref<8x8x128xf32, #tpu.memory_space<hbm>>
    %dma_start3A_649 = arith.constant 0 : i32
    %dma_start3A_650 = arith.constant 0 : i32
    %dma_start3A_651 = arith.constant 0 : i32
    %dma_start3A_652 = tpu.memref_slice %arg9[%dma_start3A_649, %dma_start3A_650, %dma_start3A_651] : memref<8x8x145xf32, #tpu.memory_space<vmem>> -> memref<8x8x128xf32, #tpu.memory_space<vmem>>
    tpu.enqueue_dma source(%dma_start3A_652 : memref<8x8x128xf32, #tpu.memory_space<vmem>>) target(%dma_start3A_648 : memref<8x8x128xf32, #tpu.memory_space<hbm>>) target_semaphore(%arg13 : memref<!tpu.dma_semaphore, #tpu.memory_space<semaphore_mem>>)
    %add3A_653 = arith.constant 198 : i32
    %add3A_654 = arith.addi %mul3A_2, %add3A_653 : i32
    %jit3A_655 = arith.constant 128 : i32
    %div3A_656 = arith.divsi %add3A_654, %jit3A_655 : i32
    %sign3A_657 = arith.constant 0 : i32
    %sign3A_658 = arith.cmpi sgt, %add3A_654, %sign3A_657 : i32
    %sign3A_659 = arith.extui %sign3A_658 : i1 to i32
    %sign3A_660 = arith.constant 0 : i32
    %sign3A_661 = arith.cmpi slt, %add3A_654, %sign3A_660 : i32
    %sign3A_662 = arith.extui %sign3A_661 : i1 to i32
    %sign3A_663 = arith.subi %sign3A_659, %sign3A_662 : i32
    %sign3A_664 = arith.constant 0 : i32
    %sign3A_665 = arith.cmpi sgt, %jit3A_655, %sign3A_664 : i32
    %sign3A_666 = arith.extui %sign3A_665 : i1 to i32
    %sign3A_667 = arith.constant 0 : i32
    %sign3A_668 = arith.cmpi slt, %jit3A_655, %sign3A_667 : i32
    %sign3A_669 = arith.extui %sign3A_668 : i1 to i32
    %sign3A_670 = arith.subi %sign3A_666, %sign3A_669 : i32
    %ne3A_671 = arith.cmpi ne, %sign3A_663, %sign3A_670 : i32
    %rem3A_672 = arith.remsi %add3A_654, %jit3A_655 : i32
    %ne3A_673 = arith.constant 0 : i32
    %ne3A_674 = arith.cmpi ne, %rem3A_672, %ne3A_673 : i32
    %and3A_675 = arith.andi %ne3A_671, %ne3A_674 : i1
    %sub3A_676 = arith.constant 1 : i32
    %sub3A_677 = arith.subi %div3A_656, %sub3A_676 : i32
    %select_n3A_678 = arith.select %and3A_675, %sub3A_677, %div3A_656 : i32
    %jit3A_679 = arith.constant 128 : i32
    %eq3A_680 = arith.constant 0 : i32
    %eq3A_681 = arith.cmpi eq, %jit3A_679, %eq3A_680 : i32
    %jit3A_682 = arith.constant 1 : i32
    %select_n3A_683 = arith.select %eq3A_681, %jit3A_682, %jit3A_679 : i32
    %rem3A_684 = arith.remsi %add3A_654, %select_n3A_683 : i32
    %ne3A_685 = arith.constant 0 : i32
    %ne3A_686 = arith.cmpi ne, %rem3A_684, %ne3A_685 : i32
    %lt3A_687 = arith.constant 0 : i32
    %lt3A_688 = arith.cmpi slt, %rem3A_684, %lt3A_687 : i32
    %lt3A_689 = arith.constant 0 : i32
    %lt3A_690 = arith.cmpi slt, %select_n3A_683, %lt3A_689 : i32
    %ne3A_691 = arith.xori %lt3A_688, %lt3A_690 : i1
    %and3A_692 = arith.andi %ne3A_691, %ne3A_686 : i1
    %add3A_693 = arith.addi %rem3A_684, %select_n3A_683 : i32
    %select_n3A_694 = arith.select %and3A_692, %add3A_693, %rem3A_684 : i32
    %dma_wait3A_695 = arith.constant 0 : i32
    %dma_wait3A_696 = arith.constant 0 : i32
    %dma_wait3A_697 = arith.constant 0 : i32
    %dma_wait3A_698 = tpu.memref_slice %arg8[%dma_wait3A_695, %dma_wait3A_696, %dma_wait3A_697] : memref<8x8x145xf32, #tpu.memory_space<vmem>> -> memref<8x8x128xf32, #tpu.memory_space<vmem>>
    %dma_wait3A_699 = arith.constant 0 : i32
    %dma_wait3A_700 = arith.constant 0 : i32
    %dma_wait3A_701 = arith.constant 0 : i32
    %dma_wait3A_702 = tpu.memref_slice %arg4[%select_n3A_678, %dma_wait3A_699, %select_n3A_694, %dma_wait3A_700, %dma_wait3A_701] : memref<50x8x128x8x128xf32, #tpu.memory_space<hbm>> -> memref<1x8x1x8x128xf32, #tpu.memory_space<hbm>>
    %dma_wait3A_703 = tpu.memref_squeeze %dma_wait3A_702 : memref<1x8x1x8x128xf32, #tpu.memory_space<hbm>> -> memref<8x8x128xf32, #tpu.memory_space<hbm>>
    %dma_wait3A_704 = arith.constant 0 : i32
    %dma_wait3A_705 = arith.constant 0 : i32
    %dma_wait3A_706 = arith.constant 0 : i32
    %dma_wait3A_707 = tpu.memref_slice %arg4[%select_n3A_678, %dma_wait3A_704, %select_n3A_694, %dma_wait3A_705, %dma_wait3A_706] : memref<50x8x128x8x128xf32, #tpu.memory_space<hbm>> -> memref<1x8x1x8x128xf32, #tpu.memory_space<hbm>>
    %dma_wait3A_708 = tpu.memref_squeeze %dma_wait3A_707 : memref<1x8x1x8x128xf32, #tpu.memory_space<hbm>> -> memref<8x8x128xf32, #tpu.memory_space<hbm>>
    %dma_wait3A_709 = arith.constant 0 : i32
    %dma_wait3A_710 = arith.constant 0 : i32
    %dma_wait3A_711 = arith.constant 0 : i32
    %dma_wait3A_712 = tpu.memref_slice %arg8[%dma_wait3A_709, %dma_wait3A_710, %dma_wait3A_711] : memref<8x8x145xf32, #tpu.memory_space<vmem>> -> memref<8x8x128xf32, #tpu.memory_space<vmem>>
    tpu.wait_dma2 semaphore(%arg12 : memref<!tpu.dma_semaphore, #tpu.memory_space<semaphore_mem>>) src(%dma_wait3A_712 : memref<8x8x128xf32, #tpu.memory_space<vmem>>) dst(%dma_wait3A_708 : memref<8x8x128xf32, #tpu.memory_space<hbm>>)
    %add3A_713 = arith.constant 199 : i32
    %add3A_714 = arith.addi %mul3A_2, %add3A_713 : i32
    %jit3A_715 = arith.constant 128 : i32
    %div3A_716 = arith.divsi %add3A_714, %jit3A_715 : i32
    %sign3A_717 = arith.constant 0 : i32
    %sign3A_718 = arith.cmpi sgt, %add3A_714, %sign3A_717 : i32
    %sign3A_719 = arith.extui %sign3A_718 : i1 to i32
    %sign3A_720 = arith.constant 0 : i32
    %sign3A_721 = arith.cmpi slt, %add3A_714, %sign3A_720 : i32
    %sign3A_722 = arith.extui %sign3A_721 : i1 to i32
    %sign3A_723 = arith.subi %sign3A_719, %sign3A_722 : i32
    %sign3A_724 = arith.constant 0 : i32
    %sign3A_725 = arith.cmpi sgt, %jit3A_715, %sign3A_724 : i32
    %sign3A_726 = arith.extui %sign3A_725 : i1 to i32
    %sign3A_727 = arith.constant 0 : i32
    %sign3A_728 = arith.cmpi slt, %jit3A_715, %sign3A_727 : i32
    %sign3A_729 = arith.extui %sign3A_728 : i1 to i32
    %sign3A_730 = arith.subi %sign3A_726, %sign3A_729 : i32
    %ne3A_731 = arith.cmpi ne, %sign3A_723, %sign3A_730 : i32
    %rem3A_732 = arith.remsi %add3A_714, %jit3A_715 : i32
    %ne3A_733 = arith.constant 0 : i32
    %ne3A_734 = arith.cmpi ne, %rem3A_732, %ne3A_733 : i32
    %and3A_735 = arith.andi %ne3A_731, %ne3A_734 : i1
    %sub3A_736 = arith.constant 1 : i32
    %sub3A_737 = arith.subi %div3A_716, %sub3A_736 : i32
    %select_n3A_738 = arith.select %and3A_735, %sub3A_737, %div3A_716 : i32
    %jit3A_739 = arith.constant 128 : i32
    %eq3A_740 = arith.constant 0 : i32
    %eq3A_741 = arith.cmpi eq, %jit3A_739, %eq3A_740 : i32
    %jit3A_742 = arith.constant 1 : i32
    %select_n3A_743 = arith.select %eq3A_741, %jit3A_742, %jit3A_739 : i32
    %rem3A_744 = arith.remsi %add3A_714, %select_n3A_743 : i32
    %ne3A_745 = arith.constant 0 : i32
    %ne3A_746 = arith.cmpi ne, %rem3A_744, %ne3A_745 : i32
    %lt3A_747 = arith.constant 0 : i32
    %lt3A_748 = arith.cmpi slt, %rem3A_744, %lt3A_747 : i32
    %lt3A_749 = arith.constant 0 : i32
    %lt3A_750 = arith.cmpi slt, %select_n3A_743, %lt3A_749 : i32
    %ne3A_751 = arith.xori %lt3A_748, %lt3A_750 : i1
    %and3A_752 = arith.andi %ne3A_751, %ne3A_746 : i1
    %add3A_753 = arith.addi %rem3A_744, %select_n3A_743 : i32
    %select_n3A_754 = arith.select %and3A_752, %add3A_753, %rem3A_744 : i32
    %dma_wait3A_755 = arith.constant 0 : i32
    %dma_wait3A_756 = arith.constant 0 : i32
    %dma_wait3A_757 = arith.constant 0 : i32
    %dma_wait3A_758 = tpu.memref_slice %arg9[%dma_wait3A_755, %dma_wait3A_756, %dma_wait3A_757] : memref<8x8x145xf32, #tpu.memory_space<vmem>> -> memref<8x8x128xf32, #tpu.memory_space<vmem>>
    %dma_wait3A_759 = arith.constant 0 : i32
    %dma_wait3A_760 = arith.constant 0 : i32
    %dma_wait3A_761 = arith.constant 0 : i32
    %dma_wait3A_762 = tpu.memref_slice %arg4[%select_n3A_738, %dma_wait3A_759, %select_n3A_754, %dma_wait3A_760, %dma_wait3A_761] : memref<50x8x128x8x128xf32, #tpu.memory_space<hbm>> -> memref<1x8x1x8x128xf32, #tpu.memory_space<hbm>>
    %dma_wait3A_763 = tpu.memref_squeeze %dma_wait3A_762 : memref<1x8x1x8x128xf32, #tpu.memory_space<hbm>> -> memref<8x8x128xf32, #tpu.memory_space<hbm>>
    %dma_wait3A_764 = arith.constant 0 : i32
    %dma_wait3A_765 = arith.constant 0 : i32
    %dma_wait3A_766 = arith.constant 0 : i32
    %dma_wait3A_767 = tpu.memref_slice %arg4[%select_n3A_738, %dma_wait3A_764, %select_n3A_754, %dma_wait3A_765, %dma_wait3A_766] : memref<50x8x128x8x128xf32, #tpu.memory_space<hbm>> -> memref<1x8x1x8x128xf32, #tpu.memory_space<hbm>>
    %dma_wait3A_768 = tpu.memref_squeeze %dma_wait3A_767 : memref<1x8x1x8x128xf32, #tpu.memory_space<hbm>> -> memref<8x8x128xf32, #tpu.memory_space<hbm>>
    %dma_wait3A_769 = arith.constant 0 : i32
    %dma_wait3A_770 = arith.constant 0 : i32
    %dma_wait3A_771 = arith.constant 0 : i32
    %dma_wait3A_772 = tpu.memref_slice %arg9[%dma_wait3A_769, %dma_wait3A_770, %dma_wait3A_771] : memref<8x8x145xf32, #tpu.memory_space<vmem>> -> memref<8x8x128xf32, #tpu.memory_space<vmem>>
    tpu.wait_dma2 semaphore(%arg13 : memref<!tpu.dma_semaphore, #tpu.memory_space<semaphore_mem>>) src(%dma_wait3A_772 : memref<8x8x128xf32, #tpu.memory_space<vmem>>) dst(%dma_wait3A_768 : memref<8x8x128xf32, #tpu.memory_space<hbm>>)
    return
  }
}

</mosaic_0001>

<sc_bundles>
// kernel: kernel.3.cloned.1.call-start
scs
__scs_entry_jumppad:
0x0: {  	(pc) =	sbr.rel $0x88, $3  }
0x1: {  	(tag) =	ssettag $0x0;
	lr =	simm.s32 $0x1  }
0x2: {  	[smem:$0x3F9F] =	sst lr;
	_ =	strace $0xD0000000  }
0x3: {  	_ = 	snop  }
0x4: {  	_ = 	snop  }
0x5: {  	_ = 	snop  }
0x6: {  	_ = 	snop  }
0x7: {  	_ = 	snop  }
__scs_overlays_trampoline_lowered:
0x8: {  	[smem:$0x3FAE] =	sst s0  }
0x9: {  	[smem:$0x3FAF] =	sst s1  }
0xa: {  	[smem:$0x3FB0] =	sst s2  }
0xb: {  	[smem:$0x3FB1] =	sst s3  }
0xc: {  	[smem:$0x3FB2] =	sst s4  }
0xd: {  	[smem:$0x3FB3] =	sst s5  }
0xe: {  	[smem:$0x3FB4] =	sst s6  }
0xf: {  	[smem:$0x3FB5] =	sst s7  }
0x10: {  	[smem:$0x3FB6] =	sst s8  }
0x11: {  	[smem:$0x3FB7] =	sst s9;
	s0 =	simm.s32 @!p0 $0x0  }
0x12: {  	s1 =	sld [smem:$0x3F9D];
	s0 =	simm.s32 @p0 $0x1  }
0x13: {  	[smem:$0x3FB8] =	sst s0;
	s0 =	simm.s32 @!p1 $0x0  }
0x14: {  	s2 =	sld [smem:$0x3F9C];
	s0 =	simm.s32 @p1 $0x1  }
0x15: {  	[smem:$0x3FB9] =	sst s0;
	s0 =	simm.s32 @!p2 $0x0  }
0x16: {  	s3 =	sld [smem:$0x3FDB];
	s0 =	simm.s32 @p2 $0x1  }
0x17: {  	s4 =	simm.s32 $0x1BF5;
	[smem:$0x3FBB] =	sst s0  }
0x18: {  	s0 =	sld [smem:$0x3F9E];
	_ =	swait.ge [sflag:s4], $0x0  }
0x19: {  	s7 =	sld [smem:$0x3F9F]  }
0x1a: {  	s8 =	sadd.s32 $0xFFFFE003, lr  }
0x1b: {  	s9 =	sadd.s32 $0xFFFFFEF7, lr;
	s5 =	simm.s32 $0xFFFFFFFF;
	p2 =	slt.u32 s8, $0xFFFFF086  }
0x1c: {  	p1 =	slt.u32 s9, $0xF7A;
	s5 =	simm.s32 @!p2 $0x0  }
0x1d: {  	s5 =	simm.s32 @p1 $0x1;
	p0 =	seq.s32 s7, s2  }
0x1e: {  	s7 =	smul.u32 @!p0 $0xF7A, s2;
	p2 =	seq.s32 @!p0 s5, $0x0  }
0x1f: {  	s9 =	smul.u32 $0xF7A, s1;
	s8 =	simm.s32 @!p0 $0x1BF5;
	p2 =	por !p2, p0  }
0x20: {  	[sflag:s8] =	ssyncset.s32 @!p0 $0xFFFFF086;
	s6 =	sadd.s32 @!p0 s3, s7;
	s7 =	simm.s32 @!p0 $0x108  }
0x21: {  	s3 =	sadd.s32 s3, s9;
	s6 =	sadd.s32 @!p0 $0x88, s6;
	s7 =	simm.s32 @p2 $0x1082  }
0x22: {  	[simem:s7], [sflag:s8] =	dma.local @!p0 [hbm:s6], $0xF7A  }
0x23: {  	s9 =	sor.u32 $0xD0000000, s2;
	s6 =	simm.s32 $0x108;
	_ =	swait.ge @!p0 [sflag:s8], $0x0  }
0x24: {  	s3 =	sadd.s32 $0x88, s3;
	s6 =	simm.s32 @!p1 $0x1082;
	[sflag:s4] =	ssyncset.s32 $0xFFFFF086  }
0x25: {  	[simem:s6], [sflag:s4] =	dma.local [hbm:s3], $0xF7A  }
0x26: {  	[smem:$0x3F9F] =	sst s1;
	(tag) =	ssettag s2;
	_ =	strace s9  }
0x27: {  	s1 =	sld [smem:$0x3FAF]  }
0x28: {  	s2 =	sld [smem:$0x3FB0]  }
0x29: {  	s4 =	sld [smem:$0x3FB2]  }
0x2a: {  	p0 =	seq.s32 s5, $0x0;
	s5 =	sld [smem:$0x3FB3]  }
0x2b: {  	s6 =	sld [smem:$0x3FB4]  }
0x2c: {  	s7 =	sld [smem:$0x3FB5]  }
0x2d: {  	s3 =	simm.s32 $0x108;
	s8 =	sld [smem:$0x3FB6]  }
0x2e: {  	s3 =	simm.s32 @!p0 $0x1082;
	s9 =	sld [smem:$0x3FB7]  }
0x2f: {  	lr =	sadd.s32 s0, s3;
	s0 =	sld [smem:$0x3FAE]  }
0x30: {  	s3 =	sld [smem:$0x3FB1]  }
0x31: {  	[smem:$0x3FBA] =	sst s10  }
0x32: {  	s10 =	sld [smem:$0x3FB8];
	_ =	sdelay $0x3  }
0x33: {  	p0 =	seq.s32 s10, $0x1;
	s10 =	sld [smem:$0x3FBA];
	_ =	sdelay $0x3  }
0x34: {  	[smem:$0x3FBA] =	sst s10  }
0x35: {  	s10 =	sld [smem:$0x3FB9];
	_ =	sdelay $0x3  }
0x36: {  	p1 =	seq.s32 s10, $0x1;
	s10 =	sld [smem:$0x3FBA];
	_ =	sdelay $0x3  }
0x37: {  	[smem:$0x3FBA] =	sst s10  }
0x38: {  	s10 =	sld [smem:$0x3FBB]  }
0x39: {  	_ = 	snop;
	(pc) =	sbr.ind lr, $3  }
0x3a: {  	_ = 	snop  }
0x3b: {  	_ = 	snop  }
0x3c: {  	p2 =	seq.s32 s10, $0x1;
	s10 =	sld [smem:$0x3FBA]  }
0x3d: {  	_ =	shalt  }
0x3e: {  	_ =	shalt  }
0x3f: {  	_ =	shalt  }
0x40: {  	_ =	shalt  }
0x41: {  	_ =	shalt  }
0x42: {  	_ =	shalt  }
0x43: {  	_ =	shalt  }
0x44: {  	_ =	shalt  }
0x45: {  	_ =	shalt  }
0x46: {  	_ =	shalt  }
0x47: {  	_ =	shalt  }
0x48: {  	_ =	shalt  }
0x49: {  	_ =	shalt  }
0x4a: {  	_ =	shalt  }
0x4b: {  	_ =	shalt  }
0x4c: {  	_ =	shalt  }
0x4d: {  	_ =	shalt  }
0x4e: {  	_ =	shalt  }
0x4f: {  	_ =	shalt  }
0x50: {  	_ =	shalt  }
0x51: {  	_ =	shalt  }
0x52: {  	_ =	shalt  }
0x53: {  	_ =	shalt  }
0x54: {  	_ =	shalt  }
0x55: {  	_ =	shalt  }
0x56: {  	_ =	shalt  }
0x57: {  	_ =	shalt  }
0x58: {  	_ =	shalt  }
0x59: {  	_ =	shalt  }
0x5a: {  	_ =	shalt  }
0x5b: {  	_ =	shalt  }
0x5c: {  	_ =	shalt  }
0x5d: {  	_ =	shalt  }
0x5e: {  	_ =	shalt  }
0x5f: {  	_ =	shalt  }
0x60: {  	_ =	shalt  }
0x61: {  	_ =	shalt  }
0x62: {  	_ =	shalt  }
0x63: {  	_ =	shalt  }
0x64: {  	_ =	shalt  }
0x65: {  	_ =	shalt  }
0x66: {  	_ =	shalt  }
0x67: {  	_ =	shalt  }
0x68: {  	_ =	shalt  }
0x69: {  	_ =	shalt  }
0x6a: {  	_ =	shalt  }
0x6b: {  	_ =	shalt  }
0x6c: {  	_ =	shalt  }
0x6d: {  	_ =	shalt  }
0x6e: {  	_ =	shalt  }
0x6f: {  	_ =	shalt  }
0x70: {  	_ =	shalt  }
0x71: {  	_ =	shalt  }
0x72: {  	_ =	shalt  }
0x73: {  	_ =	shalt  }
0x74: {  	_ =	shalt  }
0x75: {  	_ =	shalt  }
0x76: {  	_ =	shalt  }
0x77: {  	_ =	shalt  }
0x78: {  	_ =	shalt  }
0x79: {  	_ =	shalt  }
0x7a: {  	_ =	shalt  }
0x7b: {  	_ =	shalt  }
0x7c: {  	_ =	shalt  }
0x7d: {  	_ =	shalt  }
0x7e: {  	_ =	shalt  }
0x7f: {  	_ =	shalt  }
0x80: {  	_ =	shalt  }
0x81: {  	_ =	shalt  }
0x82: {  	_ =	shalt  }
0x83: {  	_ =	shalt  }
0x84: {  	_ =	shalt  }
0x85: {  	_ =	shalt  }
0x86: {  	_ =	shalt  }
0x87: {  	_ =	shalt  }
.Lfunc_end0:
.L_simem_size_0:
called_computation_lowered:
.L_overlay_start_0:
0x88: {  	s2 =	sld [smem:$0x3FD9]  }
0x89: {  	s3 =	sld [smem:$0x3FFE];
	_ =	sdelay $0x1  }
0x8a: {  	s1 =	srdreg.scid  }
0x8b: {  	s0 =	sand.u32 $0x1, s1  }
0x8c: {  	s17 =	sshll.u32 s0, $0xA;
	s2 =	sadd.s32 s3, s2  }
0x8d: {  	s2 =	sadd.s32 s2, s17  }
0x8e: {  	[smem:$0x3FC6] =	sst s2  }
0x8f: {  	_ = 	snop  }
0x90: {  	s2 =	sld [smem:$0x3FD0];
	(tm) =	ssettm $0x1  }
0x91: {  	s18 =	sld [smem:$0x3FFB];
	_ =	sdelay $0x3  }
0x92: {  	_ =	strace s18  }
0x93: {  	s3 =	sld [smem:$0x3FFC];
	_ =	sdelay $0x3  }
0x94: {  	_ =	strace s3  }
0x95: {  	s3 =	sld [smem:$0x3FFD];
	_ =	sdelay $0x3  }
0x96: {  	_ =	strace s3  }
0x97: {  	_ =	strace $0x8FFFFFFF  }
0x98: {  	s19 =	sld [smem:$0x3FDB];
	_ =	sdelay $0x1  }
0x99: {  	s4 =	simm.s32 $_scs_section_size  }
0x9a: {  	s5 =	simm.s32 $_size__tile_overlayer_lowered;
	s6 =	simm.s32 $_tile_overlayer_lowered  }
0x9b: {  	s22 =	simm.s32 $0x1BFF;
	s21 =	sshll.u32 s6, $0x1;
	s3 =	sadd.s32 s4, s19  }
0x9c: {  	s7 =	simm.s32 $0x0;
	s20 =	sshll.u32 s5, $0x1;
	s5 =	sadd.s32 s21, s3  }
0x9d: {  	[timem:s7], [sflag:s22] =	dma.local [hbm:s5], s20  }
0x9e: {  	_ =	swait.ge [sflag:s22], s20  }
0x9f: {  	s4 =	ssub.s32 $0x0, s20;
	[sflag:s22] =	ssyncset.done $0x0  }
0xa0: {  	[sflag:s22] =	ssyncadd.s32 s4;
	_ =	sdelay $0x1  }
0xa1: {  	s23 =	simm.s32 $0x1B8B  }
0xa2: {  	_ =	swait.ge [sflag:s23], $0x1  }
0xa3: {  	[sflag:s23] =	ssyncset.done $0x0  }
0xa4: {  	s25 =	simm.s32 $0x1B8E;
	s24 =	sld [smem:$0x3FFE];
	[sflag:s23] =	ssyncadd.s32 $0xFFFFFFFF  }
0xa5: {  	s26 =	simm.s32 $execute0_lowered;
	[smem:$0x3FD2] =	sst s25  }
0xa6: {  	s5 =	sshll.u32 s26, $0x1;
	_ =	strace $0x80000046;
	[dreg:$0x1] =	wrdreg $0xFFFFFFFF  }
0xa7: {  	s28 =	simm.s32 $_size_execute0_lowered;
	s3 =	sadd.s32 s3, s5;
	[dreg:$0x0] =	wrdreg $0x0  }
0xa8: {  	s5 =	sshll.u32 s28, $0x1;
	[dreg:$0x2] =	wrdreg s3  }
0xa9: {  	[dreg:$0x3] =	wrdreg s5  }
0xaa: {  	[dreg:$0x4] =	wrdreg $0xC0  }
0xab: {  	_ =	task [dreg:s7], $0x5FFFF  }
0xac: {  	[dreg:$0x1] =	wrdreg $0xFFFFFFFF  }
0xad: {  	[dreg:$0x0] =	wrdreg $0x60  }
0xae: {  	[dreg:$0x2] =	wrdreg s24  }
0xaf: {  	[dreg:$0x3] =	wrdreg s2  }
0xb0: {  	[dreg:$0x4] =	wrdreg $0x9  }
0xb1: {  	_ =	task.clear_ibuf [dreg:s7], $0x5FFFF;
	_ =	strace $0x90000046  }
0xb2: {  	s29 =	simm.s32 $0x9;
	_ =	strace $0x80000048  }
0xb3: {  	_ =	swait.ge [sflag:s29], $0x1  }
0xb4: {  	[sflag:s29] =	ssyncadd.s32 $0xFFFFFFFF  }
0xb5: {  	_ =	strace $0x90000048  }
0xb6: {  	_ =	sfence  }
0xb7: {  	s30 =	sld [smem:$0x0];
	_ =	sdelay $0x2  }
0xb8: {  	s31 =	sshll.u32 s1, $0xD;
	s1 =	sshrl.u32 s1, $0x2  }
0xb9: {  	s3 =	sand.u32 $0x4000, s31;
	s1 =	sadd.s32 s1, s30  }
0xba: {  	s0 =	sor.u32 s3, s0;
	s1 =	sshll.u32 s1, $0x11  }
0xbb: {  	s0 =	sor.u32 s1, s0  }
0xbc: {  	s0 =	sadd.s32 $0x8F2B, s0  }
0xbd: {  	[sflag:s0] =	ssyncadd.remote.s32 $0x1  }
0xbe: {  	_ =	sfence.sel $0xFFFF  }
0xbf: {  	[dreg:$0x0] =	wrdreg $0xFFFFFFFF;
	(pc) =	sbr.abs _section_cstart, $3  }
0xc0: {  	[dreg:$0x1] =	wrdreg $0xFFFFFFFF  }
0xc1: {  	_ =	task.clear_ibuf [dreg:s7], $0x2FFFF;
	_ =	strace $0x9FFFFFFF  }
0xc2: {  	(tm) =	ssettm $0x7FFFFFFF  }
0xc3: {  	_ =	shalt  }
tec
execute0_lowered:
.L_overlay_start_1:
0x0: {  	(tag) =	ssettag $0x1  }
0x1: {  	s0 =	srdreg.scid  }
0x2: {  	s1 =	stileid.u32;
	s4 =	rddreg [dreg:$0x0]  }
0x3: {  	s2 =	rddreg [dreg:$0x1];
	s3 =	simm.s32 $0x0;
	s13 =	simm.s32 $0x5  }
0x4: {  	s14 =	simm.s32 $0x80;
	s15 =	simm.s32 $0x6400;
	s16 =	simm.s32 $0x8400  }
0x5: {  	s17 =	simm.s32 $0x1;
	s0 =	sand.u32 $0x1, s0;
	s1 =	sshll.u32 s1, $0x1  }
0x6: {  	v0 =	vlaneseq.u32;
	s18 =	simm.s32 $0xA400;
	s20 =	simm.s32 $0x2;
	s1 =	sor.u32 s0, s1  }
0x7: {  	s21 =	simm.s32 $0xCA00;
	s23 =	simm.s32 $0x3;
	v0 =	vmul.u32 $0x98, v0;
	s5 =	smul.u32 $0x190000, s1  }
0x8: {  	v1 =	vimm.s32 $0x0;
	vm0 =	vcmask $0x300;
	s24 =	simm.s32 $0x4;
	s25 =	simm.s32 $0x0;
	s6 =	smul.u32 $0x12000, s1  }
0x9: {  	[smem:$0x7FF] =	sst s3;
	v1 =	vsel vm0, $0x3, v1;
	s0 =	ssub.s32 $0x2, s0;
	s7 =	smul.u32 $0xC80, s1;
	v2 =	vadd.s32 $0x980, v0  }
0xa: {  	_ =	strace $0x80000047;
	s30 =	sshrl.u32 s0, $0x1;
	s1 =	smul.u32 $0xC8, s1;
	v3 =	vadd.s32 $0x1300, v0;
	v4 =	vadd.s32 $0x1C80, v0;
	v5 =	vor.u32 $0x1, v0  }
0xb: {  	v6 =	vadd.s32 $0x981, v0;
	v7 =	vadd.s32 $0x1301, v0;
	v8 =	vadd.s32 $0x1C81, v0;
	s0 =	ssub.s32 s0, s30;
	s5 =	sand.u32 $0x3F00000, s5;
	s6 =	sand.u32 $0x1E000, s6  }
0xc: {  	v9 =	vor.u32 $0x2, v0;
	v10 =	vadd.s32 $0x982, v0;
	v11 =	vadd.s32 $0x1302, v0;
	s7 =	sadd.s32 s7, s4;
	s4 =	sadd.s32 $0xF42A00, s4;
	s8 =	sor.u32 $0x2, s1  }
0xd: {  	v12 =	vadd.s32 $0x1C82, v0;
	v13 =	vor.u32 $0x3, v0;
	v14 =	vadd.s32 $0x983, v0;
	s9 =	sor.u32 $0x3, s1;
	s10 =	sadd.s32 $0xC6, s1;
	s1 =	sadd.s32 $0xC7, s1  }
0xe: {  	v15 =	vadd.s32 $0x1303, v0;
	v16 =	vadd.s32 $0x1C83, v0;
	v17 =	vor.u32 $0x4, v0;
	s5 =	sor.u32 s6, s5;
	s6 =	sadd.s32 $0x600, s7;
	s11 =	sshll.u32 s10, $0xA  }
0xf: {  	v18 =	vadd.s32 $0x984, v0;
	v19 =	vadd.s32 $0x1304, v0;
	v20 =	vadd.s32 $0x1C84, v0;
	s10 =	sshll.u32 s10, $0x7;
	s12 =	sshll.u32 s1, $0x7;
	s1 =	sshll.u32 s1, $0xA  }
0x10: {  	v21 =	vor.u32 $0x5, v0;
	v22 =	vadd.s32 $0x985, v0;
	v23 =	vadd.s32 $0x1305, v0;
	s5 =	sshrl.u32 s5, $0x3;
	s11 =	sand.u32 $0xFE0000, s11;
	s10 =	sand.u32 $0x3F00, s10  }
0x11: {  	v24 =	vadd.s32 $0x1C85, v0;
	v25 =	vor.u32 $0x6, v0;
	v26 =	vadd.s32 $0x986, v0;
	s12 =	sand.u32 $0x3F80, s12;
	s1 =	sand.u32 $0xFE0000, s1;
	s5 =	sadd.s32 s2, s5  }
0x12: {  	v27 =	vadd.s32 $0x1306, v0;
	v28 =	vadd.s32 $0x1C86, v0;
	v29 =	vor.u32 $0x7, v0;
	s10 =	sadd.s32 s2, s10;
	s31 =	sadd.s32 s2, s12;
	s12 =	smax.u32 s0, $0x1  }
0x13: {  	v30 =	vadd.s32 $0x987, v0;
	v31 =	vadd.s32 $0x1307, v0;
	v32 =	vadd.s32 $0x1C87, v0;
	s7 =	sadd.s32 $0x80, s5;
	s10 =	sadd.s32 s11, s10;
	s11 =	sadd.s32 s1, s31  }
.LBB2_1:
0x14: {  	[tilespmem:s3], [sflag:$0x5] =	stream.linear.gather [hbm4b:s6+s3], $0x6400, $0x38;
	[tilespmem:$0xF000] =	vst v63  }
0x15: {  	s0 =	simm.s32 $0x1  }
0x16: {  	s1 =	simm.s32 $0x2;
	s22 =	simm.s32 $0x3;
	_ =	swait.ge [sflag:s13], $0x6400  }
0x17: {  	s26 =	simm.s32 $0x4;
	s19 =	simm.s32 $0x7;
	[sflag:s13] =	ssyncset.done $0x0  }
0x18: {  	v33 =	vmov s3;
	s29 =	simm.s32 $0x5;
	s30 =	simm.s32 $0x6;
	v34 =	vmov s0;
	v35 =	vmov s1;
	[sflag:s13] =	ssyncadd.s32 $0xFFFF9C00  }
0x19: {  	v33 =	vshrl.u32 v33, $0x3;
	v36 =	vmov s22;
	v37 =	vmov s26;
	[tilespmem:s15], [sflag:$0x1] =	stream.indirect.gather [hbm4b:s4+s14], $0x40, s3, s14, $0xb8;
	[tilespmem:$0xF000] =	vst v63  }
0x1a: {  	v38 =	vmov s19;
	v39 =	vmov s29;
	v40 =	vmov s30  }
0x1b: {  	v33 =	vshll.u32 v33, v1;
	v38 =	vshrl.u32 v38, $0x3;
	v34 =	vshrl.u32 v34, $0x3;
	[tilespmem:s16], [sflag:$0x2] =	stream.indirect.gather [hbm4b:s4+s14], $0x40, s14, s14, $0xb8;
	[tilespmem:$0xF000] =	vst v63  }
0x1c: {  	v35 =	vshrl.u32 v35, $0x3;
	v36 =	vshrl.u32 v36, $0x3;
	v38 =	vshll.u32 v38, v1;
	_ =	swait.ge [sflag:s17], $0x2000  }
0x1d: {  	v37 =	vshrl.u32 v37, $0x3;
	v55 =	vshrl.u32 v39, $0x3;
	v38 =	vbroadcast v38, $0x0;
	[sflag:s17] =	ssyncset.done $0x0  }
0x1e: {  	s26 =	simm.s32 $0x6500;
	v40 =	vshrl.u32 v40, $0x3;
	v33 =	vbroadcast v33, $0x0;
	v34 =	vshll.u32 v34, v1;
	[sflag:s17] =	ssyncadd.s32 $0xFFFFE000  }
0x1f: {  	v52 =	vshll.u32 v35, v1;
	v45 =	vbroadcast v34, $0x0;
	v42 =	vadd.s32 v29, v38;
	v41 =	vld [tilespmem:s26+$0xC0]  }
0x20: {  	v53 =	vshll.u32 v36, v1;
	v52 =	vbroadcast v52, $0x0;
	v44 =	vadd.s32 v0, v33;
	v43 =	vld [tilespmem:s26+$0xFFFFFF00]  }
0x21: {  	v54 =	vshll.u32 v37, v1;
	v35 =	vbroadcast v53, $0x0;
	v47 =	vadd.s32 v5, v45;
	v46 =	vld [tilespmem:s26+$0xFFFFFF40]  }
0x22: {  	v36 =	vshll.u32 v55, v1;
	v34 =	vbroadcast v54, $0x0;
	v49 =	vadd.s32 v9, v52;
	v48 =	vld [tilespmem:s26+$0xFFFFFF80]  }
0x23: {  	v56 =	vshll.u32 v40, v1;
	v37 =	vbroadcast v36, $0x0;
	v50 =	vadd.s32 v13, v35;
	v39 =	vld [tilespmem:s26+$0xFFFFFFC0]  }
0x24: {  	v36 =	vbroadcast v56, $0x0;
	v53 =	vadd.s32 v17, v34;
	v51 =	vld [tilespmem:s26+$0x0];
	[tilespmem:v42+s18+$0x0] =	vst.idx.msk $0xffff, v41  }
0x25: {  	v60 =	vadd.s32 v21, v37;
	v59 =	vld [tilespmem:s26+$0x40];
	[tilespmem:v44+s18+$0x0] =	vst.idx.msk $0xffff, v43  }
0x26: {  	v62 =	vadd.s32 v25, v36;
	v61 =	vld [tilespmem:s26+$0x80];
	[tilespmem:v47+s18+$0x0] =	vst.idx.msk $0xffff, v46  }
0x27: {  	v58 =	vadd.s32 v30, v38;
	[tilespmem:v49+s18+$0x0] =	vst.idx.msk $0xffff, v48;
	v57 =	vld [tilespmem:s26+$0xD0]  }
0x28: {  	v63 =	vadd.s32 v6, v45;
	[tilespmem:v50+s18+$0x0] =	vst.idx.msk $0xffff, v39;
	v47 =	vld [tilespmem:s26+$0xFFFFFF50]  }
0x29: {  	v55 =	vadd.s32 v10, v52;
	[tilespmem:v53+s18+$0x0] =	vst.idx.msk $0xffff, v51;
	v54 =	vld [tilespmem:s26+$0xFFFFFF90]  }
0x2a: {  	v56 =	vadd.s32 v14, v35;
	[tilespmem:v60+s18+$0x0] =	vst.idx.msk $0xffff, v59;
	v50 =	vld [tilespmem:s26+$0xFFFFFFD0]  }
0x2b: {  	[tilespmem:v62+s18+$0x0] =	vst.idx.msk $0xffff, v61;
	v46 =	vadd.s32 v22, v37;
	v44 =	vld [tilespmem:s26+$0x50]  }
0x2c: {  	v59 =	vadd.s32 v18, v34;
	[tilespmem:v58+s18+$0x0] =	vst.idx.msk $0xffff, v57;
	v58 =	vld [tilespmem:s26+$0x10]  }
0x2d: {  	v57 =	vadd.s32 v31, v38;
	[tilespmem:v63+s18+$0x0] =	vst.idx.msk $0xffff, v47;
	v40 =	vld [tilespmem:s26+$0xE0]  }
0x2e: {  	v60 =	vadd.s32 v26, v36;
	[tilespmem:v55+s18+$0x0] =	vst.idx.msk $0xffff, v54;
	v63 =	vld [tilespmem:s26+$0x90]  }
0x2f: {  	v62 =	vadd.s32 v2, v33;
	v61 =	vld [tilespmem:s26+$0xFFFFFF10];
	[tilespmem:v56+s18+$0x0] =	vst.idx.msk $0xffff, v50  }
0x30: {  	v51 =	vadd.s32 v7, v45;
	[tilespmem:v46+s18+$0x0] =	vst.idx.msk $0xffff, v44;
	v50 =	vld [tilespmem:s26+$0xFFFFFF60]  }
0x31: {  	v56 =	vadd.s32 v11, v52;
	v55 =	vld [tilespmem:s26+$0xFFFFFFA0];
	[tilespmem:v59+s18+$0x0] =	vst.idx.msk $0xffff, v58  }
0x32: {  	v58 =	vadd.s32 v15, v35;
	[tilespmem:v57+s18+$0x0] =	vst.idx.msk $0xffff, v40;
	v57 =	vld [tilespmem:s26+$0xFFFFFFE0]  }
0x33: {  	[tilespmem:v60+s18+$0x0] =	vst.idx.msk $0xffff, v63;
	v60 =	vadd.s32 v19, v34;
	v59 =	vld [tilespmem:s26+$0x20]  }
0x34: {  	s1 =	simm.s32 $0x9;
	v38 =	vadd.s32 v32, v38;
	[tilespmem:v62+s18+$0x0] =	vst.idx.msk $0xffff, v61;
	v54 =	vld [tilespmem:s26+$0xF0]  }
0x35: {  	s31 =	simm.s32 $0x8;
	v41 =	vadd.s32 v23, v37;
	v53 =	vmov s1;
	[tilespmem:v51+s18+$0x0] =	vst.idx.msk $0xffff, v50;
	v40 =	vld [tilespmem:s26+$0x60]  }
0x36: {  	s22 =	simm.s32 $0xB;
	s29 =	simm.s32 $0xC;
	v43 =	vadd.s32 v27, v36;
	v48 =	vadd.s32 v3, v33;
	v63 =	vmov s31;
	v42 =	vld [tilespmem:s26+$0xA0];
	[tilespmem:v56+s18+$0x0] =	vst.idx.msk $0xffff, v55  }
0x37: {  	v44 =	vmov s22;
	v47 =	vmov s29;
	v46 =	vld [tilespmem:s26+$0xFFFFFF20];
	s31 =	simm.s32 $0xE;
	v39 =	vshrl.u32 v63, $0x3;
	[tilespmem:v58+s18+$0x0] =	vst.idx.msk $0xffff, v57  }
0x38: {  	s19 =	simm.s32 $0xA;
	s30 =	simm.s32 $0xD;
	v51 =	vadd.s32 v8, v45;
	v49 =	vld [tilespmem:s26+$0xFFFFFF70];
	v45 =	vshll.u32 v39, v1;
	v39 =	vmov s31;
	[tilespmem:v60+s18+$0x0] =	vst.idx.msk $0xffff, v59  }
0x39: {  	s28 =	simm.s32 $0x10;
	s1 =	simm.s32 $0xF;
	v52 =	vadd.s32 v12, v52;
	v50 =	vld [tilespmem:s26+$0xFFFFFFB0];
	[tilespmem:v38+s18+$0x0] =	vst.idx.msk $0xffff, v54;
	v54 =	vmov s19;
	v38 =	vmov s30  }
.LBB2_2:
0x3a: {  	p0 =	slt.u32 s28, $0x78;
	v53 =	vshrl.u32 v53, $0x3;
	v55 =	vmov s1;
	v56 =	vld [tilespmem:s26+$0xFFFFFFF0];
	v35 =	vadd.s32 v16, v35;
	[tilespmem:v41+s18+$0x0] =	vst.idx.msk $0xffff, v40  }
0x3b: {  	v40 =	vshrl.u32 v54, $0x3;
	v34 =	vadd.s32 v20, v34;
	v41 =	vshrl.u32 v55, $0x3;
	v54 =	vld [tilespmem:s26+$0x30];
	[tilespmem:v43+s18+$0x0] =	vst.idx.msk $0xffff, v42  }
0x3c: {  	v37 =	vadd.s32 v24, v37;
	v42 =	vshrl.u32 v44, $0x3;
	v41 =	vshll.u32 v41, v1;
	[tilespmem:v48+s18+$0x0] =	vst.idx.msk $0xffff, v46;
	v43 =	vld [tilespmem:s26+$0x70]  }
0x3d: {  	v36 =	vadd.s32 v28, v36;
	v44 =	vshrl.u32 v47, $0x3;
	v41 =	vbroadcast v41, $0x0;
	[tilespmem:v51+s18+$0x0] =	vst.idx.msk $0xffff, v49;
	v46 =	vld [tilespmem:s26+$0xB0]  }
0x3e: {  	v47 =	vshll.u32 v53, v1;
	v49 =	vadd.s32 v4, v33;
	v33 =	vbroadcast v45, $0x0;
	v48 =	vld [tilespmem:s26+$0xFFFFFF30];
	[tilespmem:v52+s18+$0x0] =	vst.idx.msk $0xffff, v50;
	s26 =	sadd.s32 $0x200, s26  }
0x3f: {  	v40 =	vshll.u32 v40, v1;
	v45 =	vbroadcast v47, $0x0;
	v47 =	vld [tilespmem:s26+$0xC0];
	v50 =	vadd.s32 v29, v41;
	[tilespmem:v35+s18+$0x0] =	vst.idx.msk $0xffff, v56  }
0x40: {  	v55 =	vbroadcast v40, $0x0;
	v52 =	vadd.s32 v0, v33;
	v35 =	vshll.u32 v42, v1;
	v51 =	vld [tilespmem:s26+$0xFFFFFF00];
	[tilespmem:v34+s18+$0x0] =	vst.idx.msk $0xffff, v54  }
0x41: {  	v42 =	vadd.s32 v5, v45;
	v35 =	vbroadcast v35, $0x0;
	v34 =	vshll.u32 v44, v1;
	v40 =	vld [tilespmem:s26+$0xFFFFFF40];
	[tilespmem:v37+s18+$0x0] =	vst.idx.msk $0xffff, v43  }
0x42: {  	v44 =	vadd.s32 v9, v55;
	v34 =	vbroadcast v34, $0x0;
	v37 =	vshrl.u32 v38, $0x3;
	v43 =	vld [tilespmem:s26+$0xFFFFFF80];
	[tilespmem:v36+s18+$0x0] =	vst.idx.msk $0xffff, v46  }
0x43: {  	v39 =	vshrl.u32 v39, $0x3;
	v46 =	vadd.s32 v13, v35;
	v36 =	vshll.u32 v37, v1;
	v38 =	vld [tilespmem:s26+$0xFFFFFFC0];
	[tilespmem:v49+s18+$0x0] =	vst.idx.msk $0xffff, v48  }
0x44: {  	v49 =	vadd.s32 v17, v34;
	v37 =	vbroadcast v36, $0x0;
	v36 =	vshll.u32 v39, v1;
	v48 =	vld [tilespmem:s26+$0x0];
	[tilespmem:v50+s18+$0x0] =	vst.idx.msk $0xffff, v47  }
0x45: {  	v36 =	vbroadcast v36, $0x0;
	v47 =	vadd.s32 v30, v41;
	[tilespmem:v52+s18+$0x0] =	vst.idx.msk $0xffff, v51;
	v39 =	vld [tilespmem:s26+$0xD0]  }
0x46: {  	[tilespmem:v42+s18+$0x0] =	vst.idx.msk $0xffff, v40;
	v40 =	vld [tilespmem:s26+$0x40];
	v42 =	vadd.s32 v21, v37  }
0x47: {  	[tilespmem:v44+s18+$0x0] =	vst.idx.msk $0xffff, v43;
	v43 =	vld [tilespmem:s26+$0x80];
	v44 =	vadd.s32 v25, v36  }
0x48: {  	v51 =	vadd.s32 v6, v45;
	v50 =	vld [tilespmem:s26+$0xFFFFFF50];
	[tilespmem:v46+s18+$0x0] =	vst.idx.msk $0xffff, v38  }
0x49: {  	v46 =	vadd.s32 v10, v55;
	v38 =	vld [tilespmem:s26+$0xFFFFFF90];
	[tilespmem:v49+s18+$0x0] =	vst.idx.msk $0xffff, v48  }
0x4a: {  	v49 =	vadd.s32 v14, v35;
	v48 =	vld [tilespmem:s26+$0xFFFFFFD0];
	[tilespmem:v47+s18+$0x0] =	vst.idx.msk $0xffff, v39  }
0x4b: {  	[tilespmem:v42+s18+$0x0] =	vst.idx.msk $0xffff, v40;
	v39 =	vld [tilespmem:s26+$0xE0];
	v40 =	vadd.s32 v31, v41  }
0x4c: {  	v47 =	vadd.s32 v18, v34;
	v42 =	vld [tilespmem:s26+$0x10];
	[tilespmem:v44+s18+$0x0] =	vst.idx.msk $0xffff, v43  }
0x4d: {  	v44 =	vadd.s32 v22, v37;
	[tilespmem:v51+s18+$0x0] =	vst.idx.msk $0xffff, v50;
	v43 =	vld [tilespmem:s26+$0x50]  }
0x4e: {  	[tilespmem:v46+s18+$0x0] =	vst.idx.msk $0xffff, v38;
	v38 =	vld [tilespmem:s26+$0x90];
	v46 =	vadd.s32 v26, v36  }
0x4f: {  	v51 =	vadd.s32 v2, v33;
	v50 =	vld [tilespmem:s26+$0xFFFFFF10];
	[tilespmem:v49+s18+$0x0] =	vst.idx.msk $0xffff, v48  }
0x50: {  	v49 =	vadd.s32 v7, v45;
	v48 =	vld [tilespmem:s26+$0xFFFFFF60];
	[tilespmem:v40+s18+$0x0] =	vst.idx.msk $0xffff, v39  }
0x51: {  	[tilespmem:v47+s18+$0x0] =	vst.idx.msk $0xffff, v42;
	v39 =	vld [tilespmem:s26+$0xF0];
	v47 =	vadd.s32 v32, v41  }
0x52: {  	v56 =	vadd.s32 v11, v55;
	v52 =	vld [tilespmem:s26+$0xFFFFFFA0];
	[tilespmem:v44+s18+$0x0] =	vst.idx.msk $0xffff, v43  }
0x53: {  	v58 =	vadd.s32 v15, v35;
	v57 =	vld [tilespmem:s26+$0xFFFFFFE0];
	[tilespmem:v46+s18+$0x0] =	vst.idx.msk $0xffff, v38  }
0x54: {  	v60 =	vadd.s32 v19, v34;
	[tilespmem:v51+s18+$0x0] =	vst.idx.msk $0xffff, v50;
	v59 =	vld [tilespmem:s26+$0x20]  }
.Ltmp0:
0x55: {  	s0 =	sadd.s32 $0x1, s28;
	v41 =	vadd.s32 v23, v37;
	v38 =	vmov s28;
	[tilespmem:v49+s18+$0x0] =	vst.idx.msk $0xffff, v48;
	v40 =	vld [tilespmem:s26+$0x60];
	(pc) =	sbr.rel @p0 .LBB2_2-.Ltmp0, $4  }
0x56: {  	s1 =	sadd.s32 $0x3, s28;
	v53 =	vmov s0;
	s0 =	sadd.s32 $0x2, s28;
	v43 =	vadd.s32 v27, v36;
	v50 =	vshrl.u32 v38, $0x3;
	v42 =	vld [tilespmem:s26+$0xA0];
	[tilespmem:v47+s18+$0x0] =	vst.idx.msk $0xffff, v39  }
0x57: {  	v54 =	vmov s0;
	s0 =	sadd.s32 $0x4, s28;
	v44 =	vmov s1;
	s1 =	sadd.s32 $0x5, s28;
	v48 =	vadd.s32 v3, v33;
	v46 =	vld [tilespmem:s26+$0xFFFFFF20];
	[tilespmem:v56+s18+$0x0] =	vst.idx.msk $0xffff, v52  }
0x58: {  	v38 =	vmov s1;
	v51 =	vadd.s32 v8, v45;
	v47 =	vmov s0;
	s0 =	sadd.s32 $0x6, s28;
	v49 =	vld [tilespmem:s26+$0xFFFFFF70];
	[tilespmem:v58+s18+$0x0] =	vst.idx.msk $0xffff, v57  }
0x59: {  	s1 =	sadd.s32 $0x7, s28;
	v45 =	vshll.u32 v50, v1;
	s28 =	sadd.s32 $0x8, s28;
	v39 =	vmov s0;
	v52 =	vadd.s32 v12, v55;
	v50 =	vld [tilespmem:s26+$0xFFFFFFB0];
	[tilespmem:v60+s18+$0x0] =	vst.idx.msk $0xffff, v59  }
0x5a: {  	_ =	sdelay $0x2  }
0x5b: {  	v53 =	vshrl.u32 v53, $0x3  }
0x5c: {  	v55 =	vmov s1;
	v56 =	vld [tilespmem:s26+$0xFFFFFFF0];
	v35 =	vadd.s32 v16, v35;
	[tilespmem:v41+s18+$0x0] =	vst.idx.msk $0xffff, v40;
	v57 =	vshrl.u32 v54, $0x3  }
0x5d: {  	v59 =	vld [tilespmem:s26+$0x30];
	v34 =	vadd.s32 v20, v34;
	v60 =	vshrl.u32 v44, $0x3;
	v58 =	vshrl.u32 v55, $0x3;
	[tilespmem:v43+s18+$0x0] =	vst.idx.msk $0xffff, v42  }
0x5e: {  	v37 =	vadd.s32 v24, v37;
	v62 =	vshrl.u32 v47, $0x3;
	v61 =	vld [tilespmem:s26+$0x70];
	v41 =	vshll.u32 v58, v1;
	[tilespmem:v48+s18+$0x0] =	vst.idx.msk $0xffff, v46  }
0x5f: {  	v36 =	vadd.s32 v28, v36;
	v45 =	vbroadcast v45, $0x0;
	v63 =	vld [tilespmem:s26+$0xB0];
	v41 =	vbroadcast v41, $0x0;
	[tilespmem:v51+s18+$0x0] =	vst.idx.msk $0xffff, v49  }
0x60: {  	v33 =	vadd.s32 v4, v33;
	s0 =	sadd.s32 $0x200, s26;
	v38 =	vshrl.u32 v38, $0x3;
	v55 =	vshll.u32 v53, v1;
	v48 =	vld [tilespmem:s26+$0xFFFFFF30];
	[tilespmem:v52+s18+$0x0] =	vst.idx.msk $0xffff, v50  }
0x61: {  	v40 =	vshll.u32 v57, v1;
	v47 =	vbroadcast v55, $0x0;
	v49 =	vld [tilespmem:s0+$0xC0];
	v50 =	vadd.s32 v29, v41;
	[tilespmem:v35+s18+$0x0] =	vst.idx.msk $0xffff, v56  }
0x62: {  	v42 =	vshll.u32 v60, v1;
	v40 =	vbroadcast v40, $0x0;
	v35 =	vld [tilespmem:s0+$0xFFFFFF00];
	v56 =	vadd.s32 v0, v45;
	[tilespmem:v34+s18+$0x0] =	vst.idx.msk $0xffff, v59  }
0x63: {  	v57 =	vld [tilespmem:s0+$0xFFFFFF40];
	v44 =	vshll.u32 v62, v1;
	v42 =	vbroadcast v42, $0x0;
	v58 =	vadd.s32 v5, v47;
	[tilespmem:v37+s18+$0x0] =	vst.idx.msk $0xffff, v61  }
0x64: {  	v38 =	vshll.u32 v38, v1;
	v44 =	vbroadcast v44, $0x0;
	v60 =	vadd.s32 v9, v40;
	v59 =	vld [tilespmem:s0+$0xFFFFFF80];
	[tilespmem:v36+s18+$0x0] =	vst.idx.msk $0xffff, v63  }
0x65: {  	v38 =	vbroadcast v38, $0x0;
	v62 =	vadd.s32 v13, v42;
	v61 =	vld [tilespmem:s0+$0xFFFFFFC0];
	[tilespmem:v33+s18+$0x0] =	vst.idx.msk $0xffff, v48  }
0x66: {  	v39 =	vshrl.u32 v39, $0x3;
	v63 =	vadd.s32 v17, v44;
	v33 =	vld [tilespmem:s0+$0x0];
	[tilespmem:v50+s18+$0x0] =	vst.idx.msk $0xffff, v49  }
0x67: {  	v39 =	vshll.u32 v39, v1;
	v34 =	vld [tilespmem:s0+$0x40];
	[tilespmem:v56+s18+$0x0] =	vst.idx.msk $0xffff, v35;
	v56 =	vadd.s32 v21, v38  }
0x68: {  	[tilespmem:v58+s18+$0x0] =	vst.idx.msk $0xffff, v57;
	v35 =	vbroadcast v39, $0x0;
	v49 =	vadd.s32 v30, v41;
	v39 =	vld [tilespmem:s0+$0xD0]  }
0x69: {  	[tilespmem:v60+s18+$0x0] =	vst.idx.msk $0xffff, v59;
	v59 =	vld [tilespmem:s0+$0xFFFFFF50];
	v60 =	vadd.s32 v6, v47  }
0x6a: {  	v57 =	vld [tilespmem:s0+$0x80];
	[tilespmem:v62+s18+$0x0] =	vst.idx.msk $0xffff, v61;
	v58 =	vadd.s32 v25, v35  }
0x6b: {  	v61 =	vld [tilespmem:s0+$0xFFFFFF90];
	v62 =	vadd.s32 v10, v40;
	[tilespmem:v63+s18+$0x0] =	vst.idx.msk $0xffff, v33  }
0x6c: {  	v33 =	vld [tilespmem:s0+$0xFFFFFFD0];
	v63 =	vadd.s32 v14, v42;
	[tilespmem:v56+s18+$0x0] =	vst.idx.msk $0xffff, v34  }
0x6d: {  	v56 =	vadd.s32 v18, v44;
	[tilespmem:v49+s18+$0x0] =	vst.idx.msk $0xffff, v39;
	v49 =	vld [tilespmem:s0+$0x10]  }
0x6e: {  	[tilespmem:v60+s18+$0x0] =	vst.idx.msk $0xffff, v59;
	v39 =	vadd.s32 v31, v41;
	v34 =	vld [tilespmem:s0+$0xE0]  }
0x6f: {  	[tilespmem:v58+s18+$0x0] =	vst.idx.msk $0xffff, v57;
	v57 =	vld [tilespmem:s0+$0x50];
	v58 =	vadd.s32 v22, v38  }
0x70: {  	[tilespmem:v62+s18+$0x0] =	vst.idx.msk $0xffff, v61;
	v61 =	vld [tilespmem:s0+$0xFFFFFF10];
	v62 =	vadd.s32 v2, v45  }
0x71: {  	v60 =	vadd.s32 v26, v35;
	v59 =	vld [tilespmem:s0+$0x90];
	[tilespmem:v63+s18+$0x0] =	vst.idx.msk $0xffff, v33  }
0x72: {  	v55 =	vadd.s32 v11, v40;
	v54 =	vadd.s32 v32, v41;
	v41 =	vld [tilespmem:s0+$0xFFFFFFA0];
	[tilespmem:v56+s18+$0x0] =	vst.idx.msk $0xffff, v49  }
0x73: {  	v53 =	vadd.s32 v7, v47;
	v63 =	vld [tilespmem:s0+$0xFFFFFF60];
	[tilespmem:v39+s18+$0x0] =	vst.idx.msk $0xffff, v34  }
0x74: {  	v56 =	vld [tilespmem:s0+$0xFFFFFFE0];
	[tilespmem:v58+s18+$0x0] =	vst.idx.msk $0xffff, v57;
	v57 =	vadd.s32 v15, v42  }
0x75: {  	[tilespmem:v62+s18+$0x0] =	vst.idx.msk $0xffff, v61;
	v34 =	vld [tilespmem:s0+$0xF0]  }
0x76: {  	v58 =	vld [tilespmem:s0+$0x20];
	[tilespmem:v60+s18+$0x0] =	vst.idx.msk $0xffff, v59;
	v59 =	vadd.s32 v19, v44  }
0x77: {  	v61 =	vadd.s32 v23, v38;
	[tilespmem:v55+s18+$0x0] =	vst.idx.msk $0xffff, v41;
	v60 =	vld [tilespmem:s0+$0x60]  }
0x78: {  	[tilespmem:v53+s18+$0x0] =	vst.idx.msk $0xffff, v63;
	v63 =	vadd.s32 v27, v35;
	v62 =	vld [tilespmem:s0+$0xA0]  }
0x79: {  	v47 =	vadd.s32 v8, v47;
	v55 =	vld [tilespmem:s0+$0xFFFFFF70];
	[tilespmem:v57+s18+$0x0] =	vst.idx.msk $0xffff, v56  }
0x7a: {  	v53 =	vld [tilespmem:s0+$0xFFFFFF20];
	[tilespmem:v54+s18+$0x0] =	vst.idx.msk $0xffff, v34;
	v54 =	vadd.s32 v3, v45  }
0x7b: {  	v40 =	vadd.s32 v12, v40;
	v56 =	vld [tilespmem:s0+$0xFFFFFFB0];
	[tilespmem:v59+s18+$0x0] =	vst.idx.msk $0xffff, v58  }
0x7c: {  	v42 =	vadd.s32 v16, v42;
	v57 =	vld [tilespmem:s0+$0xFFFFFFF0];
	[tilespmem:v61+s18+$0x0] =	vst.idx.msk $0xffff, v60  }
0x7d: {  	v59 =	vadd.s32 v20, v44;
	v58 =	vld [tilespmem:s0+$0x30];
	[tilespmem:v63+s18+$0x0] =	vst.idx.msk $0xffff, v62  }
0x7e: {  	v38 =	vadd.s32 v24, v38;
	v60 =	vld [tilespmem:s0+$0x70];
	[tilespmem:v47+s18+$0x0] =	vst.idx.msk $0xffff, v55  }
0x7f: {  	v35 =	vadd.s32 v28, v35;
	v61 =	vld [tilespmem:s0+$0xB0];
	[tilespmem:v54+s18+$0x0] =	vst.idx.msk $0xffff, v53  }
0x80: {  	v63 =	vadd.s32 v4, v45;
	[tilespmem:v40+s18+$0x0] =	vst.idx.msk $0xffff, v56;
	v62 =	vld [tilespmem:s0+$0xFFFFFF30]  }
0x81: {  	[tilespmem:v42+s18+$0x0] =	vst.idx.msk $0xffff, v57  }
0x82: {  	[tilespmem:v59+s18+$0x0] =	vst.idx.msk $0xffff, v58  }
0x83: {  	[tilespmem:v38+s18+$0x0] =	vst.idx.msk $0xffff, v60  }
0x84: {  	[tilespmem:v35+s18+$0x0] =	vst.idx.msk $0xffff, v61  }
0x85: {  	s0 =	simm.s32 $0xA400;
	[tilespmem:v63+s18+$0x0] =	vst.idx.msk $0xffff, v62  }
0x86: {  	[hbm4b:s5+s3] =	stream.linear.scatter [tilespmem:s0], [sflag:$0x3], $0x80, $0x38;
	[tilespmem:$0xF000] =	vst v63  }
0x87: {  	s1 =	simm.s32 $0xA498;
	s19 =	sadd.s32 $0x10, s5  }
0x88: {  	[hbm4b:s19+s3] =	stream.linear.scatter [tilespmem:s1], [sflag:$0x3], $0x80, $0x38;
	[tilespmem:$0xF000] =	vst v63  }
0x89: {  	s22 =	simm.s32 $0xA530;
	s30 =	simm.s32 $0xA5C8;
	s26 =	sadd.s32 $0x20, s5  }
0x8a: {  	[hbm4b:s26+s3] =	stream.linear.scatter [tilespmem:s22], [sflag:$0x3], $0x80, $0x38;
	[tilespmem:$0xF000] =	vst v63  }
0x8b: {  	s31 =	sadd.s32 $0x30, s5;
	s28 =	simm.s32 $0x2600;
	s29 =	sadd.s32 $0x70, s5  }
0x8c: {  	[hbm4b:s31+s3] =	stream.linear.scatter [tilespmem:s30], [sflag:$0x3], $0x80, $0x38;
	[tilespmem:$0xF000] =	vst v63  }
0x8d: {  	s0 =	simm.s32 $0xA828;
	s1 =	simm.s32 $0xA660;
	s19 =	sadd.s32 $0x40, s5  }
0x8e: {  	[hbm4b:s19+s3] =	stream.linear.scatter [tilespmem:s1], [sflag:$0x3], $0x80, $0x38;
	[tilespmem:$0xF000] =	vst v63  }
0x8f: {  	s22 =	simm.s32 $0xA6F8;
	s26 =	sadd.s32 $0x50, s5;
	s30 =	simm.s32 $0xA790  }
0x90: {  	[hbm4b:s26+s3] =	stream.linear.scatter [tilespmem:s22], [sflag:$0x3], $0x80, $0x38;
	[tilespmem:$0xF000] =	vst v63  }
0x91: {  	s31 =	sadd.s32 $0x60, s5;
	s1 =	simm.s32 $0x4C0;
	s26 =	sadd.s32 $0x4000, s5  }
0x92: {  	[hbm4b:s31+s3] =	stream.linear.scatter [tilespmem:s30], [sflag:$0x3], $0x80, $0x38;
	[tilespmem:$0xF000] =	vst v63  }
.LBB2_4:
0x93: {  	[hbm4b:s29+s3] =	stream.linear.scatter [tilespmem:s0], [sflag:$0x3], $0x80, $0x38;
	[tilespmem:$0xF000] =	vst v63  }
0x94: {  	s0 =	smov.u32 s1;
	s1 =	smov.u32 s28  }
0x95: {  	s19 =	sadd.s32 $0x1300, s28;
	s1 =	sshra.s32 s1, $0x2;
	s29 =	sadd.s32 $0xA400, s0  }
0x96: {  	[hbm4b:s26+s3] =	stream.linear.scatter [tilespmem:s29], [sflag:$0x3], $0x80, $0x38;
	[tilespmem:$0xF000] =	vst v63  }
0x97: {  	p0 =	sne.s32 s28, $0x8500;
	s28 =	sadd.s32 $0xA498, s0;
	s29 =	sadd.s32 $0x10, s26  }
0x98: {  	[hbm4b:s29+s3] =	stream.linear.scatter [tilespmem:s28], [sflag:$0x3], $0x80, $0x38;
	[tilespmem:$0xF000] =	vst v63  }
0x99: {  	s28 =	sadd.s32 $0xA530, s0;
	s29 =	sadd.s32 $0x20, s26  }
0x9a: {  	[hbm4b:s29+s3] =	stream.linear.scatter [tilespmem:s28], [sflag:$0x3], $0x80, $0x38;
	[tilespmem:$0xF000] =	vst v63  }
0x9b: {  	s28 =	sadd.s32 $0xA5C8, s0;
	s29 =	sadd.s32 $0x30, s26  }
0x9c: {  	[hbm4b:s29+s3] =	stream.linear.scatter [tilespmem:s28], [sflag:$0x3], $0x80, $0x38;
	[tilespmem:$0xF000] =	vst v63  }
0x9d: {  	s28 =	sadd.s32 $0xA660, s0;
	s29 =	sadd.s32 $0x40, s26  }
0x9e: {  	[hbm4b:s29+s3] =	stream.linear.scatter [tilespmem:s28], [sflag:$0x3], $0x80, $0x38;
	[tilespmem:$0xF000] =	vst v63  }
.Ltmp1:
0x9f: {  	s28 =	sadd.s32 $0xA6F8, s0;
	s29 =	sadd.s32 $0x50, s26;
	(pc) =	sbr.rel @p0 .LBB2_4-.Ltmp1, $4  }
0xa0: {  	[hbm4b:s29+s3] =	stream.linear.scatter [tilespmem:s28], [sflag:$0x3], $0x80, $0x38;
	[tilespmem:$0xF000] =	vst v63  }
0xa1: {  	s28 =	sadd.s32 $0xA790, s0;
	s29 =	sadd.s32 $0x60, s26;
	s0 =	sadd.s32 $0xA828, s0  }
0xa2: {  	[hbm4b:s29+s3] =	stream.linear.scatter [tilespmem:s28], [sflag:$0x3], $0x80, $0x38;
	[tilespmem:$0xF000] =	vst v63  }
0xa3: {  	s29 =	sadd.s32 $0x70, s26;
	s26 =	sadd.s32 $0x4000, s26;
	s28 =	smov.u32 s19  }
0xa4: {  	[hbm4b:s29+s3] =	stream.linear.scatter [tilespmem:s0], [sflag:$0x3], $0x80, $0x38;
	[tilespmem:$0xF000] =	vst v63  }
0xa5: {  	s22 =	sadd.s32 $0xA400, s1  }
0xa6: {  	[hbm4b:s26+s3] =	stream.linear.scatter [tilespmem:s22], [sflag:$0x3], $0x80, $0x38;
	[tilespmem:$0xF000] =	vst v63  }
0xa7: {  	s29 =	sadd.s32 $0xA498, s1;
	s19 =	sadd.s32 $0x10, s26  }
0xa8: {  	[hbm4b:s19+s3] =	stream.linear.scatter [tilespmem:s29], [sflag:$0x3], $0x80, $0x38;
	[tilespmem:$0xF000] =	vst v63  }
0xa9: {  	s30 =	sadd.s32 $0xA530, s1;
	s31 =	sadd.s32 $0x20, s26  }
0xaa: {  	[hbm4b:s31+s3] =	stream.linear.scatter [tilespmem:s30], [sflag:$0x3], $0x80, $0x38;
	[tilespmem:$0xF000] =	vst v63  }
0xab: {  	s22 =	sadd.s32 $0xA5C8, s1;
	s29 =	sadd.s32 $0x30, s26  }
0xac: {  	[hbm4b:s29+s3] =	stream.linear.scatter [tilespmem:s22], [sflag:$0x3], $0x80, $0x38;
	[tilespmem:$0xF000] =	vst v63  }
0xad: {  	s19 =	sadd.s32 $0xA828, s1;
	s30 =	sadd.s32 $0xA660, s1;
	s31 =	sadd.s32 $0x40, s26  }
0xae: {  	[hbm4b:s31+s3] =	stream.linear.scatter [tilespmem:s30], [sflag:$0x3], $0x80, $0x38;
	[tilespmem:$0xF000] =	vst v63  }
0xaf: {  	s22 =	sadd.s32 $0xA6F8, s1;
	s29 =	sadd.s32 $0x50, s26;
	s30 =	sadd.s32 $0xA790, s1  }
0xb0: {  	[hbm4b:s29+s3] =	stream.linear.scatter [tilespmem:s22], [sflag:$0x3], $0x80, $0x38;
	[tilespmem:$0xF000] =	vst v63  }
0xb1: {  	s31 =	sadd.s32 $0x60, s26;
	s22 =	sadd.s32 $0x70, s26;
	s29 =	simm.s32 $0x0  }
0xb2: {  	[hbm4b:s31+s3] =	stream.linear.scatter [tilespmem:s30], [sflag:$0x3], $0x80, $0x38;
	[tilespmem:$0xF000] =	vst v63  }
0xb3: {  	v33 =	vmov s29;
	s29 =	simm.s32 $0x5;
	s30 =	simm.s32 $0x1;
	s31 =	simm.s32 $0x2  }
0xb4: {  	v33 =	vshrl.u32 v33, $0x3;
	v39 =	vmov s29;
	[hbm4b:s22+s3] =	stream.linear.scatter [tilespmem:s19], [sflag:$0x3], $0x80, $0x38;
	[tilespmem:$0xF000] =	vst v63  }
0xb5: {  	s26 =	simm.s32 $0x100;
	v34 =	vmov s30;
	v35 =	vmov s31;
	s30 =	simm.s32 $0x6;
	v33 =	vshll.u32 v33, v1;
	s19 =	simm.s32 $0x3  }
0xb6: {  	v55 =	vshrl.u32 v39, $0x3;
	v40 =	vmov s30;
	v34 =	vshrl.u32 v34, $0x3;
	[tilespmem:s15], [sflag:$0x1] =	stream.indirect.gather [hbm4b:s4+s14], $0x40, s26, s14, $0xb8;
	[tilespmem:$0xF000] =	vst v63  }
0xb7: {  	s22 =	simm.s32 $0x4;
	v35 =	vshrl.u32 v35, $0x3;
	v33 =	vbroadcast v33, $0x0;
	v36 =	vmov s19;
	s26 =	simm.s32 $0x7  }
0xb8: {  	v37 =	vmov s22;
	v34 =	vshll.u32 v34, v1;
	v38 =	vmov s26;
	_ =	swait.ge [sflag:s20], $0x2000  }
0xb9: {  	v52 =	vshll.u32 v35, v1;
	v40 =	vshrl.u32 v40, $0x3;
	v38 =	vshrl.u32 v38, $0x3;
	[sflag:s20] =	ssyncset.done $0x0  }
0xba: {  	v36 =	vshrl.u32 v36, $0x3;
	v45 =	vbroadcast v34, $0x0;
	s26 =	simm.s32 $0x8500;
	v38 =	vshll.u32 v38, v1;
	[sflag:s20] =	ssyncadd.s32 $0xFFFFE000  }
0xbb: {  	v37 =	vshrl.u32 v37, $0x3;
	v44 =	vadd.s32 v0, v33;
	v38 =	vbroadcast v38, $0x0;
	v43 =	vld [tilespmem:s26+$0xFFFFFF00]  }
0xbc: {  	v52 =	vbroadcast v52, $0x0;
	v53 =	vshll.u32 v36, v1;
	v47 =	vadd.s32 v5, v45;
	v46 =	vld [tilespmem:s26+$0xFFFFFF40]  }
0xbd: {  	v54 =	vshll.u32 v37, v1;
	v35 =	vbroadcast v53, $0x0;
	v41 =	vld [tilespmem:s26+$0xC0];
	v42 =	vadd.s32 v29, v38  }
0xbe: {  	v36 =	vshll.u32 v55, v1;
	v49 =	vadd.s32 v9, v52;
	v34 =	vbroadcast v54, $0x0;
	v48 =	vld [tilespmem:s26+$0xFFFFFF80]  }
0xbf: {  	v56 =	vshll.u32 v40, v1;
	v37 =	vbroadcast v36, $0x0;
	v39 =	vld [tilespmem:s26+$0xFFFFFFC0];
	v50 =	vadd.s32 v13, v35  }
0xc0: {  	v36 =	vbroadcast v56, $0x0;
	v51 =	vld [tilespmem:s26+$0x0];
	v53 =	vadd.s32 v17, v34;
	[tilespmem:v44+s21+$0x0] =	vst.idx.msk $0xffff, v43  }
0xc1: {  	v59 =	vld [tilespmem:s26+$0x40];
	v60 =	vadd.s32 v21, v37;
	[tilespmem:v47+s21+$0x0] =	vst.idx.msk $0xffff, v46  }
0xc2: {  	v61 =	vld [tilespmem:s26+$0x80];
	v62 =	vadd.s32 v25, v36;
	[tilespmem:v42+s21+$0x0] =	vst.idx.msk $0xffff, v41  }
0xc3: {  	v58 =	vadd.s32 v30, v38;
	[tilespmem:v49+s21+$0x0] =	vst.idx.msk $0xffff, v48;
	v57 =	vld [tilespmem:s26+$0xD0]  }
0xc4: {  	v63 =	vadd.s32 v6, v45;
	[tilespmem:v50+s21+$0x0] =	vst.idx.msk $0xffff, v39;
	v47 =	vld [tilespmem:s26+$0xFFFFFF50]  }
0xc5: {  	v55 =	vadd.s32 v10, v52;
	[tilespmem:v53+s21+$0x0] =	vst.idx.msk $0xffff, v51;
	v54 =	vld [tilespmem:s26+$0xFFFFFF90]  }
0xc6: {  	v56 =	vadd.s32 v14, v35;
	[tilespmem:v60+s21+$0x0] =	vst.idx.msk $0xffff, v59;
	v50 =	vld [tilespmem:s26+$0xFFFFFFD0]  }
0xc7: {  	[tilespmem:v62+s21+$0x0] =	vst.idx.msk $0xffff, v61;
	v46 =	vadd.s32 v22, v37;
	v44 =	vld [tilespmem:s26+$0x50]  }
0xc8: {  	v59 =	vadd.s32 v18, v34;
	[tilespmem:v58+s21+$0x0] =	vst.idx.msk $0xffff, v57;
	v58 =	vld [tilespmem:s26+$0x10]  }
0xc9: {  	[tilespmem:v63+s21+$0x0] =	vst.idx.msk $0xffff, v47;
	v57 =	vadd.s32 v31, v38;
	v40 =	vld [tilespmem:s26+$0xE0]  }
0xca: {  	v60 =	vadd.s32 v26, v36;
	[tilespmem:v55+s21+$0x0] =	vst.idx.msk $0xffff, v54;
	v63 =	vld [tilespmem:s26+$0x90]  }
0xcb: {  	v62 =	vadd.s32 v2, v33;
	v61 =	vld [tilespmem:s26+$0xFFFFFF10];
	[tilespmem:v56+s21+$0x0] =	vst.idx.msk $0xffff, v50  }
0xcc: {  	v51 =	vadd.s32 v7, v45;
	[tilespmem:v46+s21+$0x0] =	vst.idx.msk $0xffff, v44;
	v50 =	vld [tilespmem:s26+$0xFFFFFF60]  }
0xcd: {  	v56 =	vadd.s32 v11, v52;
	v55 =	vld [tilespmem:s26+$0xFFFFFFA0];
	[tilespmem:v59+s21+$0x0] =	vst.idx.msk $0xffff, v58  }
0xce: {  	v58 =	vadd.s32 v15, v35;
	[tilespmem:v57+s21+$0x0] =	vst.idx.msk $0xffff, v40;
	v57 =	vld [tilespmem:s26+$0xFFFFFFE0]  }
0xcf: {  	[tilespmem:v60+s21+$0x0] =	vst.idx.msk $0xffff, v63;
	v60 =	vadd.s32 v19, v34;
	v59 =	vld [tilespmem:s26+$0x20]  }
0xd0: {  	s1 =	simm.s32 $0x9;
	[tilespmem:v62+s21+$0x0] =	vst.idx.msk $0xffff, v61;
	v38 =	vadd.s32 v32, v38;
	v54 =	vld [tilespmem:s26+$0xF0]  }
0xd1: {  	s31 =	simm.s32 $0x8;
	v53 =	vmov s1;
	v41 =	vadd.s32 v23, v37;
	[tilespmem:v51+s21+$0x0] =	vst.idx.msk $0xffff, v50;
	v40 =	vld [tilespmem:s26+$0x60]  }
0xd2: {  	s29 =	simm.s32 $0xC;
	s22 =	simm.s32 $0xB;
	v43 =	vadd.s32 v27, v36;
	v48 =	vadd.s32 v3, v33;
	v63 =	vmov s31;
	v42 =	vld [tilespmem:s26+$0xA0];
	[tilespmem:v56+s21+$0x0] =	vst.idx.msk $0xffff, v55  }
0xd3: {  	v44 =	vmov s22;
	v47 =	vmov s29;
	v46 =	vld [tilespmem:s26+$0xFFFFFF20];
	s31 =	simm.s32 $0xE;
	v39 =	vshrl.u32 v63, $0x3;
	[tilespmem:v58+s21+$0x0] =	vst.idx.msk $0xffff, v57  }
0xd4: {  	s30 =	simm.s32 $0xD;
	s19 =	simm.s32 $0xA;
	v51 =	vadd.s32 v8, v45;
	v49 =	vld [tilespmem:s26+$0xFFFFFF70];
	v45 =	vshll.u32 v39, v1;
	v39 =	vmov s31;
	[tilespmem:v60+s21+$0x0] =	vst.idx.msk $0xffff, v59  }
0xd5: {  	s28 =	simm.s32 $0x10;
	s1 =	simm.s32 $0xF;
	v52 =	vadd.s32 v12, v52;
	v50 =	vld [tilespmem:s26+$0xFFFFFFB0];
	[tilespmem:v38+s21+$0x0] =	vst.idx.msk $0xffff, v54;
	v54 =	vmov s19;
	v38 =	vmov s30  }
.LBB2_6:
0xd6: {  	p0 =	slt.u32 s28, $0x78;
	v53 =	vshrl.u32 v53, $0x3;
	v55 =	vmov s1;
	v56 =	vld [tilespmem:s26+$0xFFFFFFF0];
	v35 =	vadd.s32 v16, v35;
	[tilespmem:v41+s21+$0x0] =	vst.idx.msk $0xffff, v40  }
0xd7: {  	v40 =	vshrl.u32 v54, $0x3;
	v34 =	vadd.s32 v20, v34;
	v41 =	vshrl.u32 v55, $0x3;
	v54 =	vld [tilespmem:s26+$0x30];
	[tilespmem:v43+s21+$0x0] =	vst.idx.msk $0xffff, v42  }
0xd8: {  	v37 =	vadd.s32 v24, v37;
	v42 =	vshrl.u32 v44, $0x3;
	v41 =	vshll.u32 v41, v1;
	[tilespmem:v48+s21+$0x0] =	vst.idx.msk $0xffff, v46;
	v43 =	vld [tilespmem:s26+$0x70]  }
0xd9: {  	v36 =	vadd.s32 v28, v36;
	v44 =	vshrl.u32 v47, $0x3;
	v41 =	vbroadcast v41, $0x0;
	[tilespmem:v51+s21+$0x0] =	vst.idx.msk $0xffff, v49;
	v46 =	vld [tilespmem:s26+$0xB0]  }
0xda: {  	v47 =	vshll.u32 v53, v1;
	v49 =	vadd.s32 v4, v33;
	v33 =	vbroadcast v45, $0x0;
	v48 =	vld [tilespmem:s26+$0xFFFFFF30];
	[tilespmem:v52+s21+$0x0] =	vst.idx.msk $0xffff, v50;
	s26 =	sadd.s32 $0x200, s26  }
0xdb: {  	v40 =	vshll.u32 v40, v1;
	v45 =	vbroadcast v47, $0x0;
	v47 =	vld [tilespmem:s26+$0xC0];
	v50 =	vadd.s32 v29, v41;
	[tilespmem:v35+s21+$0x0] =	vst.idx.msk $0xffff, v56  }
0xdc: {  	v55 =	vbroadcast v40, $0x0;
	v52 =	vadd.s32 v0, v33;
	v35 =	vshll.u32 v42, v1;
	v51 =	vld [tilespmem:s26+$0xFFFFFF00];
	[tilespmem:v34+s21+$0x0] =	vst.idx.msk $0xffff, v54  }
0xdd: {  	v42 =	vadd.s32 v5, v45;
	v35 =	vbroadcast v35, $0x0;
	v34 =	vshll.u32 v44, v1;
	v40 =	vld [tilespmem:s26+$0xFFFFFF40];
	[tilespmem:v37+s21+$0x0] =	vst.idx.msk $0xffff, v43  }
0xde: {  	v44 =	vadd.s32 v9, v55;
	v34 =	vbroadcast v34, $0x0;
	v37 =	vshrl.u32 v38, $0x3;
	v43 =	vld [tilespmem:s26+$0xFFFFFF80];
	[tilespmem:v36+s21+$0x0] =	vst.idx.msk $0xffff, v46  }
0xdf: {  	v39 =	vshrl.u32 v39, $0x3;
	v46 =	vadd.s32 v13, v35;
	v36 =	vshll.u32 v37, v1;
	v38 =	vld [tilespmem:s26+$0xFFFFFFC0];
	[tilespmem:v49+s21+$0x0] =	vst.idx.msk $0xffff, v48  }
0xe0: {  	v49 =	vadd.s32 v17, v34;
	v37 =	vbroadcast v36, $0x0;
	v36 =	vshll.u32 v39, v1;
	v48 =	vld [tilespmem:s26+$0x0];
	[tilespmem:v50+s21+$0x0] =	vst.idx.msk $0xffff, v47  }
0xe1: {  	v36 =	vbroadcast v36, $0x0;
	v47 =	vadd.s32 v30, v41;
	[tilespmem:v52+s21+$0x0] =	vst.idx.msk $0xffff, v51;
	v39 =	vld [tilespmem:s26+$0xD0]  }
0xe2: {  	[tilespmem:v42+s21+$0x0] =	vst.idx.msk $0xffff, v40;
	v40 =	vld [tilespmem:s26+$0x40];
	v42 =	vadd.s32 v21, v37  }
0xe3: {  	[tilespmem:v44+s21+$0x0] =	vst.idx.msk $0xffff, v43;
	v43 =	vld [tilespmem:s26+$0x80];
	v44 =	vadd.s32 v25, v36  }
0xe4: {  	v51 =	vadd.s32 v6, v45;
	v50 =	vld [tilespmem:s26+$0xFFFFFF50];
	[tilespmem:v46+s21+$0x0] =	vst.idx.msk $0xffff, v38  }
0xe5: {  	v46 =	vadd.s32 v10, v55;
	v38 =	vld [tilespmem:s26+$0xFFFFFF90];
	[tilespmem:v49+s21+$0x0] =	vst.idx.msk $0xffff, v48  }
0xe6: {  	v49 =	vadd.s32 v14, v35;
	v48 =	vld [tilespmem:s26+$0xFFFFFFD0];
	[tilespmem:v47+s21+$0x0] =	vst.idx.msk $0xffff, v39  }
0xe7: {  	[tilespmem:v42+s21+$0x0] =	vst.idx.msk $0xffff, v40;
	v39 =	vld [tilespmem:s26+$0xE0];
	v40 =	vadd.s32 v31, v41  }
0xe8: {  	v47 =	vadd.s32 v18, v34;
	v42 =	vld [tilespmem:s26+$0x10];
	[tilespmem:v44+s21+$0x0] =	vst.idx.msk $0xffff, v43  }
0xe9: {  	v44 =	vadd.s32 v22, v37;
	[tilespmem:v51+s21+$0x0] =	vst.idx.msk $0xffff, v50;
	v43 =	vld [tilespmem:s26+$0x50]  }
0xea: {  	[tilespmem:v46+s21+$0x0] =	vst.idx.msk $0xffff, v38;
	v38 =	vld [tilespmem:s26+$0x90];
	v46 =	vadd.s32 v26, v36  }
0xeb: {  	v51 =	vadd.s32 v2, v33;
	v50 =	vld [tilespmem:s26+$0xFFFFFF10];
	[tilespmem:v49+s21+$0x0] =	vst.idx.msk $0xffff, v48  }
0xec: {  	v49 =	vadd.s32 v7, v45;
	v48 =	vld [tilespmem:s26+$0xFFFFFF60];
	[tilespmem:v40+s21+$0x0] =	vst.idx.msk $0xffff, v39  }
0xed: {  	[tilespmem:v47+s21+$0x0] =	vst.idx.msk $0xffff, v42;
	v39 =	vld [tilespmem:s26+$0xF0];
	v47 =	vadd.s32 v32, v41  }
0xee: {  	v56 =	vadd.s32 v11, v55;
	v52 =	vld [tilespmem:s26+$0xFFFFFFA0];
	[tilespmem:v44+s21+$0x0] =	vst.idx.msk $0xffff, v43  }
0xef: {  	v58 =	vadd.s32 v15, v35;
	v57 =	vld [tilespmem:s26+$0xFFFFFFE0];
	[tilespmem:v46+s21+$0x0] =	vst.idx.msk $0xffff, v38  }
0xf0: {  	v60 =	vadd.s32 v19, v34;
	[tilespmem:v51+s21+$0x0] =	vst.idx.msk $0xffff, v50;
	v59 =	vld [tilespmem:s26+$0x20]  }
.Ltmp2:
0xf1: {  	s0 =	sadd.s32 $0x1, s28;
	v41 =	vadd.s32 v23, v37;
	v38 =	vmov s28;
	[tilespmem:v49+s21+$0x0] =	vst.idx.msk $0xffff, v48;
	v40 =	vld [tilespmem:s26+$0x60];
	(pc) =	sbr.rel @p0 .LBB2_6-.Ltmp2, $4  }
0xf2: {  	s1 =	sadd.s32 $0x3, s28;
	v53 =	vmov s0;
	s0 =	sadd.s32 $0x2, s28;
	v43 =	vadd.s32 v27, v36;
	v50 =	vshrl.u32 v38, $0x3;
	v42 =	vld [tilespmem:s26+$0xA0];
	[tilespmem:v47+s21+$0x0] =	vst.idx.msk $0xffff, v39  }
0xf3: {  	v54 =	vmov s0;
	s0 =	sadd.s32 $0x4, s28;
	v44 =	vmov s1;
	s1 =	sadd.s32 $0x5, s28;
	v48 =	vadd.s32 v3, v33;
	v46 =	vld [tilespmem:s26+$0xFFFFFF20];
	[tilespmem:v56+s21+$0x0] =	vst.idx.msk $0xffff, v52  }
0xf4: {  	v38 =	vmov s1;
	v51 =	vadd.s32 v8, v45;
	v47 =	vmov s0;
	s0 =	sadd.s32 $0x6, s28;
	v49 =	vld [tilespmem:s26+$0xFFFFFF70];
	[tilespmem:v58+s21+$0x0] =	vst.idx.msk $0xffff, v57  }
0xf5: {  	s1 =	sadd.s32 $0x7, s28;
	v45 =	vshll.u32 v50, v1;
	s28 =	sadd.s32 $0x8, s28;
	v39 =	vmov s0;
	v52 =	vadd.s32 v12, v55;
	v50 =	vld [tilespmem:s26+$0xFFFFFFB0];
	[tilespmem:v60+s21+$0x0] =	vst.idx.msk $0xffff, v59  }
0xf6: {  	_ =	sdelay $0x2  }
0xf7: {  	v53 =	vshrl.u32 v53, $0x3  }
0xf8: {  	v55 =	vmov s1;
	v56 =	vld [tilespmem:s26+$0xFFFFFFF0];
	v35 =	vadd.s32 v16, v35;
	[tilespmem:v41+s21+$0x0] =	vst.idx.msk $0xffff, v40;
	v57 =	vshrl.u32 v54, $0x3  }
0xf9: {  	v59 =	vld [tilespmem:s26+$0x30];
	v34 =	vadd.s32 v20, v34;
	v60 =	vshrl.u32 v44, $0x3;
	v58 =	vshrl.u32 v55, $0x3;
	[tilespmem:v43+s21+$0x0] =	vst.idx.msk $0xffff, v42  }
0xfa: {  	v37 =	vadd.s32 v24, v37;
	v62 =	vshrl.u32 v47, $0x3;
	v61 =	vld [tilespmem:s26+$0x70];
	v41 =	vshll.u32 v58, v1;
	[tilespmem:v48+s21+$0x0] =	vst.idx.msk $0xffff, v46  }
0xfb: {  	v36 =	vadd.s32 v28, v36;
	v45 =	vbroadcast v45, $0x0;
	v63 =	vld [tilespmem:s26+$0xB0];
	v41 =	vbroadcast v41, $0x0;
	[tilespmem:v51+s21+$0x0] =	vst.idx.msk $0xffff, v49  }
0xfc: {  	v33 =	vadd.s32 v4, v33;
	s0 =	sadd.s32 $0x200, s26;
	v38 =	vshrl.u32 v38, $0x3;
	v55 =	vshll.u32 v53, v1;
	v48 =	vld [tilespmem:s26+$0xFFFFFF30];
	[tilespmem:v52+s21+$0x0] =	vst.idx.msk $0xffff, v50  }
0xfd: {  	v40 =	vshll.u32 v57, v1;
	v47 =	vbroadcast v55, $0x0;
	v49 =	vld [tilespmem:s0+$0xC0];
	v50 =	vadd.s32 v29, v41;
	[tilespmem:v35+s21+$0x0] =	vst.idx.msk $0xffff, v56  }
0xfe: {  	v42 =	vshll.u32 v60, v1;
	v40 =	vbroadcast v40, $0x0;
	v35 =	vld [tilespmem:s0+$0xFFFFFF00];
	v56 =	vadd.s32 v0, v45;
	[tilespmem:v34+s21+$0x0] =	vst.idx.msk $0xffff, v59  }
0xff: {  	v57 =	vld [tilespmem:s0+$0xFFFFFF40];
	v44 =	vshll.u32 v62, v1;
	v42 =	vbroadcast v42, $0x0;
	v58 =	vadd.s32 v5, v47;
	[tilespmem:v37+s21+$0x0] =	vst.idx.msk $0xffff, v61  }
0x100: {  	v38 =	vshll.u32 v38, v1;
	v44 =	vbroadcast v44, $0x0;
	v60 =	vadd.s32 v9, v40;
	v59 =	vld [tilespmem:s0+$0xFFFFFF80];
	[tilespmem:v36+s21+$0x0] =	vst.idx.msk $0xffff, v63  }
0x101: {  	v38 =	vbroadcast v38, $0x0;
	v62 =	vadd.s32 v13, v42;
	v61 =	vld [tilespmem:s0+$0xFFFFFFC0];
	[tilespmem:v33+s21+$0x0] =	vst.idx.msk $0xffff, v48  }
0x102: {  	v39 =	vshrl.u32 v39, $0x3;
	v63 =	vadd.s32 v17, v44;
	v33 =	vld [tilespmem:s0+$0x0];
	[tilespmem:v50+s21+$0x0] =	vst.idx.msk $0xffff, v49  }
0x103: {  	v39 =	vshll.u32 v39, v1;
	v34 =	vld [tilespmem:s0+$0x40];
	[tilespmem:v56+s21+$0x0] =	vst.idx.msk $0xffff, v35;
	v56 =	vadd.s32 v21, v38  }
0x104: {  	[tilespmem:v58+s21+$0x0] =	vst.idx.msk $0xffff, v57;
	v35 =	vbroadcast v39, $0x0;
	v49 =	vadd.s32 v30, v41;
	v39 =	vld [tilespmem:s0+$0xD0]  }
0x105: {  	[tilespmem:v60+s21+$0x0] =	vst.idx.msk $0xffff, v59;
	v59 =	vld [tilespmem:s0+$0xFFFFFF50];
	v60 =	vadd.s32 v6, v47  }
0x106: {  	v57 =	vld [tilespmem:s0+$0x80];
	[tilespmem:v62+s21+$0x0] =	vst.idx.msk $0xffff, v61;
	v58 =	vadd.s32 v25, v35  }
0x107: {  	v61 =	vld [tilespmem:s0+$0xFFFFFF90];
	v62 =	vadd.s32 v10, v40;
	[tilespmem:v63+s21+$0x0] =	vst.idx.msk $0xffff, v33  }
0x108: {  	v33 =	vld [tilespmem:s0+$0xFFFFFFD0];
	v63 =	vadd.s32 v14, v42;
	[tilespmem:v56+s21+$0x0] =	vst.idx.msk $0xffff, v34  }
0x109: {  	v56 =	vadd.s32 v18, v44;
	[tilespmem:v49+s21+$0x0] =	vst.idx.msk $0xffff, v39;
	v49 =	vld [tilespmem:s0+$0x10]  }
0x10a: {  	[tilespmem:v60+s21+$0x0] =	vst.idx.msk $0xffff, v59;
	v39 =	vadd.s32 v31, v41;
	v34 =	vld [tilespmem:s0+$0xE0]  }
0x10b: {  	[tilespmem:v58+s21+$0x0] =	vst.idx.msk $0xffff, v57;
	v57 =	vld [tilespmem:s0+$0x50];
	v58 =	vadd.s32 v22, v38  }
0x10c: {  	[tilespmem:v62+s21+$0x0] =	vst.idx.msk $0xffff, v61;
	v61 =	vld [tilespmem:s0+$0xFFFFFF10];
	v62 =	vadd.s32 v2, v45  }
0x10d: {  	v60 =	vadd.s32 v26, v35;
	v59 =	vld [tilespmem:s0+$0x90];
	[tilespmem:v63+s21+$0x0] =	vst.idx.msk $0xffff, v33  }
0x10e: {  	v55 =	vadd.s32 v11, v40;
	v54 =	vadd.s32 v32, v41;
	v41 =	vld [tilespmem:s0+$0xFFFFFFA0];
	[tilespmem:v56+s21+$0x0] =	vst.idx.msk $0xffff, v49  }
0x10f: {  	v53 =	vadd.s32 v7, v47;
	v63 =	vld [tilespmem:s0+$0xFFFFFF60];
	[tilespmem:v39+s21+$0x0] =	vst.idx.msk $0xffff, v34  }
0x110: {  	v56 =	vld [tilespmem:s0+$0xFFFFFFE0];
	[tilespmem:v58+s21+$0x0] =	vst.idx.msk $0xffff, v57;
	v57 =	vadd.s32 v15, v42  }
0x111: {  	[tilespmem:v62+s21+$0x0] =	vst.idx.msk $0xffff, v61;
	v34 =	vld [tilespmem:s0+$0xF0]  }
0x112: {  	v58 =	vld [tilespmem:s0+$0x20];
	[tilespmem:v60+s21+$0x0] =	vst.idx.msk $0xffff, v59;
	v59 =	vadd.s32 v19, v44  }
0x113: {  	v61 =	vadd.s32 v23, v38;
	[tilespmem:v55+s21+$0x0] =	vst.idx.msk $0xffff, v41;
	v60 =	vld [tilespmem:s0+$0x60]  }
0x114: {  	[tilespmem:v53+s21+$0x0] =	vst.idx.msk $0xffff, v63;
	v63 =	vadd.s32 v27, v35;
	v62 =	vld [tilespmem:s0+$0xA0]  }
0x115: {  	v47 =	vadd.s32 v8, v47;
	v55 =	vld [tilespmem:s0+$0xFFFFFF70];
	[tilespmem:v57+s21+$0x0] =	vst.idx.msk $0xffff, v56  }
0x116: {  	v53 =	vld [tilespmem:s0+$0xFFFFFF20];
	[tilespmem:v54+s21+$0x0] =	vst.idx.msk $0xffff, v34;
	v54 =	vadd.s32 v3, v45  }
0x117: {  	v40 =	vadd.s32 v12, v40;
	v56 =	vld [tilespmem:s0+$0xFFFFFFB0];
	[tilespmem:v59+s21+$0x0] =	vst.idx.msk $0xffff, v58  }
0x118: {  	v42 =	vadd.s32 v16, v42;
	v57 =	vld [tilespmem:s0+$0xFFFFFFF0];
	[tilespmem:v61+s21+$0x0] =	vst.idx.msk $0xffff, v60  }
0x119: {  	v59 =	vadd.s32 v20, v44;
	v58 =	vld [tilespmem:s0+$0x30];
	[tilespmem:v63+s21+$0x0] =	vst.idx.msk $0xffff, v62  }
0x11a: {  	v38 =	vadd.s32 v24, v38;
	v60 =	vld [tilespmem:s0+$0x70];
	[tilespmem:v47+s21+$0x0] =	vst.idx.msk $0xffff, v55  }
0x11b: {  	v35 =	vadd.s32 v28, v35;
	v61 =	vld [tilespmem:s0+$0xB0];
	[tilespmem:v54+s21+$0x0] =	vst.idx.msk $0xffff, v53  }
0x11c: {  	v63 =	vadd.s32 v4, v45;
	[tilespmem:v40+s21+$0x0] =	vst.idx.msk $0xffff, v56;
	v62 =	vld [tilespmem:s0+$0xFFFFFF30]  }
0x11d: {  	[tilespmem:v42+s21+$0x0] =	vst.idx.msk $0xffff, v57  }
0x11e: {  	[tilespmem:v59+s21+$0x0] =	vst.idx.msk $0xffff, v58  }
0x11f: {  	[tilespmem:v38+s21+$0x0] =	vst.idx.msk $0xffff, v60  }
0x120: {  	[tilespmem:v35+s21+$0x0] =	vst.idx.msk $0xffff, v61  }
0x121: {  	s0 =	simm.s32 $0xCA00;
	[tilespmem:v63+s21+$0x0] =	vst.idx.msk $0xffff, v62  }
0x122: {  	[hbm4b:s7+s3] =	stream.linear.scatter [tilespmem:s0], [sflag:$0x4], $0x80, $0x38;
	[tilespmem:$0xF000] =	vst v63  }
0x123: {  	s1 =	simm.s32 $0xCA98;
	s19 =	sadd.s32 $0x10, s7  }
0x124: {  	[hbm4b:s19+s3] =	stream.linear.scatter [tilespmem:s1], [sflag:$0x4], $0x80, $0x38;
	[tilespmem:$0xF000] =	vst v63  }
0x125: {  	s22 =	simm.s32 $0xCB30;
	s30 =	simm.s32 $0xCBC8;
	s26 =	sadd.s32 $0x20, s7  }
0x126: {  	[hbm4b:s26+s3] =	stream.linear.scatter [tilespmem:s22], [sflag:$0x4], $0x80, $0x38;
	[tilespmem:$0xF000] =	vst v63  }
0x127: {  	s31 =	sadd.s32 $0x30, s7;
	s28 =	simm.s32 $0x2600;
	s29 =	sadd.s32 $0x70, s7  }
0x128: {  	[hbm4b:s31+s3] =	stream.linear.scatter [tilespmem:s30], [sflag:$0x4], $0x80, $0x38;
	[tilespmem:$0xF000] =	vst v63  }
0x129: {  	s0 =	simm.s32 $0xCE28;
	s1 =	simm.s32 $0xCC60;
	s19 =	sadd.s32 $0x40, s7  }
0x12a: {  	[hbm4b:s19+s3] =	stream.linear.scatter [tilespmem:s1], [sflag:$0x4], $0x80, $0x38;
	[tilespmem:$0xF000] =	vst v63  }
0x12b: {  	s22 =	simm.s32 $0xCCF8;
	s26 =	sadd.s32 $0x50, s7;
	s30 =	simm.s32 $0xCD90  }
0x12c: {  	[hbm4b:s26+s3] =	stream.linear.scatter [tilespmem:s22], [sflag:$0x4], $0x80, $0x38;
	[tilespmem:$0xF000] =	vst v63  }
0x12d: {  	s31 =	sadd.s32 $0x60, s7;
	s1 =	simm.s32 $0x4C0;
	s26 =	sadd.s32 $0x4000, s7  }
0x12e: {  	[hbm4b:s31+s3] =	stream.linear.scatter [tilespmem:s30], [sflag:$0x4], $0x80, $0x38;
	[tilespmem:$0xF000] =	vst v63  }
.LBB2_8:
0x12f: {  	[hbm4b:s29+s3] =	stream.linear.scatter [tilespmem:s0], [sflag:$0x4], $0x80, $0x38;
	[tilespmem:$0xF000] =	vst v63  }
0x130: {  	s0 =	smov.u32 s1;
	s1 =	smov.u32 s28  }
0x131: {  	s19 =	sadd.s32 $0x1300, s28;
	s1 =	sshra.s32 s1, $0x2;
	s29 =	sadd.s32 $0xCA00, s0  }
0x132: {  	[hbm4b:s26+s3] =	stream.linear.scatter [tilespmem:s29], [sflag:$0x4], $0x80, $0x38;
	[tilespmem:$0xF000] =	vst v63  }
0x133: {  	p0 =	sne.s32 s28, $0x8500;
	s28 =	sadd.s32 $0xCA98, s0;
	s29 =	sadd.s32 $0x10, s26  }
0x134: {  	[hbm4b:s29+s3] =	stream.linear.scatter [tilespmem:s28], [sflag:$0x4], $0x80, $0x38;
	[tilespmem:$0xF000] =	vst v63  }
0x135: {  	s28 =	sadd.s32 $0xCB30, s0;
	s29 =	sadd.s32 $0x20, s26  }
0x136: {  	[hbm4b:s29+s3] =	stream.linear.scatter [tilespmem:s28], [sflag:$0x4], $0x80, $0x38;
	[tilespmem:$0xF000] =	vst v63  }
0x137: {  	s28 =	sadd.s32 $0xCBC8, s0;
	s29 =	sadd.s32 $0x30, s26  }
0x138: {  	[hbm4b:s29+s3] =	stream.linear.scatter [tilespmem:s28], [sflag:$0x4], $0x80, $0x38;
	[tilespmem:$0xF000] =	vst v63  }
0x139: {  	s28 =	sadd.s32 $0xCC60, s0;
	s29 =	sadd.s32 $0x40, s26  }
0x13a: {  	[hbm4b:s29+s3] =	stream.linear.scatter [tilespmem:s28], [sflag:$0x4], $0x80, $0x38;
	[tilespmem:$0xF000] =	vst v63  }
.Ltmp3:
0x13b: {  	s28 =	sadd.s32 $0xCCF8, s0;
	s29 =	sadd.s32 $0x50, s26;
	(pc) =	sbr.rel @p0 .LBB2_8-.Ltmp3, $4  }
0x13c: {  	[hbm4b:s29+s3] =	stream.linear.scatter [tilespmem:s28], [sflag:$0x4], $0x80, $0x38;
	[tilespmem:$0xF000] =	vst v63  }
0x13d: {  	s28 =	sadd.s32 $0xCD90, s0;
	s29 =	sadd.s32 $0x60, s26;
	s0 =	sadd.s32 $0xCE28, s0  }
0x13e: {  	[hbm4b:s29+s3] =	stream.linear.scatter [tilespmem:s28], [sflag:$0x4], $0x80, $0x38;
	[tilespmem:$0xF000] =	vst v63  }
0x13f: {  	s29 =	sadd.s32 $0x70, s26;
	s26 =	sadd.s32 $0x4000, s26;
	s28 =	smov.u32 s19  }
0x140: {  	[hbm4b:s29+s3] =	stream.linear.scatter [tilespmem:s0], [sflag:$0x4], $0x80, $0x38;
	[tilespmem:$0xF000] =	vst v63  }
0x141: {  	s30 =	sadd.s32 $0xCA00, s1  }
0x142: {  	[hbm4b:s26+s3] =	stream.linear.scatter [tilespmem:s30], [sflag:$0x4], $0x80, $0x38;
	[tilespmem:$0xF000] =	vst v63  }
0x143: {  	s31 =	sadd.s32 $0xCA98, s1;
	s19 =	sadd.s32 $0x10, s26  }
0x144: {  	[hbm4b:s19+s3] =	stream.linear.scatter [tilespmem:s31], [sflag:$0x4], $0x80, $0x38;
	[tilespmem:$0xF000] =	vst v63  }
0x145: {  	s22 =	sadd.s32 $0xCB30, s1;
	s29 =	sadd.s32 $0x20, s26  }
0x146: {  	[hbm4b:s29+s3] =	stream.linear.scatter [tilespmem:s22], [sflag:$0x4], $0x80, $0x38;
	[tilespmem:$0xF000] =	vst v63  }
0x147: {  	s30 =	sadd.s32 $0xCBC8, s1;
	s31 =	sadd.s32 $0x30, s26  }
0x148: {  	[hbm4b:s31+s3] =	stream.linear.scatter [tilespmem:s30], [sflag:$0x4], $0x80, $0x38;
	[tilespmem:$0xF000] =	vst v63  }
0x149: {  	s22 =	sadd.s32 $0xCC60, s1;
	s29 =	sadd.s32 $0x40, s26  }
0x14a: {  	[hbm4b:s29+s3] =	stream.linear.scatter [tilespmem:s22], [sflag:$0x4], $0x80, $0x38;
	[tilespmem:$0xF000] =	vst v63  }
0x14b: {  	s30 =	sadd.s32 $0xCCF8, s1;
	s31 =	sadd.s32 $0x50, s26  }
0x14c: {  	[hbm4b:s31+s3] =	stream.linear.scatter [tilespmem:s30], [sflag:$0x4], $0x80, $0x38;
	[tilespmem:$0xF000] =	vst v63  }
0x14d: {  	s19 =	sadd.s32 $0xCD90, s1;
	s22 =	sadd.s32 $0x60, s26  }
0x14e: {  	[hbm4b:s22+s3] =	stream.linear.scatter [tilespmem:s19], [sflag:$0x4], $0x80, $0x38;
	[tilespmem:$0xF000] =	vst v63  }
0x14f: {  	s29 =	sadd.s32 $0xCE28, s1;
	s30 =	sadd.s32 $0x70, s26  }
0x150: {  	[hbm4b:s30+s3] =	stream.linear.scatter [tilespmem:s29], [sflag:$0x4], $0x80, $0x38;
	[tilespmem:$0xF000] =	vst v63  }
0x151: {  	s28 =	simm.s32 $0x0;
	s31 =	simm.s32 $0x180;
	s26 =	simm.s32 $0x0  }
0x152: {  	[tilespmem:s16], [sflag:$0x2] =	stream.indirect.gather [hbm4b:s4+s14], $0x40, s31, s14, $0xb8;
	[tilespmem:$0xF000] =	vst v63  }
.LBB2_10:
0x153: {  	v33 =	vmov s26;
	s0 =	simm.s32 $0x1  }
0x154: {  	s1 =	simm.s32 $0x2;
	s22 =	simm.s32 $0x3;
	s31 =	simm.s32 $0x4;
	v33 =	vshrl.u32 v33, $0x3;
	v34 =	vmov s0  }
0x155: {  	_ =	swait.ge [sflag:s17], $0x2000;
	s19 =	simm.s32 $0x7;
	v35 =	vmov s1;
	v36 =	vmov s22;
	s22 =	simm.s32 $0x5;
	v37 =	vmov s31  }
0x156: {  	[sflag:s17] =	ssyncset.done $0x0;
	v38 =	vmov s19;
	s31 =	simm.s32 $0x6;
	v39 =	vmov s22;
	v33 =	vshll.u32 v33, v1  }
0x157: {  	[sflag:s17] =	ssyncadd.s32 $0xFFFFE000;
	v38 =	vshrl.u32 v38, $0x3;
	v40 =	vmov s31;
	v34 =	vshrl.u32 v34, $0x3  }
0x158: {  	v35 =	vshrl.u32 v35, $0x3;
	v36 =	vshrl.u32 v36, $0x3;
	_ =	swait.ge [sflag:s23], $0x2000;
	v38 =	vshll.u32 v38, v1  }
0x159: {  	v37 =	vshrl.u32 v37, $0x3;
	v33 =	vbroadcast v33, $0x0;
	[sflag:s23] =	ssyncset.done $0x0;
	v38 =	vbroadcast v38, $0x0  }
0x15a: {  	s29 =	simm.s32 $0x6500;
	v34 =	vshll.u32 v34, v1;
	v52 =	vshll.u32 v35, v1;
	v53 =	vshll.u32 v36, v1;
	[sflag:s23] =	ssyncadd.s32 $0xFFFFE000  }
0x15b: {  	v54 =	vshll.u32 v37, v1;
	v45 =	vbroadcast v34, $0x0;
	v41 =	vld [tilespmem:s29+$0xC0];
	v42 =	vadd.s32 v29, v38  }
0x15c: {  	v55 =	vshrl.u32 v39, $0x3;
	v52 =	vbroadcast v52, $0x0;
	v44 =	vadd.s32 v0, v33;
	v43 =	vld [tilespmem:s29+$0xFFFFFF00]  }
0x15d: {  	v40 =	vshrl.u32 v40, $0x3;
	v35 =	vbroadcast v53, $0x0;
	v46 =	vld [tilespmem:s29+$0xFFFFFF40];
	v47 =	vadd.s32 v5, v45  }
0x15e: {  	v34 =	vbroadcast v54, $0x0;
	v36 =	vshll.u32 v55, v1;
	v48 =	vld [tilespmem:s29+$0xFFFFFF80];
	v49 =	vadd.s32 v9, v52  }
0x15f: {  	v56 =	vshll.u32 v40, v1;
	v37 =	vbroadcast v36, $0x0;
	v39 =	vld [tilespmem:s29+$0xFFFFFFC0];
	v50 =	vadd.s32 v13, v35  }
0x160: {  	v36 =	vbroadcast v56, $0x0;
	v51 =	vld [tilespmem:s29+$0x0];
	v53 =	vadd.s32 v17, v34;
	[tilespmem:v42+s18+$0x0] =	vst.idx.msk $0xffff, v41  }
0x161: {  	v59 =	vld [tilespmem:s29+$0x40];
	v60 =	vadd.s32 v21, v37;
	[tilespmem:v44+s18+$0x0] =	vst.idx.msk $0xffff, v43  }
0x162: {  	v61 =	vld [tilespmem:s29+$0x80];
	v62 =	vadd.s32 v25, v36;
	[tilespmem:v47+s18+$0x0] =	vst.idx.msk $0xffff, v46  }
0x163: {  	v58 =	vadd.s32 v30, v38;
	[tilespmem:v49+s18+$0x0] =	vst.idx.msk $0xffff, v48;
	v57 =	vld [tilespmem:s29+$0xD0]  }
0x164: {  	v63 =	vadd.s32 v6, v45;
	[tilespmem:v50+s18+$0x0] =	vst.idx.msk $0xffff, v39;
	v47 =	vld [tilespmem:s29+$0xFFFFFF50]  }
0x165: {  	v55 =	vadd.s32 v10, v52;
	[tilespmem:v53+s18+$0x0] =	vst.idx.msk $0xffff, v51;
	v54 =	vld [tilespmem:s29+$0xFFFFFF90]  }
0x166: {  	v56 =	vadd.s32 v14, v35;
	v50 =	vld [tilespmem:s29+$0xFFFFFFD0];
	[tilespmem:v60+s18+$0x0] =	vst.idx.msk $0xffff, v59  }
0x167: {  	[tilespmem:v62+s18+$0x0] =	vst.idx.msk $0xffff, v61;
	v61 =	vld [tilespmem:s29+$0xFFFFFF10];
	v62 =	vadd.s32 v2, v33  }
0x168: {  	v59 =	vadd.s32 v18, v34;
	[tilespmem:v58+s18+$0x0] =	vst.idx.msk $0xffff, v57;
	v58 =	vld [tilespmem:s29+$0x10]  }
0x169: {  	v57 =	vadd.s32 v31, v38;
	[tilespmem:v63+s18+$0x0] =	vst.idx.msk $0xffff, v47;
	v40 =	vld [tilespmem:s29+$0xE0]  }
0x16a: {  	v46 =	vadd.s32 v22, v37;
	v44 =	vld [tilespmem:s29+$0x50];
	[tilespmem:v55+s18+$0x0] =	vst.idx.msk $0xffff, v54  }
0x16b: {  	v60 =	vadd.s32 v26, v36;
	v63 =	vld [tilespmem:s29+$0x90];
	[tilespmem:v56+s18+$0x0] =	vst.idx.msk $0xffff, v50  }
0x16c: {  	v51 =	vadd.s32 v7, v45;
	[tilespmem:v62+s18+$0x0] =	vst.idx.msk $0xffff, v61;
	v50 =	vld [tilespmem:s29+$0xFFFFFF60]  }
0x16d: {  	v56 =	vadd.s32 v11, v52;
	v55 =	vld [tilespmem:s29+$0xFFFFFFA0];
	[tilespmem:v59+s18+$0x0] =	vst.idx.msk $0xffff, v58  }
0x16e: {  	v58 =	vadd.s32 v15, v35;
	[tilespmem:v57+s18+$0x0] =	vst.idx.msk $0xffff, v40;
	v57 =	vld [tilespmem:s29+$0xFFFFFFE0]  }
0x16f: {  	v38 =	vadd.s32 v32, v38;
	[tilespmem:v46+s18+$0x0] =	vst.idx.msk $0xffff, v44;
	v54 =	vld [tilespmem:s29+$0xF0]  }
0x170: {  	s19 =	simm.s32 $0x9;
	[tilespmem:v60+s18+$0x0] =	vst.idx.msk $0xffff, v63;
	v60 =	vadd.s32 v19, v34;
	v59 =	vld [tilespmem:s29+$0x20]  }
0x171: {  	v41 =	vadd.s32 v23, v37;
	v53 =	vmov s19;
	s19 =	simm.s32 $0xC;
	[tilespmem:v51+s18+$0x0] =	vst.idx.msk $0xffff, v50;
	v40 =	vld [tilespmem:s29+$0x60]  }
0x172: {  	s1 =	simm.s32 $0x8;
	s31 =	simm.s32 $0xB;
	v43 =	vadd.s32 v27, v36;
	v48 =	vadd.s32 v3, v33;
	v47 =	vmov s19;
	v42 =	vld [tilespmem:s29+$0xA0];
	[tilespmem:v56+s18+$0x0] =	vst.idx.msk $0xffff, v55  }
0x173: {  	s22 =	simm.s32 $0xA;
	v52 =	vadd.s32 v12, v52;
	v44 =	vmov s31;
	v46 =	vld [tilespmem:s29+$0xFFFFFF20];
	v63 =	vmov s1;
	[tilespmem:v58+s18+$0x0] =	vst.idx.msk $0xffff, v57  }
0x174: {  	s31 =	simm.s32 $0xE;
	v39 =	vshrl.u32 v63, $0x3;
	v51 =	vadd.s32 v8, v45;
	v49 =	vld [tilespmem:s29+$0xFFFFFF70];
	[tilespmem:v38+s18+$0x0] =	vst.idx.msk $0xffff, v54;
	v54 =	vmov s22;
	s22 =	simm.s32 $0xD  }
0x175: {  	s30 =	simm.s32 $0x10;
	s1 =	simm.s32 $0xF;
	v45 =	vshll.u32 v39, v1;
	v39 =	vmov s31;
	v50 =	vld [tilespmem:s29+$0xFFFFFFB0];
	[tilespmem:v60+s18+$0x0] =	vst.idx.msk $0xffff, v59;
	v38 =	vmov s22  }
.LBB2_11:
0x176: {  	p0 =	slt.u32 s30, $0x78;
	v53 =	vshrl.u32 v53, $0x3;
	v55 =	vmov s1;
	v56 =	vld [tilespmem:s29+$0xFFFFFFF0];
	v35 =	vadd.s32 v16, v35;
	[tilespmem:v41+s18+$0x0] =	vst.idx.msk $0xffff, v40  }
0x177: {  	v40 =	vshrl.u32 v54, $0x3;
	v34 =	vadd.s32 v20, v34;
	v41 =	vshrl.u32 v55, $0x3;
	v54 =	vld [tilespmem:s29+$0x30];
	[tilespmem:v43+s18+$0x0] =	vst.idx.msk $0xffff, v42  }
0x178: {  	v37 =	vadd.s32 v24, v37;
	v42 =	vshrl.u32 v44, $0x3;
	v41 =	vshll.u32 v41, v1;
	[tilespmem:v48+s18+$0x0] =	vst.idx.msk $0xffff, v46;
	v43 =	vld [tilespmem:s29+$0x70]  }
0x179: {  	v36 =	vadd.s32 v28, v36;
	v44 =	vshrl.u32 v47, $0x3;
	v41 =	vbroadcast v41, $0x0;
	[tilespmem:v51+s18+$0x0] =	vst.idx.msk $0xffff, v49;
	v46 =	vld [tilespmem:s29+$0xB0]  }
0x17a: {  	v47 =	vshll.u32 v53, v1;
	v49 =	vadd.s32 v4, v33;
	v33 =	vbroadcast v45, $0x0;
	v48 =	vld [tilespmem:s29+$0xFFFFFF30];
	[tilespmem:v52+s18+$0x0] =	vst.idx.msk $0xffff, v50;
	s29 =	sadd.s32 $0x200, s29  }
0x17b: {  	v40 =	vshll.u32 v40, v1;
	v45 =	vbroadcast v47, $0x0;
	v47 =	vld [tilespmem:s29+$0xC0];
	v50 =	vadd.s32 v29, v41;
	[tilespmem:v35+s18+$0x0] =	vst.idx.msk $0xffff, v56  }
0x17c: {  	v55 =	vbroadcast v40, $0x0;
	v52 =	vadd.s32 v0, v33;
	v35 =	vshll.u32 v42, v1;
	v51 =	vld [tilespmem:s29+$0xFFFFFF00];
	[tilespmem:v34+s18+$0x0] =	vst.idx.msk $0xffff, v54  }
0x17d: {  	v42 =	vadd.s32 v5, v45;
	v35 =	vbroadcast v35, $0x0;
	v34 =	vshll.u32 v44, v1;
	v40 =	vld [tilespmem:s29+$0xFFFFFF40];
	[tilespmem:v37+s18+$0x0] =	vst.idx.msk $0xffff, v43  }
0x17e: {  	v44 =	vadd.s32 v9, v55;
	v34 =	vbroadcast v34, $0x0;
	v37 =	vshrl.u32 v38, $0x3;
	v43 =	vld [tilespmem:s29+$0xFFFFFF80];
	[tilespmem:v36+s18+$0x0] =	vst.idx.msk $0xffff, v46  }
0x17f: {  	v39 =	vshrl.u32 v39, $0x3;
	v46 =	vadd.s32 v13, v35;
	v36 =	vshll.u32 v37, v1;
	v38 =	vld [tilespmem:s29+$0xFFFFFFC0];
	[tilespmem:v49+s18+$0x0] =	vst.idx.msk $0xffff, v48  }
0x180: {  	v49 =	vadd.s32 v17, v34;
	v37 =	vbroadcast v36, $0x0;
	v36 =	vshll.u32 v39, v1;
	v48 =	vld [tilespmem:s29+$0x0];
	[tilespmem:v50+s18+$0x0] =	vst.idx.msk $0xffff, v47  }
0x181: {  	v36 =	vbroadcast v36, $0x0;
	v47 =	vadd.s32 v30, v41;
	[tilespmem:v52+s18+$0x0] =	vst.idx.msk $0xffff, v51;
	v39 =	vld [tilespmem:s29+$0xD0]  }
0x182: {  	[tilespmem:v42+s18+$0x0] =	vst.idx.msk $0xffff, v40;
	v40 =	vld [tilespmem:s29+$0x40];
	v42 =	vadd.s32 v21, v37  }
0x183: {  	[tilespmem:v44+s18+$0x0] =	vst.idx.msk $0xffff, v43;
	v43 =	vld [tilespmem:s29+$0x80];
	v44 =	vadd.s32 v25, v36  }
0x184: {  	v51 =	vadd.s32 v6, v45;
	v50 =	vld [tilespmem:s29+$0xFFFFFF50];
	[tilespmem:v46+s18+$0x0] =	vst.idx.msk $0xffff, v38  }
0x185: {  	v46 =	vadd.s32 v10, v55;
	v38 =	vld [tilespmem:s29+$0xFFFFFF90];
	[tilespmem:v49+s18+$0x0] =	vst.idx.msk $0xffff, v48  }
0x186: {  	v49 =	vadd.s32 v14, v35;
	v48 =	vld [tilespmem:s29+$0xFFFFFFD0];
	[tilespmem:v47+s18+$0x0] =	vst.idx.msk $0xffff, v39  }
0x187: {  	[tilespmem:v42+s18+$0x0] =	vst.idx.msk $0xffff, v40;
	v39 =	vld [tilespmem:s29+$0xE0];
	v40 =	vadd.s32 v31, v41  }
0x188: {  	v47 =	vadd.s32 v18, v34;
	v42 =	vld [tilespmem:s29+$0x10];
	[tilespmem:v44+s18+$0x0] =	vst.idx.msk $0xffff, v43  }
0x189: {  	v44 =	vadd.s32 v22, v37;
	[tilespmem:v51+s18+$0x0] =	vst.idx.msk $0xffff, v50;
	v43 =	vld [tilespmem:s29+$0x50]  }
0x18a: {  	[tilespmem:v46+s18+$0x0] =	vst.idx.msk $0xffff, v38;
	v38 =	vld [tilespmem:s29+$0x90];
	v46 =	vadd.s32 v26, v36  }
0x18b: {  	v51 =	vadd.s32 v2, v33;
	v50 =	vld [tilespmem:s29+$0xFFFFFF10];
	[tilespmem:v49+s18+$0x0] =	vst.idx.msk $0xffff, v48  }
0x18c: {  	v49 =	vadd.s32 v7, v45;
	v48 =	vld [tilespmem:s29+$0xFFFFFF60];
	[tilespmem:v40+s18+$0x0] =	vst.idx.msk $0xffff, v39  }
0x18d: {  	[tilespmem:v47+s18+$0x0] =	vst.idx.msk $0xffff, v42;
	v39 =	vld [tilespmem:s29+$0xF0];
	v47 =	vadd.s32 v32, v41  }
0x18e: {  	v56 =	vadd.s32 v11, v55;
	v52 =	vld [tilespmem:s29+$0xFFFFFFA0];
	[tilespmem:v44+s18+$0x0] =	vst.idx.msk $0xffff, v43  }
0x18f: {  	v58 =	vadd.s32 v15, v35;
	v57 =	vld [tilespmem:s29+$0xFFFFFFE0];
	[tilespmem:v46+s18+$0x0] =	vst.idx.msk $0xffff, v38  }
0x190: {  	v60 =	vadd.s32 v19, v34;
	[tilespmem:v51+s18+$0x0] =	vst.idx.msk $0xffff, v50;
	v59 =	vld [tilespmem:s29+$0x20]  }
.Ltmp4:
0x191: {  	s0 =	sadd.s32 $0x1, s30;
	v41 =	vadd.s32 v23, v37;
	v38 =	vmov s30;
	[tilespmem:v49+s18+$0x0] =	vst.idx.msk $0xffff, v48;
	v40 =	vld [tilespmem:s29+$0x60];
	(pc) =	sbr.rel @p0 .LBB2_11-.Ltmp4, $4  }
0x192: {  	s1 =	sadd.s32 $0x3, s30;
	v53 =	vmov s0;
	s0 =	sadd.s32 $0x2, s30;
	v43 =	vadd.s32 v27, v36;
	v50 =	vshrl.u32 v38, $0x3;
	v42 =	vld [tilespmem:s29+$0xA0];
	[tilespmem:v47+s18+$0x0] =	vst.idx.msk $0xffff, v39  }
0x193: {  	v54 =	vmov s0;
	s0 =	sadd.s32 $0x4, s30;
	v44 =	vmov s1;
	s1 =	sadd.s32 $0x5, s30;
	v48 =	vadd.s32 v3, v33;
	v46 =	vld [tilespmem:s29+$0xFFFFFF20];
	[tilespmem:v56+s18+$0x0] =	vst.idx.msk $0xffff, v52  }
0x194: {  	v38 =	vmov s1;
	v51 =	vadd.s32 v8, v45;
	v47 =	vmov s0;
	s0 =	sadd.s32 $0x6, s30;
	v49 =	vld [tilespmem:s29+$0xFFFFFF70];
	[tilespmem:v58+s18+$0x0] =	vst.idx.msk $0xffff, v57  }
0x195: {  	s1 =	sadd.s32 $0x7, s30;
	v45 =	vshll.u32 v50, v1;
	s30 =	sadd.s32 $0x8, s30;
	v39 =	vmov s0;
	v52 =	vadd.s32 v12, v55;
	v50 =	vld [tilespmem:s29+$0xFFFFFFB0];
	[tilespmem:v60+s18+$0x0] =	vst.idx.msk $0xffff, v59  }
0x196: {  	_ =	sdelay $0x2  }
0x197: {  	v53 =	vshrl.u32 v53, $0x3  }
0x198: {  	v55 =	vmov s1;
	v56 =	vld [tilespmem:s29+$0xFFFFFFF0];
	v35 =	vadd.s32 v16, v35;
	[tilespmem:v41+s18+$0x0] =	vst.idx.msk $0xffff, v40;
	v57 =	vshrl.u32 v54, $0x3  }
0x199: {  	v59 =	vld [tilespmem:s29+$0x30];
	v34 =	vadd.s32 v20, v34;
	v60 =	vshrl.u32 v44, $0x3;
	v58 =	vshrl.u32 v55, $0x3;
	[tilespmem:v43+s18+$0x0] =	vst.idx.msk $0xffff, v42  }
0x19a: {  	v37 =	vadd.s32 v24, v37;
	v62 =	vshrl.u32 v47, $0x3;
	v61 =	vld [tilespmem:s29+$0x70];
	v41 =	vshll.u32 v58, v1;
	[tilespmem:v48+s18+$0x0] =	vst.idx.msk $0xffff, v46  }
0x19b: {  	v36 =	vadd.s32 v28, v36;
	v45 =	vbroadcast v45, $0x0;
	v63 =	vld [tilespmem:s29+$0xB0];
	v41 =	vbroadcast v41, $0x0;
	[tilespmem:v51+s18+$0x0] =	vst.idx.msk $0xffff, v49  }
0x19c: {  	v33 =	vadd.s32 v4, v33;
	s19 =	sadd.s32 $0x200, s29;
	v38 =	vshrl.u32 v38, $0x3;
	v55 =	vshll.u32 v53, v1;
	v48 =	vld [tilespmem:s29+$0xFFFFFF30];
	[tilespmem:v52+s18+$0x0] =	vst.idx.msk $0xffff, v50  }
0x19d: {  	v40 =	vshll.u32 v57, v1;
	v47 =	vbroadcast v55, $0x0;
	v49 =	vld [tilespmem:s19+$0xC0];
	v50 =	vadd.s32 v29, v41;
	[tilespmem:v35+s18+$0x0] =	vst.idx.msk $0xffff, v56  }
0x19e: {  	v42 =	vshll.u32 v60, v1;
	v40 =	vbroadcast v40, $0x0;
	v35 =	vld [tilespmem:s19+$0xFFFFFF00];
	v56 =	vadd.s32 v0, v45;
	[tilespmem:v34+s18+$0x0] =	vst.idx.msk $0xffff, v59  }
0x19f: {  	v57 =	vld [tilespmem:s19+$0xFFFFFF40];
	v44 =	vshll.u32 v62, v1;
	v42 =	vbroadcast v42, $0x0;
	v58 =	vadd.s32 v5, v47;
	[tilespmem:v37+s18+$0x0] =	vst.idx.msk $0xffff, v61  }
0x1a0: {  	v38 =	vshll.u32 v38, v1;
	v44 =	vbroadcast v44, $0x0;
	v60 =	vadd.s32 v9, v40;
	v59 =	vld [tilespmem:s19+$0xFFFFFF80];
	[tilespmem:v36+s18+$0x0] =	vst.idx.msk $0xffff, v63  }
0x1a1: {  	v38 =	vbroadcast v38, $0x0;
	v62 =	vadd.s32 v13, v42;
	v61 =	vld [tilespmem:s19+$0xFFFFFFC0];
	[tilespmem:v33+s18+$0x0] =	vst.idx.msk $0xffff, v48  }
0x1a2: {  	v39 =	vshrl.u32 v39, $0x3;
	v63 =	vadd.s32 v17, v44;
	v33 =	vld [tilespmem:s19+$0x0];
	[tilespmem:v50+s18+$0x0] =	vst.idx.msk $0xffff, v49  }
0x1a3: {  	v39 =	vshll.u32 v39, v1;
	v34 =	vld [tilespmem:s19+$0x40];
	[tilespmem:v56+s18+$0x0] =	vst.idx.msk $0xffff, v35;
	v56 =	vadd.s32 v21, v38  }
0x1a4: {  	[tilespmem:v58+s18+$0x0] =	vst.idx.msk $0xffff, v57;
	v35 =	vbroadcast v39, $0x0;
	v49 =	vadd.s32 v30, v41;
	v39 =	vld [tilespmem:s19+$0xD0]  }
0x1a5: {  	[tilespmem:v60+s18+$0x0] =	vst.idx.msk $0xffff, v59;
	v59 =	vld [tilespmem:s19+$0xFFFFFF50];
	v60 =	vadd.s32 v6, v47  }
0x1a6: {  	v57 =	vld [tilespmem:s19+$0x80];
	[tilespmem:v62+s18+$0x0] =	vst.idx.msk $0xffff, v61;
	v58 =	vadd.s32 v25, v35  }
0x1a7: {  	v61 =	vld [tilespmem:s19+$0xFFFFFF90];
	v62 =	vadd.s32 v10, v40;
	[tilespmem:v63+s18+$0x0] =	vst.idx.msk $0xffff, v33  }
0x1a8: {  	v33 =	vld [tilespmem:s19+$0xFFFFFFD0];
	v63 =	vadd.s32 v14, v42;
	[tilespmem:v56+s18+$0x0] =	vst.idx.msk $0xffff, v34  }
0x1a9: {  	v56 =	vadd.s32 v18, v44;
	[tilespmem:v49+s18+$0x0] =	vst.idx.msk $0xffff, v39;
	v49 =	vld [tilespmem:s19+$0x10]  }
0x1aa: {  	[tilespmem:v60+s18+$0x0] =	vst.idx.msk $0xffff, v59;
	v39 =	vadd.s32 v31, v41;
	v34 =	vld [tilespmem:s19+$0xE0]  }
0x1ab: {  	[tilespmem:v58+s18+$0x0] =	vst.idx.msk $0xffff, v57;
	v57 =	vld [tilespmem:s19+$0x50];
	v58 =	vadd.s32 v22, v38  }
0x1ac: {  	[tilespmem:v62+s18+$0x0] =	vst.idx.msk $0xffff, v61;
	v61 =	vld [tilespmem:s19+$0xFFFFFF10];
	v62 =	vadd.s32 v2, v45  }
0x1ad: {  	v60 =	vadd.s32 v26, v35;
	v59 =	vld [tilespmem:s19+$0x90];
	[tilespmem:v63+s18+$0x0] =	vst.idx.msk $0xffff, v33  }
0x1ae: {  	v55 =	vadd.s32 v11, v40;
	v54 =	vadd.s32 v32, v41;
	v41 =	vld [tilespmem:s19+$0xFFFFFFA0];
	[tilespmem:v56+s18+$0x0] =	vst.idx.msk $0xffff, v49  }
0x1af: {  	v53 =	vadd.s32 v7, v47;
	v63 =	vld [tilespmem:s19+$0xFFFFFF60];
	[tilespmem:v39+s18+$0x0] =	vst.idx.msk $0xffff, v34  }
0x1b0: {  	v56 =	vld [tilespmem:s19+$0xFFFFFFE0];
	[tilespmem:v58+s18+$0x0] =	vst.idx.msk $0xffff, v57;
	v57 =	vadd.s32 v15, v42  }
0x1b1: {  	[tilespmem:v62+s18+$0x0] =	vst.idx.msk $0xffff, v61;
	v34 =	vld [tilespmem:s19+$0xF0]  }
0x1b2: {  	v58 =	vld [tilespmem:s19+$0x20];
	[tilespmem:v60+s18+$0x0] =	vst.idx.msk $0xffff, v59;
	v59 =	vadd.s32 v19, v44  }
0x1b3: {  	v61 =	vadd.s32 v23, v38;
	[tilespmem:v55+s18+$0x0] =	vst.idx.msk $0xffff, v41;
	v60 =	vld [tilespmem:s19+$0x60]  }
0x1b4: {  	[tilespmem:v53+s18+$0x0] =	vst.idx.msk $0xffff, v63;
	v63 =	vadd.s32 v27, v35;
	v62 =	vld [tilespmem:s19+$0xA0]  }
0x1b5: {  	v47 =	vadd.s32 v8, v47;
	v55 =	vld [tilespmem:s19+$0xFFFFFF70];
	[tilespmem:v57+s18+$0x0] =	vst.idx.msk $0xffff, v56  }
0x1b6: {  	v53 =	vld [tilespmem:s19+$0xFFFFFF20];
	[tilespmem:v54+s18+$0x0] =	vst.idx.msk $0xffff, v34;
	v54 =	vadd.s32 v3, v45  }
0x1b7: {  	v40 =	vadd.s32 v12, v40;
	v56 =	vld [tilespmem:s19+$0xFFFFFFB0];
	[tilespmem:v59+s18+$0x0] =	vst.idx.msk $0xffff, v58  }
0x1b8: {  	v42 =	vadd.s32 v16, v42;
	v57 =	vld [tilespmem:s19+$0xFFFFFFF0];
	[tilespmem:v61+s18+$0x0] =	vst.idx.msk $0xffff, v60  }
0x1b9: {  	v59 =	vadd.s32 v20, v44;
	v58 =	vld [tilespmem:s19+$0x30];
	[tilespmem:v63+s18+$0x0] =	vst.idx.msk $0xffff, v62  }
0x1ba: {  	v38 =	vadd.s32 v24, v38;
	v60 =	vld [tilespmem:s19+$0x70];
	[tilespmem:v47+s18+$0x0] =	vst.idx.msk $0xffff, v55  }
0x1bb: {  	v35 =	vadd.s32 v28, v35;
	v61 =	vld [tilespmem:s19+$0xB0];
	[tilespmem:v54+s18+$0x0] =	vst.idx.msk $0xffff, v53  }
0x1bc: {  	s29 =	sshll.u32 s28, $0x1;
	v63 =	vadd.s32 v4, v45;
	[tilespmem:v40+s18+$0x0] =	vst.idx.msk $0xffff, v56;
	v62 =	vld [tilespmem:s19+$0xFFFFFF30]  }
0x1bd: {  	s0 =	sadd.s32 s29, s8;
	[tilespmem:v42+s18+$0x0] =	vst.idx.msk $0xffff, v57  }
0x1be: {  	s22 =	sshll.u32 s0, $0x7;
	[tilespmem:v59+s18+$0x0] =	vst.idx.msk $0xffff, v58  }
0x1bf: {  	s0 =	sshll.u32 s0, $0xA;
	s1 =	sand.u32 $0x3F00, s22;
	[tilespmem:v38+s18+$0x0] =	vst.idx.msk $0xffff, v60  }
0x1c0: {  	s0 =	sand.u32 $0xFFE0000, s0;
	s1 =	sadd.s32 s2, s1;
	[tilespmem:v35+s18+$0x0] =	vst.idx.msk $0xffff, v61  }
0x1c1: {  	s30 =	sadd.s32 s0, s1;
	s19 =	simm.s32 $0xA400;
	[tilespmem:v63+s18+$0x0] =	vst.idx.msk $0xffff, v62  }
0x1c2: {  	[hbm4b:s30+s3] =	stream.linear.scatter [tilespmem:s19], [sflag:$0x3], $0x80, $0x38;
	[tilespmem:$0xF000] =	vst v63  }
0x1c3: {  	s22 =	simm.s32 $0xA498;
	s1 =	sadd.s32 $0x10, s30  }
0x1c4: {  	[hbm4b:s1+s3] =	stream.linear.scatter [tilespmem:s22], [sflag:$0x3], $0x80, $0x38;
	[tilespmem:$0xF000] =	vst v63  }
0x1c5: {  	s19 =	simm.s32 $0xA530;
	s22 =	sadd.s32 $0x20, s30  }
0x1c6: {  	[hbm4b:s22+s3] =	stream.linear.scatter [tilespmem:s19], [sflag:$0x3], $0x80, $0x38;
	[tilespmem:$0xF000] =	vst v63  }
0x1c7: {  	s19 =	simm.s32 $0xA5C8;
	s22 =	sadd.s32 $0x30, s30  }
0x1c8: {  	[hbm4b:s22+s3] =	stream.linear.scatter [tilespmem:s19], [sflag:$0x3], $0x80, $0x38;
	[tilespmem:$0xF000] =	vst v63  }
0x1c9: {  	s19 =	simm.s32 $0xA660;
	s22 =	sadd.s32 $0x40, s30  }
0x1ca: {  	[hbm4b:s22+s3] =	stream.linear.scatter [tilespmem:s19], [sflag:$0x3], $0x80, $0x38;
	[tilespmem:$0xF000] =	vst v63  }
0x1cb: {  	s31 =	simm.s32 $0x2600;
	s19 =	simm.s32 $0xA6F8;
	s22 =	sadd.s32 $0x50, s30  }
0x1cc: {  	[hbm4b:s22+s3] =	stream.linear.scatter [tilespmem:s19], [sflag:$0x3], $0x80, $0x38;
	[tilespmem:$0xF000] =	vst v63  }
0x1cd: {  	s0 =	simm.s32 $0xA828;
	s19 =	simm.s32 $0xA790;
	s22 =	sadd.s32 $0x60, s30  }
0x1ce: {  	[hbm4b:s22+s3] =	stream.linear.scatter [tilespmem:s19], [sflag:$0x3], $0x80, $0x38;
	[tilespmem:$0xF000] =	vst v63  }
0x1cf: {  	s1 =	simm.s32 $0x4C0;
	s19 =	sadd.s32 $0x70, s30;
	s30 =	sadd.s32 $0x4000, s30  }
.LBB2_13:
0x1d0: {  	[hbm4b:s19+s3] =	stream.linear.scatter [tilespmem:s0], [sflag:$0x3], $0x80, $0x38;
	[tilespmem:$0xF000] =	vst v63  }
0x1d1: {  	s0 =	smov.u32 s1;
	s1 =	smov.u32 s31  }
0x1d2: {  	s22 =	sadd.s32 $0x1300, s31;
	s1 =	sshra.s32 s1, $0x2;
	s19 =	sadd.s32 $0xA400, s0  }
0x1d3: {  	[hbm4b:s30+s3] =	stream.linear.scatter [tilespmem:s19], [sflag:$0x3], $0x80, $0x38;
	[tilespmem:$0xF000] =	vst v63  }
0x1d4: {  	p0 =	sne.s32 s31, $0x8500;
	s31 =	sadd.s32 $0x10, s30;
	s19 =	sadd.s32 $0xA498, s0  }
0x1d5: {  	[hbm4b:s31+s3] =	stream.linear.scatter [tilespmem:s19], [sflag:$0x3], $0x80, $0x38;
	[tilespmem:$0xF000] =	vst v63  }
0x1d6: {  	s19 =	sadd.s32 $0xA530, s0;
	s31 =	sadd.s32 $0x20, s30  }
0x1d7: {  	[hbm4b:s31+s3] =	stream.linear.scatter [tilespmem:s19], [sflag:$0x3], $0x80, $0x38;
	[tilespmem:$0xF000] =	vst v63  }
0x1d8: {  	s19 =	sadd.s32 $0xA5C8, s0;
	s31 =	sadd.s32 $0x30, s30  }
0x1d9: {  	[hbm4b:s31+s3] =	stream.linear.scatter [tilespmem:s19], [sflag:$0x3], $0x80, $0x38;
	[tilespmem:$0xF000] =	vst v63  }
0x1da: {  	s19 =	sadd.s32 $0xA660, s0;
	s31 =	sadd.s32 $0x40, s30  }
0x1db: {  	[hbm4b:s31+s3] =	stream.linear.scatter [tilespmem:s19], [sflag:$0x3], $0x80, $0x38;
	[tilespmem:$0xF000] =	vst v63  }
.Ltmp5:
0x1dc: {  	s19 =	sadd.s32 $0xA6F8, s0;
	s31 =	sadd.s32 $0x50, s30;
	(pc) =	sbr.rel @p0 .LBB2_13-.Ltmp5, $4  }
0x1dd: {  	[hbm4b:s31+s3] =	stream.linear.scatter [tilespmem:s19], [sflag:$0x3], $0x80, $0x38;
	[tilespmem:$0xF000] =	vst v63  }
0x1de: {  	s19 =	sadd.s32 $0xA790, s0;
	s31 =	sadd.s32 $0x60, s30;
	s0 =	sadd.s32 $0xA828, s0  }
0x1df: {  	[hbm4b:s31+s3] =	stream.linear.scatter [tilespmem:s19], [sflag:$0x3], $0x80, $0x38;
	[tilespmem:$0xF000] =	vst v63  }
0x1e0: {  	s19 =	sadd.s32 $0x70, s30;
	s30 =	sadd.s32 $0x4000, s30;
	s31 =	smov.u32 s22  }
0x1e1: {  	[hbm4b:s19+s3] =	stream.linear.scatter [tilespmem:s0], [sflag:$0x3], $0x80, $0x38;
	[tilespmem:$0xF000] =	vst v63  }
0x1e2: {  	s22 =	sadd.s32 $0xA400, s1  }
0x1e3: {  	[hbm4b:s30+s3] =	stream.linear.scatter [tilespmem:s22], [sflag:$0x3], $0x80, $0x38;
	[tilespmem:$0xF000] =	vst v63  }
0x1e4: {  	s19 =	sadd.s32 $0xA498, s1;
	s22 =	sadd.s32 $0x10, s30  }
0x1e5: {  	[hbm4b:s22+s3] =	stream.linear.scatter [tilespmem:s19], [sflag:$0x3], $0x80, $0x38;
	[tilespmem:$0xF000] =	vst v63  }
0x1e6: {  	s19 =	sadd.s32 $0xA530, s1;
	s22 =	sadd.s32 $0x20, s30  }
0x1e7: {  	[hbm4b:s22+s3] =	stream.linear.scatter [tilespmem:s19], [sflag:$0x3], $0x80, $0x38;
	[tilespmem:$0xF000] =	vst v63  }
0x1e8: {  	s19 =	sadd.s32 $0xA5C8, s1;
	s22 =	sadd.s32 $0x30, s30  }
0x1e9: {  	[hbm4b:s22+s3] =	stream.linear.scatter [tilespmem:s19], [sflag:$0x3], $0x80, $0x38;
	[tilespmem:$0xF000] =	vst v63  }
0x1ea: {  	s19 =	sadd.s32 $0xA660, s1;
	s22 =	sadd.s32 $0x40, s30  }
0x1eb: {  	[hbm4b:s22+s3] =	stream.linear.scatter [tilespmem:s19], [sflag:$0x3], $0x80, $0x38;
	[tilespmem:$0xF000] =	vst v63  }
0x1ec: {  	s19 =	sadd.s32 $0xA6F8, s1;
	s22 =	sadd.s32 $0x50, s30  }
0x1ed: {  	[hbm4b:s22+s3] =	stream.linear.scatter [tilespmem:s19], [sflag:$0x3], $0x80, $0x38;
	[tilespmem:$0xF000] =	vst v63  }
0x1ee: {  	s19 =	sadd.s32 $0xA790, s1;
	s22 =	sadd.s32 $0x60, s30  }
0x1ef: {  	[hbm4b:s22+s3] =	stream.linear.scatter [tilespmem:s19], [sflag:$0x3], $0x80, $0x38;
	[tilespmem:$0xF000] =	vst v63  }
0x1f0: {  	s19 =	sadd.s32 $0xA828, s1;
	s22 =	sadd.s32 $0x70, s30  }
0x1f1: {  	[hbm4b:s22+s3] =	stream.linear.scatter [tilespmem:s19], [sflag:$0x3], $0x80, $0x38;
	[tilespmem:$0xF000] =	vst v63  }
0x1f2: {  	s1 =	simm.s32 $0x1;
	s19 =	sshll.u32 s28, $0x8  }
0x1f3: {  	v34 =	vmov s1;
	s1 =	simm.s32 $0x4;
	s30 =	sand.u32 $0x3FFFFF00, s19  }
0x1f4: {  	s22 =	simm.s32 $0x0;
	s19 =	simm.s32 $0x2;
	s0 =	sadd.s32 $0x200, s30  }
0x1f5: {  	v37 =	vmov s1;
	v34 =	vshrl.u32 v34, $0x3;
	[tilespmem:s15], [sflag:$0x1] =	stream.indirect.gather [hbm4b:s4+s14], $0x40, s0, s14, $0xb8;
	[tilespmem:$0xF000] =	vst v63  }
0x1f6: {  	v33 =	vmov s22;
	v37 =	vshrl.u32 v37, $0x3;
	v35 =	vmov s19;
	s19 =	simm.s32 $0x7;
	_ =	swait.ge [sflag:s20], $0x2000  }
0x1f7: {  	s22 =	simm.s32 $0x3;
	v34 =	vshll.u32 v34, v1;
	v33 =	vshrl.u32 v33, $0x3;
	v38 =	vmov s19;
	[sflag:s20] =	ssyncset.done $0x0  }
0x1f8: {  	v36 =	vmov s22;
	s22 =	simm.s32 $0x5;
	v45 =	vbroadcast v34, $0x0;
	v38 =	vshrl.u32 v38, $0x3;
	[sflag:s20] =	ssyncadd.s32 $0xFFFFE000  }
0x1f9: {  	v54 =	vshll.u32 v37, v1;
	v39 =	vmov s22;
	v38 =	vshll.u32 v38, v1;
	_ =	swait.ge [sflag:s24], $0x2000  }
0x1fa: {  	v33 =	vshll.u32 v33, v1;
	v35 =	vshrl.u32 v35, $0x3;
	v38 =	vbroadcast v38, $0x0;
	[sflag:s24] =	ssyncset.done $0x0  }
0x1fb: {  	s31 =	simm.s32 $0x8500;
	s19 =	simm.s32 $0x6;
	v36 =	vshrl.u32 v36, $0x3;
	v34 =	vbroadcast v54, $0x0;
	v33 =	vbroadcast v33, $0x0;
	[sflag:s24] =	ssyncadd.s32 $0xFFFFE000  }
0x1fc: {  	v40 =	vmov s19;
	v52 =	vshll.u32 v35, v1;
	v42 =	vadd.s32 v29, v38;
	v41 =	vld [tilespmem:s31+$0xC0]  }
0x1fd: {  	v53 =	vshll.u32 v36, v1;
	v52 =	vbroadcast v52, $0x0;
	v44 =	vadd.s32 v0, v33;
	v43 =	vld [tilespmem:s31+$0xFFFFFF00]  }
0x1fe: {  	v47 =	vadd.s32 v5, v45;
	v55 =	vshrl.u32 v39, $0x3;
	v35 =	vbroadcast v53, $0x0;
	v46 =	vld [tilespmem:s31+$0xFFFFFF40]  }
0x1ff: {  	v36 =	vshll.u32 v55, v1;
	v40 =	vshrl.u32 v40, $0x3;
	v49 =	vadd.s32 v9, v52;
	v48 =	vld [tilespmem:s31+$0xFFFFFF80]  }
0x200: {  	v37 =	vbroadcast v36, $0x0;
	v56 =	vshll.u32 v40, v1;
	v50 =	vadd.s32 v13, v35;
	v39 =	vld [tilespmem:s31+$0xFFFFFFC0]  }
0x201: {  	v53 =	vadd.s32 v17, v34;
	v36 =	vbroadcast v56, $0x0;
	v51 =	vld [tilespmem:s31+$0x0];
	[tilespmem:v42+s21+$0x0] =	vst.idx.msk $0xffff, v41  }
0x202: {  	v60 =	vadd.s32 v21, v37;
	v59 =	vld [tilespmem:s31+$0x40];
	[tilespmem:v44+s21+$0x0] =	vst.idx.msk $0xffff, v43  }
0x203: {  	v62 =	vadd.s32 v25, v36;
	v61 =	vld [tilespmem:s31+$0x80];
	[tilespmem:v47+s21+$0x0] =	vst.idx.msk $0xffff, v46  }
0x204: {  	v58 =	vadd.s32 v30, v38;
	[tilespmem:v49+s21+$0x0] =	vst.idx.msk $0xffff, v48;
	v57 =	vld [tilespmem:s31+$0xD0]  }
0x205: {  	v63 =	vadd.s32 v6, v45;
	[tilespmem:v50+s21+$0x0] =	vst.idx.msk $0xffff, v39;
	v47 =	vld [tilespmem:s31+$0xFFFFFF50]  }
0x206: {  	v55 =	vadd.s32 v10, v52;
	[tilespmem:v53+s21+$0x0] =	vst.idx.msk $0xffff, v51;
	v54 =	vld [tilespmem:s31+$0xFFFFFF90]  }
0x207: {  	v56 =	vadd.s32 v14, v35;
	[tilespmem:v60+s21+$0x0] =	vst.idx.msk $0xffff, v59;
	v50 =	vld [tilespmem:s31+$0xFFFFFFD0]  }
0x208: {  	[tilespmem:v62+s21+$0x0] =	vst.idx.msk $0xffff, v61;
	v46 =	vadd.s32 v22, v37;
	v44 =	vld [tilespmem:s31+$0x50]  }
0x209: {  	v59 =	vadd.s32 v18, v34;
	[tilespmem:v58+s21+$0x0] =	vst.idx.msk $0xffff, v57;
	v58 =	vld [tilespmem:s31+$0x10]  }
0x20a: {  	v57 =	vadd.s32 v31, v38;
	[tilespmem:v63+s21+$0x0] =	vst.idx.msk $0xffff, v47;
	v40 =	vld [tilespmem:s31+$0xE0]  }
0x20b: {  	v62 =	vadd.s32 v2, v33;
	v61 =	vld [tilespmem:s31+$0xFFFFFF10];
	[tilespmem:v55+s21+$0x0] =	vst.idx.msk $0xffff, v54  }
0x20c: {  	v60 =	vadd.s32 v26, v36;
	v63 =	vld [tilespmem:s31+$0x90];
	[tilespmem:v56+s21+$0x0] =	vst.idx.msk $0xffff, v50  }
0x20d: {  	v51 =	vadd.s32 v7, v45;
	[tilespmem:v46+s21+$0x0] =	vst.idx.msk $0xffff, v44;
	v50 =	vld [tilespmem:s31+$0xFFFFFF60]  }
0x20e: {  	v56 =	vadd.s32 v11, v52;
	v55 =	vld [tilespmem:s31+$0xFFFFFFA0];
	[tilespmem:v59+s21+$0x0] =	vst.idx.msk $0xffff, v58  }
0x20f: {  	v58 =	vadd.s32 v15, v35;
	[tilespmem:v57+s21+$0x0] =	vst.idx.msk $0xffff, v40;
	v57 =	vld [tilespmem:s31+$0xFFFFFFE0]  }
0x210: {  	v38 =	vadd.s32 v32, v38;
	[tilespmem:v62+s21+$0x0] =	vst.idx.msk $0xffff, v61;
	v54 =	vld [tilespmem:s31+$0xF0]  }
0x211: {  	s1 =	simm.s32 $0x9;
	[tilespmem:v60+s21+$0x0] =	vst.idx.msk $0xffff, v63;
	v60 =	vadd.s32 v19, v34;
	v59 =	vld [tilespmem:s31+$0x20]  }
0x212: {  	s22 =	simm.s32 $0x8;
	v41 =	vadd.s32 v23, v37;
	v53 =	vmov s1;
	[tilespmem:v51+s21+$0x0] =	vst.idx.msk $0xffff, v50;
	v40 =	vld [tilespmem:s31+$0x60]  }
0x213: {  	v43 =	vadd.s32 v27, v36;
	s1 =	simm.s32 $0xC;
	v48 =	vadd.s32 v3, v33;
	v63 =	vmov s22;
	v42 =	vld [tilespmem:s31+$0xA0];
	[tilespmem:v56+s21+$0x0] =	vst.idx.msk $0xffff, v55  }
0x214: {  	s19 =	simm.s32 $0xA;
	v47 =	vmov s1;
	v52 =	vadd.s32 v12, v52;
	v46 =	vld [tilespmem:s31+$0xFFFFFF20];
	s22 =	simm.s32 $0xB;
	v39 =	vshrl.u32 v63, $0x3;
	[tilespmem:v58+s21+$0x0] =	vst.idx.msk $0xffff, v57  }
0x215: {  	v44 =	vmov s22;
	s22 =	simm.s32 $0xE;
	v51 =	vadd.s32 v8, v45;
	v49 =	vld [tilespmem:s31+$0xFFFFFF70];
	[tilespmem:v38+s21+$0x0] =	vst.idx.msk $0xffff, v54;
	v54 =	vmov s19;
	s19 =	simm.s32 $0xD  }
0x216: {  	s0 =	simm.s32 $0xF;
	s1 =	simm.s32 $0x10;
	v45 =	vshll.u32 v39, v1;
	v39 =	vmov s22;
	v50 =	vld [tilespmem:s31+$0xFFFFFFB0];
	[tilespmem:v60+s21+$0x0] =	vst.idx.msk $0xffff, v59;
	v38 =	vmov s19  }
.LBB2_15:
0x217: {  	p0 =	slt.u32 s1, $0x78;
	v53 =	vshrl.u32 v53, $0x3;
	v55 =	vmov s0;
	v56 =	vld [tilespmem:s31+$0xFFFFFFF0];
	v35 =	vadd.s32 v16, v35;
	[tilespmem:v41+s21+$0x0] =	vst.idx.msk $0xffff, v40  }
0x218: {  	v40 =	vshrl.u32 v54, $0x3;
	v34 =	vadd.s32 v20, v34;
	v41 =	vshrl.u32 v55, $0x3;
	v54 =	vld [tilespmem:s31+$0x30];
	[tilespmem:v43+s21+$0x0] =	vst.idx.msk $0xffff, v42  }
0x219: {  	v37 =	vadd.s32 v24, v37;
	v42 =	vshrl.u32 v44, $0x3;
	v41 =	vshll.u32 v41, v1;
	[tilespmem:v48+s21+$0x0] =	vst.idx.msk $0xffff, v46;
	v43 =	vld [tilespmem:s31+$0x70]  }
0x21a: {  	v36 =	vadd.s32 v28, v36;
	v44 =	vshrl.u32 v47, $0x3;
	v41 =	vbroadcast v41, $0x0;
	[tilespmem:v51+s21+$0x0] =	vst.idx.msk $0xffff, v49;
	v46 =	vld [tilespmem:s31+$0xB0]  }
0x21b: {  	v47 =	vshll.u32 v53, v1;
	v49 =	vadd.s32 v4, v33;
	v33 =	vbroadcast v45, $0x0;
	v48 =	vld [tilespmem:s31+$0xFFFFFF30];
	[tilespmem:v52+s21+$0x0] =	vst.idx.msk $0xffff, v50;
	s31 =	sadd.s32 $0x200, s31  }
0x21c: {  	v40 =	vshll.u32 v40, v1;
	v45 =	vbroadcast v47, $0x0;
	v47 =	vld [tilespmem:s31+$0xC0];
	v50 =	vadd.s32 v29, v41;
	[tilespmem:v35+s21+$0x0] =	vst.idx.msk $0xffff, v56  }
0x21d: {  	v55 =	vbroadcast v40, $0x0;
	v52 =	vadd.s32 v0, v33;
	v35 =	vshll.u32 v42, v1;
	v51 =	vld [tilespmem:s31+$0xFFFFFF00];
	[tilespmem:v34+s21+$0x0] =	vst.idx.msk $0xffff, v54  }
0x21e: {  	v42 =	vadd.s32 v5, v45;
	v35 =	vbroadcast v35, $0x0;
	v34 =	vshll.u32 v44, v1;
	v40 =	vld [tilespmem:s31+$0xFFFFFF40];
	[tilespmem:v37+s21+$0x0] =	vst.idx.msk $0xffff, v43  }
0x21f: {  	v44 =	vadd.s32 v9, v55;
	v34 =	vbroadcast v34, $0x0;
	v37 =	vshrl.u32 v38, $0x3;
	v43 =	vld [tilespmem:s31+$0xFFFFFF80];
	[tilespmem:v36+s21+$0x0] =	vst.idx.msk $0xffff, v46  }
0x220: {  	v39 =	vshrl.u32 v39, $0x3;
	v46 =	vadd.s32 v13, v35;
	v36 =	vshll.u32 v37, v1;
	v38 =	vld [tilespmem:s31+$0xFFFFFFC0];
	[tilespmem:v49+s21+$0x0] =	vst.idx.msk $0xffff, v48  }
0x221: {  	v49 =	vadd.s32 v17, v34;
	v37 =	vbroadcast v36, $0x0;
	v36 =	vshll.u32 v39, v1;
	v48 =	vld [tilespmem:s31+$0x0];
	[tilespmem:v50+s21+$0x0] =	vst.idx.msk $0xffff, v47  }
0x222: {  	v36 =	vbroadcast v36, $0x0;
	v47 =	vadd.s32 v30, v41;
	[tilespmem:v52+s21+$0x0] =	vst.idx.msk $0xffff, v51;
	v39 =	vld [tilespmem:s31+$0xD0]  }
0x223: {  	[tilespmem:v42+s21+$0x0] =	vst.idx.msk $0xffff, v40;
	v40 =	vld [tilespmem:s31+$0x40];
	v42 =	vadd.s32 v21, v37  }
0x224: {  	[tilespmem:v44+s21+$0x0] =	vst.idx.msk $0xffff, v43;
	v43 =	vld [tilespmem:s31+$0x80];
	v44 =	vadd.s32 v25, v36  }
0x225: {  	v51 =	vadd.s32 v6, v45;
	v50 =	vld [tilespmem:s31+$0xFFFFFF50];
	[tilespmem:v46+s21+$0x0] =	vst.idx.msk $0xffff, v38  }
0x226: {  	v46 =	vadd.s32 v10, v55;
	v38 =	vld [tilespmem:s31+$0xFFFFFF90];
	[tilespmem:v49+s21+$0x0] =	vst.idx.msk $0xffff, v48  }
0x227: {  	v49 =	vadd.s32 v14, v35;
	v48 =	vld [tilespmem:s31+$0xFFFFFFD0];
	[tilespmem:v47+s21+$0x0] =	vst.idx.msk $0xffff, v39  }
0x228: {  	[tilespmem:v42+s21+$0x0] =	vst.idx.msk $0xffff, v40;
	v39 =	vld [tilespmem:s31+$0xE0];
	v40 =	vadd.s32 v31, v41  }
0x229: {  	v47 =	vadd.s32 v18, v34;
	v42 =	vld [tilespmem:s31+$0x10];
	[tilespmem:v44+s21+$0x0] =	vst.idx.msk $0xffff, v43  }
0x22a: {  	v44 =	vadd.s32 v22, v37;
	[tilespmem:v51+s21+$0x0] =	vst.idx.msk $0xffff, v50;
	v43 =	vld [tilespmem:s31+$0x50]  }
0x22b: {  	[tilespmem:v46+s21+$0x0] =	vst.idx.msk $0xffff, v38;
	v38 =	vld [tilespmem:s31+$0x90];
	v46 =	vadd.s32 v26, v36  }
0x22c: {  	v51 =	vadd.s32 v2, v33;
	v50 =	vld [tilespmem:s31+$0xFFFFFF10];
	[tilespmem:v49+s21+$0x0] =	vst.idx.msk $0xffff, v48  }
0x22d: {  	v49 =	vadd.s32 v7, v45;
	v48 =	vld [tilespmem:s31+$0xFFFFFF60];
	[tilespmem:v40+s21+$0x0] =	vst.idx.msk $0xffff, v39  }
0x22e: {  	[tilespmem:v47+s21+$0x0] =	vst.idx.msk $0xffff, v42;
	v39 =	vld [tilespmem:s31+$0xF0];
	v47 =	vadd.s32 v32, v41  }
0x22f: {  	v56 =	vadd.s32 v11, v55;
	v52 =	vld [tilespmem:s31+$0xFFFFFFA0];
	[tilespmem:v44+s21+$0x0] =	vst.idx.msk $0xffff, v43  }
0x230: {  	v58 =	vadd.s32 v15, v35;
	v57 =	vld [tilespmem:s31+$0xFFFFFFE0];
	[tilespmem:v46+s21+$0x0] =	vst.idx.msk $0xffff, v38  }
0x231: {  	v60 =	vadd.s32 v19, v34;
	[tilespmem:v51+s21+$0x0] =	vst.idx.msk $0xffff, v50;
	v59 =	vld [tilespmem:s31+$0x20]  }
.Ltmp6:
0x232: {  	s0 =	sadd.s32 $0x1, s1;
	v41 =	vadd.s32 v23, v37;
	v38 =	vmov s1;
	[tilespmem:v49+s21+$0x0] =	vst.idx.msk $0xffff, v48;
	v40 =	vld [tilespmem:s31+$0x60];
	(pc) =	sbr.rel @p0 .LBB2_15-.Ltmp6, $4  }
0x233: {  	s19 =	sadd.s32 $0x3, s1;
	v53 =	vmov s0;
	s0 =	sadd.s32 $0x2, s1;
	v43 =	vadd.s32 v27, v36;
	v50 =	vshrl.u32 v38, $0x3;
	v42 =	vld [tilespmem:s31+$0xA0];
	[tilespmem:v47+s21+$0x0] =	vst.idx.msk $0xffff, v39  }
0x234: {  	v54 =	vmov s0;
	s0 =	sadd.s32 $0x4, s1;
	v44 =	vmov s19;
	s19 =	sadd.s32 $0x5, s1;
	v48 =	vadd.s32 v3, v33;
	v46 =	vld [tilespmem:s31+$0xFFFFFF20];
	[tilespmem:v56+s21+$0x0] =	vst.idx.msk $0xffff, v52  }
0x235: {  	v38 =	vmov s19;
	v51 =	vadd.s32 v8, v45;
	v47 =	vmov s0;
	s0 =	sadd.s32 $0x6, s1;
	v49 =	vld [tilespmem:s31+$0xFFFFFF70];
	[tilespmem:v58+s21+$0x0] =	vst.idx.msk $0xffff, v57  }
0x236: {  	v45 =	vshll.u32 v50, v1;
	v39 =	vmov s0;
	s0 =	sadd.s32 $0x7, s1;
	s1 =	sadd.s32 $0x8, s1;
	v52 =	vadd.s32 v12, v55;
	v50 =	vld [tilespmem:s31+$0xFFFFFFB0];
	[tilespmem:v60+s21+$0x0] =	vst.idx.msk $0xffff, v59  }
0x237: {  	_ =	sdelay $0x2  }
0x238: {  	v53 =	vshrl.u32 v53, $0x3  }
0x239: {  	v55 =	vmov s0;
	v56 =	vld [tilespmem:s31+$0xFFFFFFF0];
	v35 =	vadd.s32 v16, v35;
	[tilespmem:v41+s21+$0x0] =	vst.idx.msk $0xffff, v40;
	v57 =	vshrl.u32 v54, $0x3  }
0x23a: {  	v59 =	vld [tilespmem:s31+$0x30];
	v34 =	vadd.s32 v20, v34;
	v60 =	vshrl.u32 v44, $0x3;
	v58 =	vshrl.u32 v55, $0x3;
	[tilespmem:v43+s21+$0x0] =	vst.idx.msk $0xffff, v42  }
0x23b: {  	v37 =	vadd.s32 v24, v37;
	v62 =	vshrl.u32 v47, $0x3;
	v61 =	vld [tilespmem:s31+$0x70];
	v41 =	vshll.u32 v58, v1;
	[tilespmem:v48+s21+$0x0] =	vst.idx.msk $0xffff, v46  }
0x23c: {  	v36 =	vadd.s32 v28, v36;
	v45 =	vbroadcast v45, $0x0;
	v63 =	vld [tilespmem:s31+$0xB0];
	v41 =	vbroadcast v41, $0x0;
	[tilespmem:v51+s21+$0x0] =	vst.idx.msk $0xffff, v49  }
0x23d: {  	v33 =	vadd.s32 v4, v33;
	s1 =	sadd.s32 $0x200, s31;
	v38 =	vshrl.u32 v38, $0x3;
	v55 =	vshll.u32 v53, v1;
	v48 =	vld [tilespmem:s31+$0xFFFFFF30];
	[tilespmem:v52+s21+$0x0] =	vst.idx.msk $0xffff, v50  }
0x23e: {  	v40 =	vshll.u32 v57, v1;
	v47 =	vbroadcast v55, $0x0;
	v49 =	vld [tilespmem:s1+$0xC0];
	v50 =	vadd.s32 v29, v41;
	[tilespmem:v35+s21+$0x0] =	vst.idx.msk $0xffff, v56  }
0x23f: {  	v42 =	vshll.u32 v60, v1;
	v40 =	vbroadcast v40, $0x0;
	v35 =	vld [tilespmem:s1+$0xFFFFFF00];
	v56 =	vadd.s32 v0, v45;
	[tilespmem:v34+s21+$0x0] =	vst.idx.msk $0xffff, v59  }
0x240: {  	v57 =	vld [tilespmem:s1+$0xFFFFFF40];
	v44 =	vshll.u32 v62, v1;
	v42 =	vbroadcast v42, $0x0;
	v58 =	vadd.s32 v5, v47;
	[tilespmem:v37+s21+$0x0] =	vst.idx.msk $0xffff, v61  }
0x241: {  	v38 =	vshll.u32 v38, v1;
	v44 =	vbroadcast v44, $0x0;
	v60 =	vadd.s32 v9, v40;
	v59 =	vld [tilespmem:s1+$0xFFFFFF80];
	[tilespmem:v36+s21+$0x0] =	vst.idx.msk $0xffff, v63  }
0x242: {  	v38 =	vbroadcast v38, $0x0;
	v62 =	vadd.s32 v13, v42;
	v61 =	vld [tilespmem:s1+$0xFFFFFFC0];
	[tilespmem:v33+s21+$0x0] =	vst.idx.msk $0xffff, v48  }
0x243: {  	v39 =	vshrl.u32 v39, $0x3;
	v63 =	vadd.s32 v17, v44;
	v33 =	vld [tilespmem:s1+$0x0];
	[tilespmem:v50+s21+$0x0] =	vst.idx.msk $0xffff, v49  }
0x244: {  	v39 =	vshll.u32 v39, v1;
	v34 =	vld [tilespmem:s1+$0x40];
	[tilespmem:v56+s21+$0x0] =	vst.idx.msk $0xffff, v35;
	v56 =	vadd.s32 v21, v38  }
0x245: {  	[tilespmem:v58+s21+$0x0] =	vst.idx.msk $0xffff, v57;
	v35 =	vbroadcast v39, $0x0;
	v49 =	vadd.s32 v30, v41;
	v39 =	vld [tilespmem:s1+$0xD0]  }
0x246: {  	[tilespmem:v60+s21+$0x0] =	vst.idx.msk $0xffff, v59;
	v59 =	vld [tilespmem:s1+$0xFFFFFF50];
	v60 =	vadd.s32 v6, v47  }
0x247: {  	v57 =	vld [tilespmem:s1+$0x80];
	[tilespmem:v62+s21+$0x0] =	vst.idx.msk $0xffff, v61;
	v58 =	vadd.s32 v25, v35  }
0x248: {  	v61 =	vld [tilespmem:s1+$0xFFFFFF90];
	v62 =	vadd.s32 v10, v40;
	[tilespmem:v63+s21+$0x0] =	vst.idx.msk $0xffff, v33  }
0x249: {  	v33 =	vld [tilespmem:s1+$0xFFFFFFD0];
	v63 =	vadd.s32 v14, v42;
	[tilespmem:v56+s21+$0x0] =	vst.idx.msk $0xffff, v34  }
0x24a: {  	v56 =	vadd.s32 v18, v44;
	[tilespmem:v49+s21+$0x0] =	vst.idx.msk $0xffff, v39;
	v49 =	vld [tilespmem:s1+$0x10]  }
0x24b: {  	[tilespmem:v60+s21+$0x0] =	vst.idx.msk $0xffff, v59;
	v39 =	vadd.s32 v31, v41;
	v34 =	vld [tilespmem:s1+$0xE0]  }
0x24c: {  	[tilespmem:v58+s21+$0x0] =	vst.idx.msk $0xffff, v57;
	v57 =	vld [tilespmem:s1+$0x50];
	v58 =	vadd.s32 v22, v38  }
0x24d: {  	[tilespmem:v62+s21+$0x0] =	vst.idx.msk $0xffff, v61;
	v61 =	vld [tilespmem:s1+$0xFFFFFF10];
	v62 =	vadd.s32 v2, v45  }
0x24e: {  	v60 =	vadd.s32 v26, v35;
	v59 =	vld [tilespmem:s1+$0x90];
	[tilespmem:v63+s21+$0x0] =	vst.idx.msk $0xffff, v33  }
0x24f: {  	v55 =	vadd.s32 v11, v40;
	v54 =	vadd.s32 v32, v41;
	v41 =	vld [tilespmem:s1+$0xFFFFFFA0];
	[tilespmem:v56+s21+$0x0] =	vst.idx.msk $0xffff, v49  }
0x250: {  	v53 =	vadd.s32 v7, v47;
	v63 =	vld [tilespmem:s1+$0xFFFFFF60];
	[tilespmem:v39+s21+$0x0] =	vst.idx.msk $0xffff, v34  }
0x251: {  	v56 =	vld [tilespmem:s1+$0xFFFFFFE0];
	[tilespmem:v58+s21+$0x0] =	vst.idx.msk $0xffff, v57;
	v57 =	vadd.s32 v15, v42  }
0x252: {  	[tilespmem:v62+s21+$0x0] =	vst.idx.msk $0xffff, v61;
	v34 =	vld [tilespmem:s1+$0xF0]  }
0x253: {  	v58 =	vld [tilespmem:s1+$0x20];
	[tilespmem:v60+s21+$0x0] =	vst.idx.msk $0xffff, v59;
	v59 =	vadd.s32 v19, v44  }
0x254: {  	v61 =	vadd.s32 v23, v38;
	[tilespmem:v55+s21+$0x0] =	vst.idx.msk $0xffff, v41;
	v60 =	vld [tilespmem:s1+$0x60]  }
0x255: {  	[tilespmem:v53+s21+$0x0] =	vst.idx.msk $0xffff, v63;
	v63 =	vadd.s32 v27, v35;
	v62 =	vld [tilespmem:s1+$0xA0]  }
0x256: {  	v47 =	vadd.s32 v8, v47;
	v55 =	vld [tilespmem:s1+$0xFFFFFF70];
	[tilespmem:v57+s21+$0x0] =	vst.idx.msk $0xffff, v56  }
0x257: {  	v53 =	vld [tilespmem:s1+$0xFFFFFF20];
	[tilespmem:v54+s21+$0x0] =	vst.idx.msk $0xffff, v34;
	v54 =	vadd.s32 v3, v45  }
0x258: {  	v40 =	vadd.s32 v12, v40;
	v56 =	vld [tilespmem:s1+$0xFFFFFFB0];
	[tilespmem:v59+s21+$0x0] =	vst.idx.msk $0xffff, v58  }
0x259: {  	v42 =	vadd.s32 v16, v42;
	v57 =	vld [tilespmem:s1+$0xFFFFFFF0];
	[tilespmem:v61+s21+$0x0] =	vst.idx.msk $0xffff, v60  }
0x25a: {  	v59 =	vadd.s32 v20, v44;
	v58 =	vld [tilespmem:s1+$0x30];
	[tilespmem:v63+s21+$0x0] =	vst.idx.msk $0xffff, v62  }
0x25b: {  	v38 =	vadd.s32 v24, v38;
	v60 =	vld [tilespmem:s1+$0x70];
	[tilespmem:v47+s21+$0x0] =	vst.idx.msk $0xffff, v55  }
0x25c: {  	v35 =	vadd.s32 v28, v35;
	v61 =	vld [tilespmem:s1+$0xB0];
	[tilespmem:v54+s21+$0x0] =	vst.idx.msk $0xffff, v53  }
0x25d: {  	v63 =	vadd.s32 v4, v45;
	[tilespmem:v40+s21+$0x0] =	vst.idx.msk $0xffff, v56;
	v62 =	vld [tilespmem:s1+$0xFFFFFF30]  }
0x25e: {  	s19 =	sadd.s32 s29, s9;
	[tilespmem:v42+s21+$0x0] =	vst.idx.msk $0xffff, v57  }
0x25f: {  	s22 =	sshll.u32 s19, $0x7;
	[tilespmem:v59+s21+$0x0] =	vst.idx.msk $0xffff, v58  }
0x260: {  	s0 =	sshll.u32 s19, $0xA;
	[tilespmem:v38+s21+$0x0] =	vst.idx.msk $0xffff, v60;
	s1 =	sand.u32 $0x3F80, s22  }
0x261: {  	s0 =	sand.u32 $0xFFE0000, s0;
	[tilespmem:v35+s21+$0x0] =	vst.idx.msk $0xffff, v61;
	s1 =	sadd.s32 s2, s1  }
0x262: {  	s22 =	sadd.s32 s0, s1;
	s1 =	simm.s32 $0xCA00;
	[tilespmem:v63+s21+$0x0] =	vst.idx.msk $0xffff, v62  }
0x263: {  	[hbm4b:s22+s3] =	stream.linear.scatter [tilespmem:s1], [sflag:$0x4], $0x80, $0x38;
	[tilespmem:$0xF000] =	vst v63  }
0x264: {  	s19 =	simm.s32 $0xCA98;
	s1 =	sadd.s32 $0x10, s22  }
0x265: {  	[hbm4b:s1+s3] =	stream.linear.scatter [tilespmem:s19], [sflag:$0x4], $0x80, $0x38;
	[tilespmem:$0xF000] =	vst v63  }
0x266: {  	s1 =	simm.s32 $0xCB30;
	s19 =	sadd.s32 $0x20, s22  }
0x267: {  	[hbm4b:s19+s3] =	stream.linear.scatter [tilespmem:s1], [sflag:$0x4], $0x80, $0x38;
	[tilespmem:$0xF000] =	vst v63  }
0x268: {  	s1 =	simm.s32 $0xCBC8;
	s19 =	sadd.s32 $0x30, s22  }
0x269: {  	[hbm4b:s19+s3] =	stream.linear.scatter [tilespmem:s1], [sflag:$0x4], $0x80, $0x38;
	[tilespmem:$0xF000] =	vst v63  }
0x26a: {  	s1 =	simm.s32 $0xCC60;
	s19 =	sadd.s32 $0x40, s22  }
0x26b: {  	[hbm4b:s19+s3] =	stream.linear.scatter [tilespmem:s1], [sflag:$0x4], $0x80, $0x38;
	[tilespmem:$0xF000] =	vst v63  }
0x26c: {  	s31 =	simm.s32 $0x2600;
	s1 =	simm.s32 $0xCCF8;
	s19 =	sadd.s32 $0x50, s22  }
0x26d: {  	[hbm4b:s19+s3] =	stream.linear.scatter [tilespmem:s1], [sflag:$0x4], $0x80, $0x38;
	[tilespmem:$0xF000] =	vst v63  }
0x26e: {  	s0 =	simm.s32 $0xCE28;
	s1 =	simm.s32 $0xCD90;
	s19 =	sadd.s32 $0x60, s22  }
0x26f: {  	[hbm4b:s19+s3] =	stream.linear.scatter [tilespmem:s1], [sflag:$0x4], $0x80, $0x38;
	[tilespmem:$0xF000] =	vst v63  }
0x270: {  	s29 =	sadd.s32 $0x4000, s22;
	s1 =	simm.s32 $0x4C0;
	s19 =	sadd.s32 $0x70, s22  }
.LBB2_17:
0x271: {  	[hbm4b:s19+s3] =	stream.linear.scatter [tilespmem:s0], [sflag:$0x4], $0x80, $0x38;
	[tilespmem:$0xF000] =	vst v63  }
0x272: {  	s0 =	smov.u32 s1;
	s1 =	smov.u32 s31  }
0x273: {  	s22 =	sadd.s32 $0x1300, s31;
	s1 =	sshra.s32 s1, $0x2;
	s19 =	sadd.s32 $0xCA00, s0  }
0x274: {  	[hbm4b:s29+s3] =	stream.linear.scatter [tilespmem:s19], [sflag:$0x4], $0x80, $0x38;
	[tilespmem:$0xF000] =	vst v63  }
0x275: {  	p0 =	sne.s32 s31, $0x8500;
	s31 =	sadd.s32 $0x10, s29;
	s19 =	sadd.s32 $0xCA98, s0  }
0x276: {  	[hbm4b:s31+s3] =	stream.linear.scatter [tilespmem:s19], [sflag:$0x4], $0x80, $0x38;
	[tilespmem:$0xF000] =	vst v63  }
0x277: {  	s19 =	sadd.s32 $0xCB30, s0;
	s31 =	sadd.s32 $0x20, s29  }
0x278: {  	[hbm4b:s31+s3] =	stream.linear.scatter [tilespmem:s19], [sflag:$0x4], $0x80, $0x38;
	[tilespmem:$0xF000] =	vst v63  }
0x279: {  	s19 =	sadd.s32 $0xCBC8, s0;
	s31 =	sadd.s32 $0x30, s29  }
0x27a: {  	[hbm4b:s31+s3] =	stream.linear.scatter [tilespmem:s19], [sflag:$0x4], $0x80, $0x38;
	[tilespmem:$0xF000] =	vst v63  }
0x27b: {  	s19 =	sadd.s32 $0xCC60, s0;
	s31 =	sadd.s32 $0x40, s29  }
0x27c: {  	[hbm4b:s31+s3] =	stream.linear.scatter [tilespmem:s19], [sflag:$0x4], $0x80, $0x38;
	[tilespmem:$0xF000] =	vst v63  }
.Ltmp7:
0x27d: {  	s19 =	sadd.s32 $0xCCF8, s0;
	s31 =	sadd.s32 $0x50, s29;
	(pc) =	sbr.rel @p0 .LBB2_17-.Ltmp7, $4  }
0x27e: {  	[hbm4b:s31+s3] =	stream.linear.scatter [tilespmem:s19], [sflag:$0x4], $0x80, $0x38;
	[tilespmem:$0xF000] =	vst v63  }
0x27f: {  	s19 =	sadd.s32 $0xCD90, s0;
	s31 =	sadd.s32 $0x60, s29;
	s0 =	sadd.s32 $0xCE28, s0  }
0x280: {  	[hbm4b:s31+s3] =	stream.linear.scatter [tilespmem:s19], [sflag:$0x4], $0x80, $0x38;
	[tilespmem:$0xF000] =	vst v63  }
0x281: {  	s19 =	sadd.s32 $0x70, s29;
	s29 =	sadd.s32 $0x4000, s29;
	s31 =	smov.u32 s22  }
0x282: {  	[hbm4b:s19+s3] =	stream.linear.scatter [tilespmem:s0], [sflag:$0x4], $0x80, $0x38;
	[tilespmem:$0xF000] =	vst v63  }
0x283: {  	s19 =	sadd.s32 $0xCA00, s1  }
0x284: {  	[hbm4b:s29+s3] =	stream.linear.scatter [tilespmem:s19], [sflag:$0x4], $0x80, $0x38;
	[tilespmem:$0xF000] =	vst v63  }
0x285: {  	s22 =	sadd.s32 $0xCA98, s1;
	s31 =	sadd.s32 $0x10, s29  }
0x286: {  	[hbm4b:s31+s3] =	stream.linear.scatter [tilespmem:s22], [sflag:$0x4], $0x80, $0x38;
	[tilespmem:$0xF000] =	vst v63  }
0x287: {  	s22 =	sadd.s32 $0xCB30, s1;
	s31 =	sadd.s32 $0x20, s29  }
0x288: {  	[hbm4b:s31+s3] =	stream.linear.scatter [tilespmem:s22], [sflag:$0x4], $0x80, $0x38;
	[tilespmem:$0xF000] =	vst v63  }
0x289: {  	s22 =	sadd.s32 $0xCBC8, s1;
	s31 =	sadd.s32 $0x30, s29  }
0x28a: {  	[hbm4b:s31+s3] =	stream.linear.scatter [tilespmem:s22], [sflag:$0x4], $0x80, $0x38;
	[tilespmem:$0xF000] =	vst v63  }
0x28b: {  	s22 =	sadd.s32 $0xCC60, s1;
	s31 =	sadd.s32 $0x40, s29  }
0x28c: {  	[hbm4b:s31+s3] =	stream.linear.scatter [tilespmem:s22], [sflag:$0x4], $0x80, $0x38;
	[tilespmem:$0xF000] =	vst v63  }
0x28d: {  	s28 =	sadd.s32 $0x1, s28;
	s22 =	sadd.s32 $0xCCF8, s1;
	s31 =	sadd.s32 $0x50, s29  }
0x28e: {  	[hbm4b:s31+s3] =	stream.linear.scatter [tilespmem:s22], [sflag:$0x4], $0x80, $0x38;
	[tilespmem:$0xF000] =	vst v63  }
0x28f: {  	p0 =	sne.s32 s28, $0x62;
	s22 =	sadd.s32 $0xCD90, s1;
	s31 =	sadd.s32 $0x60, s29  }
0x290: {  	[hbm4b:s31+s3] =	stream.linear.scatter [tilespmem:s22], [sflag:$0x4], $0x80, $0x38;
	[tilespmem:$0xF000] =	vst v63  }
.Ltmp8:
0x291: {  	_ = 	snop;
	(pc) =	sbr.rel @p0 .LBB2_10-.Ltmp8, $4  }
0x292: {  	s29 =	sadd.s32 $0x70, s29;
	s22 =	sadd.s32 $0xCE28, s1  }
0x293: {  	[hbm4b:s29+s3] =	stream.linear.scatter [tilespmem:s22], [sflag:$0x4], $0x80, $0x38;
	[tilespmem:$0xF000] =	vst v63  }
0x294: {  	s31 =	sadd.s32 $0x280, s30  }
0x295: {  	[tilespmem:s16], [sflag:$0x2] =	stream.indirect.gather [hbm4b:s4+s14], $0x40, s31, s14, $0xb8;
	[tilespmem:$0xF000] =	vst v63  }
0x296: {  	s0 =	simm.s32 $0x0;
	s26 =	simm.s32 $0x1;
	s1 =	simm.s32 $0x2  }
0x297: {  	s28 =	simm.s32 $0x3;
	s29 =	simm.s32 $0x4;
	s19 =	simm.s32 $0x7;
	v33 =	vmov s0;
	v34 =	vmov s26;
	v35 =	vmov s1  }
0x298: {  	_ =	swait.ge [sflag:s17], $0x2000;
	s30 =	simm.s32 $0x5;
	s31 =	simm.s32 $0x6;
	v36 =	vmov s28;
	v37 =	vmov s29;
	v38 =	vmov s19  }
0x299: {  	[sflag:s17] =	ssyncset.done $0x0;
	v39 =	vmov s30;
	v40 =	vmov s31;
	v33 =	vshrl.u32 v33, $0x3  }
0x29a: {  	[sflag:s17] =	ssyncadd.s32 $0xFFFFE000;
	v38 =	vshrl.u32 v38, $0x3;
	v34 =	vshrl.u32 v34, $0x3;
	v35 =	vshrl.u32 v35, $0x3  }
0x29b: {  	v36 =	vshrl.u32 v36, $0x3;
	v37 =	vshrl.u32 v37, $0x3;
	_ =	swait.ge [sflag:s23], $0x2000;
	v38 =	vshll.u32 v38, v1  }
0x29c: {  	v55 =	vshrl.u32 v39, $0x3;
	v33 =	vshll.u32 v33, v1;
	[sflag:s23] =	ssyncset.done $0x0;
	v38 =	vbroadcast v38, $0x0  }
0x29d: {  	s26 =	simm.s32 $0x6500;
	v40 =	vshrl.u32 v40, $0x3;
	v34 =	vshll.u32 v34, v1;
	v33 =	vbroadcast v33, $0x0;
	[sflag:s23] =	ssyncadd.s32 $0xFFFFE000  }
0x29e: {  	v52 =	vshll.u32 v35, v1;
	v45 =	vbroadcast v34, $0x0;
	v41 =	vld [tilespmem:s26+$0xC0];
	v42 =	vadd.s32 v29, v38  }
0x29f: {  	v53 =	vshll.u32 v36, v1;
	v52 =	vbroadcast v52, $0x0;
	v43 =	vld [tilespmem:s26+$0xFFFFFF00];
	v44 =	vadd.s32 v0, v33  }
0x2a0: {  	v54 =	vshll.u32 v37, v1;
	v35 =	vbroadcast v53, $0x0;
	v46 =	vld [tilespmem:s26+$0xFFFFFF40];
	v47 =	vadd.s32 v5, v45  }
0x2a1: {  	v36 =	vshll.u32 v55, v1;
	v34 =	vbroadcast v54, $0x0;
	v48 =	vld [tilespmem:s26+$0xFFFFFF80];
	v49 =	vadd.s32 v9, v52  }
0x2a2: {  	v56 =	vshll.u32 v40, v1;
	v37 =	vbroadcast v36, $0x0;
	v39 =	vld [tilespmem:s26+$0xFFFFFFC0];
	v50 =	vadd.s32 v13, v35  }
0x2a3: {  	v36 =	vbroadcast v56, $0x0;
	v51 =	vld [tilespmem:s26+$0x0];
	v53 =	vadd.s32 v17, v34;
	[tilespmem:v42+s18+$0x0] =	vst.idx.msk $0xffff, v41  }
0x2a4: {  	v59 =	vld [tilespmem:s26+$0x40];
	v60 =	vadd.s32 v21, v37;
	[tilespmem:v44+s18+$0x0] =	vst.idx.msk $0xffff, v43  }
0x2a5: {  	v61 =	vld [tilespmem:s26+$0x80];
	v62 =	vadd.s32 v25, v36;
	[tilespmem:v47+s18+$0x0] =	vst.idx.msk $0xffff, v46  }
0x2a6: {  	v58 =	vadd.s32 v30, v38;
	[tilespmem:v49+s18+$0x0] =	vst.idx.msk $0xffff, v48;
	v57 =	vld [tilespmem:s26+$0xD0]  }
0x2a7: {  	v63 =	vadd.s32 v6, v45;
	[tilespmem:v50+s18+$0x0] =	vst.idx.msk $0xffff, v39;
	v47 =	vld [tilespmem:s26+$0xFFFFFF50]  }
0x2a8: {  	v55 =	vadd.s32 v10, v52;
	[tilespmem:v53+s18+$0x0] =	vst.idx.msk $0xffff, v51;
	v54 =	vld [tilespmem:s26+$0xFFFFFF90]  }
0x2a9: {  	v56 =	vadd.s32 v14, v35;
	[tilespmem:v60+s18+$0x0] =	vst.idx.msk $0xffff, v59;
	v50 =	vld [tilespmem:s26+$0xFFFFFFD0]  }
0x2aa: {  	[tilespmem:v62+s18+$0x0] =	vst.idx.msk $0xffff, v61;
	v46 =	vadd.s32 v22, v37;
	v44 =	vld [tilespmem:s26+$0x50]  }
0x2ab: {  	v59 =	vadd.s32 v18, v34;
	[tilespmem:v58+s18+$0x0] =	vst.idx.msk $0xffff, v57;
	v58 =	vld [tilespmem:s26+$0x10]  }
0x2ac: {  	v57 =	vadd.s32 v31, v38;
	[tilespmem:v63+s18+$0x0] =	vst.idx.msk $0xffff, v47;
	v40 =	vld [tilespmem:s26+$0xE0]  }
0x2ad: {  	v60 =	vadd.s32 v26, v36;
	[tilespmem:v55+s18+$0x0] =	vst.idx.msk $0xffff, v54;
	v63 =	vld [tilespmem:s26+$0x90]  }
0x2ae: {  	v62 =	vadd.s32 v2, v33;
	v61 =	vld [tilespmem:s26+$0xFFFFFF10];
	[tilespmem:v56+s18+$0x0] =	vst.idx.msk $0xffff, v50  }
0x2af: {  	v51 =	vadd.s32 v7, v45;
	[tilespmem:v46+s18+$0x0] =	vst.idx.msk $0xffff, v44;
	v50 =	vld [tilespmem:s26+$0xFFFFFF60]  }
0x2b0: {  	v56 =	vadd.s32 v11, v52;
	v55 =	vld [tilespmem:s26+$0xFFFFFFA0];
	[tilespmem:v59+s18+$0x0] =	vst.idx.msk $0xffff, v58  }
0x2b1: {  	v58 =	vadd.s32 v15, v35;
	[tilespmem:v57+s18+$0x0] =	vst.idx.msk $0xffff, v40;
	v57 =	vld [tilespmem:s26+$0xFFFFFFE0]  }
0x2b2: {  	[tilespmem:v60+s18+$0x0] =	vst.idx.msk $0xffff, v63;
	v60 =	vadd.s32 v19, v34;
	v59 =	vld [tilespmem:s26+$0x20]  }
0x2b3: {  	s19 =	simm.s32 $0x9;
	v38 =	vadd.s32 v32, v38;
	[tilespmem:v62+s18+$0x0] =	vst.idx.msk $0xffff, v61;
	v54 =	vld [tilespmem:s26+$0xF0]  }
0x2b4: {  	s1 =	simm.s32 $0x8;
	v41 =	vadd.s32 v23, v37;
	v53 =	vmov s19;
	[tilespmem:v51+s18+$0x0] =	vst.idx.msk $0xffff, v50;
	v40 =	vld [tilespmem:s26+$0x60]  }
0x2b5: {  	s28 =	simm.s32 $0xB;
	s29 =	simm.s32 $0xC;
	v43 =	vadd.s32 v27, v36;
	v48 =	vadd.s32 v3, v33;
	v63 =	vmov s1;
	v42 =	vld [tilespmem:s26+$0xA0];
	[tilespmem:v56+s18+$0x0] =	vst.idx.msk $0xffff, v55  }
0x2b6: {  	s31 =	simm.s32 $0xE;
	v44 =	vmov s28;
	v47 =	vmov s29;
	v46 =	vld [tilespmem:s26+$0xFFFFFF20];
	v39 =	vshrl.u32 v63, $0x3;
	[tilespmem:v58+s18+$0x0] =	vst.idx.msk $0xffff, v57  }
0x2b7: {  	s22 =	simm.s32 $0xA;
	s30 =	simm.s32 $0xD;
	v51 =	vadd.s32 v8, v45;
	v49 =	vld [tilespmem:s26+$0xFFFFFF70];
	v45 =	vshll.u32 v39, v1;
	v39 =	vmov s31;
	[tilespmem:v60+s18+$0x0] =	vst.idx.msk $0xffff, v59  }
0x2b8: {  	s0 =	simm.s32 $0xF;
	v52 =	vadd.s32 v12, v52;
	s1 =	simm.s32 $0x10;
	v50 =	vld [tilespmem:s26+$0xFFFFFFB0];
	[tilespmem:v38+s18+$0x0] =	vst.idx.msk $0xffff, v54;
	v54 =	vmov s22;
	v38 =	vmov s30  }
.LBB2_20:
0x2b9: {  	p0 =	slt.u32 s1, $0x78;
	v53 =	vshrl.u32 v53, $0x3;
	v55 =	vmov s0;
	v56 =	vld [tilespmem:s26+$0xFFFFFFF0];
	v35 =	vadd.s32 v16, v35;
	[tilespmem:v41+s18+$0x0] =	vst.idx.msk $0xffff, v40  }
0x2ba: {  	v40 =	vshrl.u32 v54, $0x3;
	v34 =	vadd.s32 v20, v34;
	v41 =	vshrl.u32 v55, $0x3;
	v54 =	vld [tilespmem:s26+$0x30];
	[tilespmem:v43+s18+$0x0] =	vst.idx.msk $0xffff, v42  }
0x2bb: {  	v37 =	vadd.s32 v24, v37;
	v42 =	vshrl.u32 v44, $0x3;
	v41 =	vshll.u32 v41, v1;
	[tilespmem:v48+s18+$0x0] =	vst.idx.msk $0xffff, v46;
	v43 =	vld [tilespmem:s26+$0x70]  }
0x2bc: {  	v36 =	vadd.s32 v28, v36;
	v44 =	vshrl.u32 v47, $0x3;
	v41 =	vbroadcast v41, $0x0;
	[tilespmem:v51+s18+$0x0] =	vst.idx.msk $0xffff, v49;
	v46 =	vld [tilespmem:s26+$0xB0]  }
0x2bd: {  	v47 =	vshll.u32 v53, v1;
	v49 =	vadd.s32 v4, v33;
	v33 =	vbroadcast v45, $0x0;
	v48 =	vld [tilespmem:s26+$0xFFFFFF30];
	[tilespmem:v52+s18+$0x0] =	vst.idx.msk $0xffff, v50;
	s26 =	sadd.s32 $0x200, s26  }
0x2be: {  	v40 =	vshll.u32 v40, v1;
	v45 =	vbroadcast v47, $0x0;
	v47 =	vld [tilespmem:s26+$0xC0];
	v50 =	vadd.s32 v29, v41;
	[tilespmem:v35+s18+$0x0] =	vst.idx.msk $0xffff, v56  }
0x2bf: {  	v55 =	vbroadcast v40, $0x0;
	v52 =	vadd.s32 v0, v33;
	v35 =	vshll.u32 v42, v1;
	v51 =	vld [tilespmem:s26+$0xFFFFFF00];
	[tilespmem:v34+s18+$0x0] =	vst.idx.msk $0xffff, v54  }
0x2c0: {  	v42 =	vadd.s32 v5, v45;
	v35 =	vbroadcast v35, $0x0;
	v34 =	vshll.u32 v44, v1;
	v40 =	vld [tilespmem:s26+$0xFFFFFF40];
	[tilespmem:v37+s18+$0x0] =	vst.idx.msk $0xffff, v43  }
0x2c1: {  	v44 =	vadd.s32 v9, v55;
	v34 =	vbroadcast v34, $0x0;
	v37 =	vshrl.u32 v38, $0x3;
	v43 =	vld [tilespmem:s26+$0xFFFFFF80];
	[tilespmem:v36+s18+$0x0] =	vst.idx.msk $0xffff, v46  }
0x2c2: {  	v39 =	vshrl.u32 v39, $0x3;
	v46 =	vadd.s32 v13, v35;
	v36 =	vshll.u32 v37, v1;
	v38 =	vld [tilespmem:s26+$0xFFFFFFC0];
	[tilespmem:v49+s18+$0x0] =	vst.idx.msk $0xffff, v48  }
0x2c3: {  	v49 =	vadd.s32 v17, v34;
	v37 =	vbroadcast v36, $0x0;
	v36 =	vshll.u32 v39, v1;
	v48 =	vld [tilespmem:s26+$0x0];
	[tilespmem:v50+s18+$0x0] =	vst.idx.msk $0xffff, v47  }
0x2c4: {  	v36 =	vbroadcast v36, $0x0;
	v47 =	vadd.s32 v30, v41;
	[tilespmem:v52+s18+$0x0] =	vst.idx.msk $0xffff, v51;
	v39 =	vld [tilespmem:s26+$0xD0]  }
0x2c5: {  	[tilespmem:v42+s18+$0x0] =	vst.idx.msk $0xffff, v40;
	v40 =	vld [tilespmem:s26+$0x40];
	v42 =	vadd.s32 v21, v37  }
0x2c6: {  	[tilespmem:v44+s18+$0x0] =	vst.idx.msk $0xffff, v43;
	v43 =	vld [tilespmem:s26+$0x80];
	v44 =	vadd.s32 v25, v36  }
0x2c7: {  	v51 =	vadd.s32 v6, v45;
	v50 =	vld [tilespmem:s26+$0xFFFFFF50];
	[tilespmem:v46+s18+$0x0] =	vst.idx.msk $0xffff, v38  }
0x2c8: {  	v46 =	vadd.s32 v10, v55;
	v38 =	vld [tilespmem:s26+$0xFFFFFF90];
	[tilespmem:v49+s18+$0x0] =	vst.idx.msk $0xffff, v48  }
0x2c9: {  	v49 =	vadd.s32 v14, v35;
	v48 =	vld [tilespmem:s26+$0xFFFFFFD0];
	[tilespmem:v47+s18+$0x0] =	vst.idx.msk $0xffff, v39  }
0x2ca: {  	[tilespmem:v42+s18+$0x0] =	vst.idx.msk $0xffff, v40;
	v39 =	vld [tilespmem:s26+$0xE0];
	v40 =	vadd.s32 v31, v41  }
0x2cb: {  	v47 =	vadd.s32 v18, v34;
	v42 =	vld [tilespmem:s26+$0x10];
	[tilespmem:v44+s18+$0x0] =	vst.idx.msk $0xffff, v43  }
0x2cc: {  	v44 =	vadd.s32 v22, v37;
	[tilespmem:v51+s18+$0x0] =	vst.idx.msk $0xffff, v50;
	v43 =	vld [tilespmem:s26+$0x50]  }
0x2cd: {  	[tilespmem:v46+s18+$0x0] =	vst.idx.msk $0xffff, v38;
	v38 =	vld [tilespmem:s26+$0x90];
	v46 =	vadd.s32 v26, v36  }
0x2ce: {  	v51 =	vadd.s32 v2, v33;
	v50 =	vld [tilespmem:s26+$0xFFFFFF10];
	[tilespmem:v49+s18+$0x0] =	vst.idx.msk $0xffff, v48  }
0x2cf: {  	v49 =	vadd.s32 v7, v45;
	v48 =	vld [tilespmem:s26+$0xFFFFFF60];
	[tilespmem:v40+s18+$0x0] =	vst.idx.msk $0xffff, v39  }
0x2d0: {  	[tilespmem:v47+s18+$0x0] =	vst.idx.msk $0xffff, v42;
	v39 =	vld [tilespmem:s26+$0xF0];
	v47 =	vadd.s32 v32, v41  }
0x2d1: {  	v56 =	vadd.s32 v11, v55;
	v52 =	vld [tilespmem:s26+$0xFFFFFFA0];
	[tilespmem:v44+s18+$0x0] =	vst.idx.msk $0xffff, v43  }
0x2d2: {  	v58 =	vadd.s32 v15, v35;
	v57 =	vld [tilespmem:s26+$0xFFFFFFE0];
	[tilespmem:v46+s18+$0x0] =	vst.idx.msk $0xffff, v38  }
0x2d3: {  	v60 =	vadd.s32 v19, v34;
	[tilespmem:v51+s18+$0x0] =	vst.idx.msk $0xffff, v50;
	v59 =	vld [tilespmem:s26+$0x20]  }
.Ltmp9:
0x2d4: {  	s0 =	sadd.s32 $0x1, s1;
	v41 =	vadd.s32 v23, v37;
	v38 =	vmov s1;
	[tilespmem:v49+s18+$0x0] =	vst.idx.msk $0xffff, v48;
	v40 =	vld [tilespmem:s26+$0x60];
	(pc) =	sbr.rel @p0 .LBB2_20-.Ltmp9, $4  }
0x2d5: {  	s19 =	sadd.s32 $0x3, s1;
	v53 =	vmov s0;
	s0 =	sadd.s32 $0x2, s1;
	v43 =	vadd.s32 v27, v36;
	v50 =	vshrl.u32 v38, $0x3;
	v42 =	vld [tilespmem:s26+$0xA0];
	[tilespmem:v47+s18+$0x0] =	vst.idx.msk $0xffff, v39  }
0x2d6: {  	v54 =	vmov s0;
	s0 =	sadd.s32 $0x4, s1;
	v44 =	vmov s19;
	s19 =	sadd.s32 $0x5, s1;
	v48 =	vadd.s32 v3, v33;
	v46 =	vld [tilespmem:s26+$0xFFFFFF20];
	[tilespmem:v56+s18+$0x0] =	vst.idx.msk $0xffff, v52  }
0x2d7: {  	v38 =	vmov s19;
	v51 =	vadd.s32 v8, v45;
	v47 =	vmov s0;
	s0 =	sadd.s32 $0x6, s1;
	v49 =	vld [tilespmem:s26+$0xFFFFFF70];
	[tilespmem:v58+s18+$0x0] =	vst.idx.msk $0xffff, v57  }
0x2d8: {  	v45 =	vshll.u32 v50, v1;
	v39 =	vmov s0;
	s0 =	sadd.s32 $0x7, s1;
	s1 =	sadd.s32 $0x8, s1;
	v52 =	vadd.s32 v12, v55;
	v50 =	vld [tilespmem:s26+$0xFFFFFFB0];
	[tilespmem:v60+s18+$0x0] =	vst.idx.msk $0xffff, v59  }
0x2d9: {  	_ =	sdelay $0x2  }
0x2da: {  	v53 =	vshrl.u32 v53, $0x3  }
0x2db: {  	v55 =	vmov s0;
	v56 =	vld [tilespmem:s26+$0xFFFFFFF0];
	v35 =	vadd.s32 v16, v35;
	[tilespmem:v41+s18+$0x0] =	vst.idx.msk $0xffff, v40;
	v57 =	vshrl.u32 v54, $0x3  }
0x2dc: {  	v59 =	vld [tilespmem:s26+$0x30];
	v34 =	vadd.s32 v20, v34;
	v60 =	vshrl.u32 v44, $0x3;
	v58 =	vshrl.u32 v55, $0x3;
	[tilespmem:v43+s18+$0x0] =	vst.idx.msk $0xffff, v42  }
0x2dd: {  	v37 =	vadd.s32 v24, v37;
	v62 =	vshrl.u32 v47, $0x3;
	v61 =	vld [tilespmem:s26+$0x70];
	v41 =	vshll.u32 v58, v1;
	[tilespmem:v48+s18+$0x0] =	vst.idx.msk $0xffff, v46  }
0x2de: {  	v36 =	vadd.s32 v28, v36;
	v45 =	vbroadcast v45, $0x0;
	v63 =	vld [tilespmem:s26+$0xB0];
	v41 =	vbroadcast v41, $0x0;
	[tilespmem:v51+s18+$0x0] =	vst.idx.msk $0xffff, v49  }
0x2df: {  	v33 =	vadd.s32 v4, v33;
	s1 =	sadd.s32 $0x200, s26;
	v38 =	vshrl.u32 v38, $0x3;
	v55 =	vshll.u32 v53, v1;
	v48 =	vld [tilespmem:s26+$0xFFFFFF30];
	[tilespmem:v52+s18+$0x0] =	vst.idx.msk $0xffff, v50  }
0x2e0: {  	v40 =	vshll.u32 v57, v1;
	v47 =	vbroadcast v55, $0x0;
	v49 =	vld [tilespmem:s1+$0xC0];
	v50 =	vadd.s32 v29, v41;
	[tilespmem:v35+s18+$0x0] =	vst.idx.msk $0xffff, v56  }
0x2e1: {  	v42 =	vshll.u32 v60, v1;
	v40 =	vbroadcast v40, $0x0;
	v35 =	vld [tilespmem:s1+$0xFFFFFF00];
	v56 =	vadd.s32 v0, v45;
	[tilespmem:v34+s18+$0x0] =	vst.idx.msk $0xffff, v59  }
0x2e2: {  	v57 =	vld [tilespmem:s1+$0xFFFFFF40];
	v44 =	vshll.u32 v62, v1;
	v42 =	vbroadcast v42, $0x0;
	v58 =	vadd.s32 v5, v47;
	[tilespmem:v37+s18+$0x0] =	vst.idx.msk $0xffff, v61  }
0x2e3: {  	v38 =	vshll.u32 v38, v1;
	v44 =	vbroadcast v44, $0x0;
	v60 =	vadd.s32 v9, v40;
	v59 =	vld [tilespmem:s1+$0xFFFFFF80];
	[tilespmem:v36+s18+$0x0] =	vst.idx.msk $0xffff, v63  }
0x2e4: {  	v38 =	vbroadcast v38, $0x0;
	v62 =	vadd.s32 v13, v42;
	v61 =	vld [tilespmem:s1+$0xFFFFFFC0];
	[tilespmem:v33+s18+$0x0] =	vst.idx.msk $0xffff, v48  }
0x2e5: {  	v39 =	vshrl.u32 v39, $0x3;
	v63 =	vadd.s32 v17, v44;
	v33 =	vld [tilespmem:s1+$0x0];
	[tilespmem:v50+s18+$0x0] =	vst.idx.msk $0xffff, v49  }
0x2e6: {  	v39 =	vshll.u32 v39, v1;
	v34 =	vld [tilespmem:s1+$0x40];
	[tilespmem:v56+s18+$0x0] =	vst.idx.msk $0xffff, v35;
	v56 =	vadd.s32 v21, v38  }
0x2e7: {  	[tilespmem:v58+s18+$0x0] =	vst.idx.msk $0xffff, v57;
	v35 =	vbroadcast v39, $0x0;
	v49 =	vadd.s32 v30, v41;
	v39 =	vld [tilespmem:s1+$0xD0]  }
0x2e8: {  	[tilespmem:v60+s18+$0x0] =	vst.idx.msk $0xffff, v59;
	v59 =	vld [tilespmem:s1+$0xFFFFFF50];
	v60 =	vadd.s32 v6, v47  }
0x2e9: {  	v57 =	vld [tilespmem:s1+$0x80];
	[tilespmem:v62+s18+$0x0] =	vst.idx.msk $0xffff, v61;
	v58 =	vadd.s32 v25, v35  }
0x2ea: {  	v61 =	vld [tilespmem:s1+$0xFFFFFF90];
	v62 =	vadd.s32 v10, v40;
	[tilespmem:v63+s18+$0x0] =	vst.idx.msk $0xffff, v33  }
0x2eb: {  	v33 =	vld [tilespmem:s1+$0xFFFFFFD0];
	v63 =	vadd.s32 v14, v42;
	[tilespmem:v56+s18+$0x0] =	vst.idx.msk $0xffff, v34  }
0x2ec: {  	v56 =	vadd.s32 v18, v44;
	[tilespmem:v49+s18+$0x0] =	vst.idx.msk $0xffff, v39;
	v49 =	vld [tilespmem:s1+$0x10]  }
0x2ed: {  	[tilespmem:v60+s18+$0x0] =	vst.idx.msk $0xffff, v59;
	v39 =	vadd.s32 v31, v41;
	v34 =	vld [tilespmem:s1+$0xE0]  }
0x2ee: {  	[tilespmem:v58+s18+$0x0] =	vst.idx.msk $0xffff, v57;
	v57 =	vld [tilespmem:s1+$0x50];
	v58 =	vadd.s32 v22, v38  }
0x2ef: {  	[tilespmem:v62+s18+$0x0] =	vst.idx.msk $0xffff, v61;
	v61 =	vld [tilespmem:s1+$0xFFFFFF10];
	v62 =	vadd.s32 v2, v45  }
0x2f0: {  	v60 =	vadd.s32 v26, v35;
	v59 =	vld [tilespmem:s1+$0x90];
	[tilespmem:v63+s18+$0x0] =	vst.idx.msk $0xffff, v33  }
0x2f1: {  	v55 =	vadd.s32 v11, v40;
	v54 =	vadd.s32 v32, v41;
	v41 =	vld [tilespmem:s1+$0xFFFFFFA0];
	[tilespmem:v56+s18+$0x0] =	vst.idx.msk $0xffff, v49  }
0x2f2: {  	v53 =	vadd.s32 v7, v47;
	v63 =	vld [tilespmem:s1+$0xFFFFFF60];
	[tilespmem:v39+s18+$0x0] =	vst.idx.msk $0xffff, v34  }
0x2f3: {  	v56 =	vld [tilespmem:s1+$0xFFFFFFE0];
	[tilespmem:v58+s18+$0x0] =	vst.idx.msk $0xffff, v57;
	v57 =	vadd.s32 v15, v42  }
0x2f4: {  	[tilespmem:v62+s18+$0x0] =	vst.idx.msk $0xffff, v61;
	v34 =	vld [tilespmem:s1+$0xF0]  }
0x2f5: {  	v58 =	vld [tilespmem:s1+$0x20];
	[tilespmem:v60+s18+$0x0] =	vst.idx.msk $0xffff, v59;
	v59 =	vadd.s32 v19, v44  }
0x2f6: {  	v61 =	vadd.s32 v23, v38;
	[tilespmem:v55+s18+$0x0] =	vst.idx.msk $0xffff, v41;
	v60 =	vld [tilespmem:s1+$0x60]  }
0x2f7: {  	[tilespmem:v53+s18+$0x0] =	vst.idx.msk $0xffff, v63;
	v63 =	vadd.s32 v27, v35;
	v62 =	vld [tilespmem:s1+$0xA0]  }
0x2f8: {  	v47 =	vadd.s32 v8, v47;
	v55 =	vld [tilespmem:s1+$0xFFFFFF70];
	[tilespmem:v57+s18+$0x0] =	vst.idx.msk $0xffff, v56  }
0x2f9: {  	v53 =	vld [tilespmem:s1+$0xFFFFFF20];
	[tilespmem:v54+s18+$0x0] =	vst.idx.msk $0xffff, v34;
	v54 =	vadd.s32 v3, v45  }
0x2fa: {  	v40 =	vadd.s32 v12, v40;
	v56 =	vld [tilespmem:s1+$0xFFFFFFB0];
	[tilespmem:v59+s18+$0x0] =	vst.idx.msk $0xffff, v58  }
0x2fb: {  	v42 =	vadd.s32 v16, v42;
	v57 =	vld [tilespmem:s1+$0xFFFFFFF0];
	[tilespmem:v61+s18+$0x0] =	vst.idx.msk $0xffff, v60  }
0x2fc: {  	v59 =	vadd.s32 v20, v44;
	v58 =	vld [tilespmem:s1+$0x30];
	[tilespmem:v63+s18+$0x0] =	vst.idx.msk $0xffff, v62  }
0x2fd: {  	v38 =	vadd.s32 v24, v38;
	v60 =	vld [tilespmem:s1+$0x70];
	[tilespmem:v47+s18+$0x0] =	vst.idx.msk $0xffff, v55  }
0x2fe: {  	v35 =	vadd.s32 v28, v35;
	v61 =	vld [tilespmem:s1+$0xB0];
	[tilespmem:v54+s18+$0x0] =	vst.idx.msk $0xffff, v53  }
0x2ff: {  	v63 =	vadd.s32 v4, v45;
	[tilespmem:v40+s18+$0x0] =	vst.idx.msk $0xffff, v56;
	v62 =	vld [tilespmem:s1+$0xFFFFFF30]  }
0x300: {  	[tilespmem:v42+s18+$0x0] =	vst.idx.msk $0xffff, v57  }
0x301: {  	[tilespmem:v59+s18+$0x0] =	vst.idx.msk $0xffff, v58  }
0x302: {  	[tilespmem:v38+s18+$0x0] =	vst.idx.msk $0xffff, v60  }
0x303: {  	[tilespmem:v35+s18+$0x0] =	vst.idx.msk $0xffff, v61  }
0x304: {  	s1 =	simm.s32 $0xA400;
	[tilespmem:v63+s18+$0x0] =	vst.idx.msk $0xffff, v62  }
0x305: {  	[hbm4b:s10+s3] =	stream.linear.scatter [tilespmem:s1], [sflag:$0x3], $0x80, $0x38;
	[tilespmem:$0xF000] =	vst v63  }
0x306: {  	s19 =	simm.s32 $0xA498;
	s22 =	sadd.s32 $0x10, s10  }
0x307: {  	[hbm4b:s22+s3] =	stream.linear.scatter [tilespmem:s19], [sflag:$0x3], $0x80, $0x38;
	[tilespmem:$0xF000] =	vst v63  }
0x308: {  	s29 =	sadd.s32 $0x20, s10;
	s30 =	simm.s32 $0xA5C8;
	s26 =	simm.s32 $0xA530  }
0x309: {  	[hbm4b:s29+s3] =	stream.linear.scatter [tilespmem:s26], [sflag:$0x3], $0x80, $0x38;
	[tilespmem:$0xF000] =	vst v63  }
0x30a: {  	s31 =	sadd.s32 $0x30, s10;
	s28 =	simm.s32 $0x2600;
	s0 =	simm.s32 $0xA828  }
0x30b: {  	[hbm4b:s31+s3] =	stream.linear.scatter [tilespmem:s30], [sflag:$0x3], $0x80, $0x38;
	[tilespmem:$0xF000] =	vst v63  }
0x30c: {  	s1 =	simm.s32 $0x4C0;
	s19 =	simm.s32 $0xA660;
	s22 =	sadd.s32 $0x40, s10  }
0x30d: {  	[hbm4b:s22+s3] =	stream.linear.scatter [tilespmem:s19], [sflag:$0x3], $0x80, $0x38;
	[tilespmem:$0xF000] =	vst v63  }
0x30e: {  	s26 =	simm.s32 $0xA6F8;
	s29 =	sadd.s32 $0x50, s10;
	s30 =	simm.s32 $0xA790  }
0x30f: {  	[hbm4b:s29+s3] =	stream.linear.scatter [tilespmem:s26], [sflag:$0x3], $0x80, $0x38;
	[tilespmem:$0xF000] =	vst v63  }
0x310: {  	s31 =	sadd.s32 $0x60, s10;
	s19 =	sadd.s32 $0x70, s10;
	s26 =	sadd.s32 $0x4000, s10  }
0x311: {  	[hbm4b:s31+s3] =	stream.linear.scatter [tilespmem:s30], [sflag:$0x3], $0x80, $0x38;
	[tilespmem:$0xF000] =	vst v63  }
.LBB2_22:
0x312: {  	[hbm4b:s19+s3] =	stream.linear.scatter [tilespmem:s0], [sflag:$0x3], $0x80, $0x38;
	[tilespmem:$0xF000] =	vst v63  }
0x313: {  	s0 =	smov.u32 s1;
	s1 =	smov.u32 s28  }
0x314: {  	s22 =	sadd.s32 $0x1300, s28;
	s1 =	sshra.s32 s1, $0x2;
	s19 =	sadd.s32 $0xA400, s0  }
0x315: {  	[hbm4b:s26+s3] =	stream.linear.scatter [tilespmem:s19], [sflag:$0x3], $0x80, $0x38;
	[tilespmem:$0xF000] =	vst v63  }
0x316: {  	p0 =	sne.s32 s28, $0x8500;
	s28 =	sadd.s32 $0x10, s26;
	s19 =	sadd.s32 $0xA498, s0  }
0x317: {  	[hbm4b:s28+s3] =	stream.linear.scatter [tilespmem:s19], [sflag:$0x3], $0x80, $0x38;
	[tilespmem:$0xF000] =	vst v63  }
0x318: {  	s19 =	sadd.s32 $0xA530, s0;
	s28 =	sadd.s32 $0x20, s26  }
0x319: {  	[hbm4b:s28+s3] =	stream.linear.scatter [tilespmem:s19], [sflag:$0x3], $0x80, $0x38;
	[tilespmem:$0xF000] =	vst v63  }
0x31a: {  	s19 =	sadd.s32 $0xA5C8, s0;
	s28 =	sadd.s32 $0x30, s26  }
0x31b: {  	[hbm4b:s28+s3] =	stream.linear.scatter [tilespmem:s19], [sflag:$0x3], $0x80, $0x38;
	[tilespmem:$0xF000] =	vst v63  }
0x31c: {  	s19 =	sadd.s32 $0xA660, s0;
	s28 =	sadd.s32 $0x40, s26  }
0x31d: {  	[hbm4b:s28+s3] =	stream.linear.scatter [tilespmem:s19], [sflag:$0x3], $0x80, $0x38;
	[tilespmem:$0xF000] =	vst v63  }
.Ltmp10:
0x31e: {  	s19 =	sadd.s32 $0xA6F8, s0;
	s28 =	sadd.s32 $0x50, s26;
	(pc) =	sbr.rel @p0 .LBB2_22-.Ltmp10, $4  }
0x31f: {  	[hbm4b:s28+s3] =	stream.linear.scatter [tilespmem:s19], [sflag:$0x3], $0x80, $0x38;
	[tilespmem:$0xF000] =	vst v63  }
0x320: {  	s19 =	sadd.s32 $0xA790, s0;
	s28 =	sadd.s32 $0x60, s26;
	s0 =	sadd.s32 $0xA828, s0  }
0x321: {  	[hbm4b:s28+s3] =	stream.linear.scatter [tilespmem:s19], [sflag:$0x3], $0x80, $0x38;
	[tilespmem:$0xF000] =	vst v63  }
0x322: {  	s19 =	sadd.s32 $0x70, s26;
	s26 =	sadd.s32 $0x4000, s26;
	s28 =	smov.u32 s22  }
0x323: {  	[hbm4b:s19+s3] =	stream.linear.scatter [tilespmem:s0], [sflag:$0x3], $0x80, $0x38;
	[tilespmem:$0xF000] =	vst v63  }
0x324: {  	s29 =	sadd.s32 $0xA400, s1  }
0x325: {  	[hbm4b:s26+s3] =	stream.linear.scatter [tilespmem:s29], [sflag:$0x3], $0x80, $0x38;
	[tilespmem:$0xF000] =	vst v63  }
0x326: {  	s30 =	sadd.s32 $0xA498, s1;
	s31 =	sadd.s32 $0x10, s26  }
0x327: {  	[hbm4b:s31+s3] =	stream.linear.scatter [tilespmem:s30], [sflag:$0x3], $0x80, $0x38;
	[tilespmem:$0xF000] =	vst v63  }
0x328: {  	s19 =	sadd.s32 $0xA530, s1;
	s22 =	sadd.s32 $0x20, s26  }
0x329: {  	[hbm4b:s22+s3] =	stream.linear.scatter [tilespmem:s19], [sflag:$0x3], $0x80, $0x38;
	[tilespmem:$0xF000] =	vst v63  }
0x32a: {  	s28 =	sadd.s32 $0xA5C8, s1;
	s29 =	sadd.s32 $0x30, s26  }
0x32b: {  	[hbm4b:s29+s3] =	stream.linear.scatter [tilespmem:s28], [sflag:$0x3], $0x80, $0x38;
	[tilespmem:$0xF000] =	vst v63  }
0x32c: {  	s30 =	sadd.s32 $0xA660, s1;
	s31 =	sadd.s32 $0x40, s26;
	s19 =	sadd.s32 $0xA6F8, s1  }
0x32d: {  	[hbm4b:s31+s3] =	stream.linear.scatter [tilespmem:s30], [sflag:$0x3], $0x80, $0x38;
	[tilespmem:$0xF000] =	vst v63  }
0x32e: {  	s22 =	sadd.s32 $0x50, s26;
	s28 =	sadd.s32 $0xA790, s1;
	s29 =	sadd.s32 $0x60, s26  }
0x32f: {  	[hbm4b:s22+s3] =	stream.linear.scatter [tilespmem:s19], [sflag:$0x3], $0x80, $0x38;
	[tilespmem:$0xF000] =	vst v63  }
0x330: {  	s30 =	sadd.s32 $0xA828, s1;
	s31 =	sadd.s32 $0x70, s26;
	s1 =	simm.s32 $0x0  }
0x331: {  	[hbm4b:s29+s3] =	stream.linear.scatter [tilespmem:s28], [sflag:$0x3], $0x80, $0x38;
	[tilespmem:$0xF000] =	vst v63  }
0x332: {  	s26 =	simm.s32 $0x3;
	v33 =	vmov s1;
	s19 =	simm.s32 $0x1;
	s22 =	simm.s32 $0x2  }
0x333: {  	v36 =	vmov s26;
	v33 =	vshrl.u32 v33, $0x3;
	[hbm4b:s31+s3] =	stream.linear.scatter [tilespmem:s30], [sflag:$0x3], $0x80, $0x38;
	[tilespmem:$0xF000] =	vst v63  }
0x334: {  	v36 =	vshrl.u32 v36, $0x3;
	v34 =	vmov s19;
	v35 =	vmov s22;
	s29 =	simm.s32 $0x7;
	_ =	swait.ge [sflag:s20], $0x2000  }
0x335: {  	v33 =	vshll.u32 v33, v1;
	v53 =	vshll.u32 v36, v1;
	v38 =	vmov s29;
	[sflag:s20] =	ssyncset.done $0x0  }
0x336: {  	s28 =	simm.s32 $0x4;
	v34 =	vshrl.u32 v34, $0x3;
	v35 =	vshrl.u32 v35, $0x3;
	v38 =	vshrl.u32 v38, $0x3;
	[sflag:s20] =	ssyncadd.s32 $0xFFFFE000  }
0x337: {  	v33 =	vbroadcast v33, $0x0;
	v37 =	vmov s28;
	v38 =	vshll.u32 v38, v1;
	_ =	swait.ge [sflag:s24], $0x2000  }
0x338: {  	v34 =	vshll.u32 v34, v1;
	v52 =	vshll.u32 v35, v1;
	v38 =	vbroadcast v38, $0x0;
	[sflag:s24] =	ssyncset.done $0x0  }
0x339: {  	s26 =	simm.s32 $0x8500;
	v35 =	vbroadcast v53, $0x0;
	v37 =	vshrl.u32 v37, $0x3;
	v45 =	vbroadcast v34, $0x0;
	[sflag:s24] =	ssyncadd.s32 $0xFFFFE000  }
0x33a: {  	s30 =	simm.s32 $0x5;
	s31 =	simm.s32 $0x6;
	v44 =	vadd.s32 v0, v33;
	v52 =	vbroadcast v52, $0x0;
	v42 =	vadd.s32 v29, v38;
	v41 =	vld [tilespmem:s26+$0xC0]  }
0x33b: {  	v39 =	vmov s30;
	v40 =	vmov s31;
	v54 =	vshll.u32 v37, v1;
	v43 =	vld [tilespmem:s26+$0xFFFFFF00]  }
0x33c: {  	v47 =	vadd.s32 v5, v45;
	v49 =	vadd.s32 v9, v52;
	v55 =	vshrl.u32 v39, $0x3;
	v46 =	vld [tilespmem:s26+$0xFFFFFF40]  }
0x33d: {  	v34 =	vbroadcast v54, $0x0;
	v40 =	vshrl.u32 v40, $0x3;
	v36 =	vshll.u32 v55, v1;
	v48 =	vld [tilespmem:s26+$0xFFFFFF80]  }
0x33e: {  	v50 =	vadd.s32 v13, v35;
	v56 =	vshll.u32 v40, v1;
	v37 =	vbroadcast v36, $0x0;
	v39 =	vld [tilespmem:s26+$0xFFFFFFC0]  }
0x33f: {  	v53 =	vadd.s32 v17, v34;
	v36 =	vbroadcast v56, $0x0;
	v51 =	vld [tilespmem:s26+$0x0];
	[tilespmem:v42+s21+$0x0] =	vst.idx.msk $0xffff, v41  }
0x340: {  	v60 =	vadd.s32 v21, v37;
	v59 =	vld [tilespmem:s26+$0x40];
	[tilespmem:v44+s21+$0x0] =	vst.idx.msk $0xffff, v43  }
0x341: {  	v62 =	vadd.s32 v25, v36;
	v61 =	vld [tilespmem:s26+$0x80];
	[tilespmem:v47+s21+$0x0] =	vst.idx.msk $0xffff, v46  }
0x342: {  	v58 =	vadd.s32 v30, v38;
	[tilespmem:v49+s21+$0x0] =	vst.idx.msk $0xffff, v48;
	v57 =	vld [tilespmem:s26+$0xD0]  }
0x343: {  	v63 =	vadd.s32 v6, v45;
	[tilespmem:v50+s21+$0x0] =	vst.idx.msk $0xffff, v39;
	v47 =	vld [tilespmem:s26+$0xFFFFFF50]  }
0x344: {  	v55 =	vadd.s32 v10, v52;
	[tilespmem:v53+s21+$0x0] =	vst.idx.msk $0xffff, v51;
	v54 =	vld [tilespmem:s26+$0xFFFFFF90]  }
0x345: {  	v56 =	vadd.s32 v14, v35;
	[tilespmem:v60+s21+$0x0] =	vst.idx.msk $0xffff, v59;
	v50 =	vld [tilespmem:s26+$0xFFFFFFD0]  }
0x346: {  	[tilespmem:v62+s21+$0x0] =	vst.idx.msk $0xffff, v61;
	v46 =	vadd.s32 v22, v37;
	v44 =	vld [tilespmem:s26+$0x50]  }
0x347: {  	v59 =	vadd.s32 v18, v34;
	[tilespmem:v58+s21+$0x0] =	vst.idx.msk $0xffff, v57;
	v58 =	vld [tilespmem:s26+$0x10]  }
0x348: {  	v57 =	vadd.s32 v31, v38;
	[tilespmem:v63+s21+$0x0] =	vst.idx.msk $0xffff, v47;
	v40 =	vld [tilespmem:s26+$0xE0]  }
0x349: {  	v60 =	vadd.s32 v26, v36;
	[tilespmem:v55+s21+$0x0] =	vst.idx.msk $0xffff, v54;
	v63 =	vld [tilespmem:s26+$0x90]  }
0x34a: {  	v62 =	vadd.s32 v2, v33;
	v61 =	vld [tilespmem:s26+$0xFFFFFF10];
	[tilespmem:v56+s21+$0x0] =	vst.idx.msk $0xffff, v50  }
0x34b: {  	v51 =	vadd.s32 v7, v45;
	[tilespmem:v46+s21+$0x0] =	vst.idx.msk $0xffff, v44;
	v50 =	vld [tilespmem:s26+$0xFFFFFF60]  }
0x34c: {  	v56 =	vadd.s32 v11, v52;
	v55 =	vld [tilespmem:s26+$0xFFFFFFA0];
	[tilespmem:v59+s21+$0x0] =	vst.idx.msk $0xffff, v58  }
0x34d: {  	v58 =	vadd.s32 v15, v35;
	[tilespmem:v57+s21+$0x0] =	vst.idx.msk $0xffff, v40;
	v57 =	vld [tilespmem:s26+$0xFFFFFFE0]  }
0x34e: {  	[tilespmem:v60+s21+$0x0] =	vst.idx.msk $0xffff, v63;
	v60 =	vadd.s32 v19, v34;
	v59 =	vld [tilespmem:s26+$0x20]  }
0x34f: {  	s19 =	simm.s32 $0x9;
	v38 =	vadd.s32 v32, v38;
	[tilespmem:v62+s21+$0x0] =	vst.idx.msk $0xffff, v61;
	v54 =	vld [tilespmem:s26+$0xF0]  }
0x350: {  	s1 =	simm.s32 $0x8;
	v41 =	vadd.s32 v23, v37;
	v53 =	vmov s19;
	[tilespmem:v51+s21+$0x0] =	vst.idx.msk $0xffff, v50;
	v40 =	vld [tilespmem:s26+$0x60]  }
0x351: {  	s28 =	simm.s32 $0xB;
	s29 =	simm.s32 $0xC;
	v43 =	vadd.s32 v27, v36;
	v48 =	vadd.s32 v3, v33;
	v63 =	vmov s1;
	v42 =	vld [tilespmem:s26+$0xA0];
	[tilespmem:v56+s21+$0x0] =	vst.idx.msk $0xffff, v55  }
0x352: {  	s31 =	simm.s32 $0xE;
	v44 =	vmov s28;
	v47 =	vmov s29;
	v46 =	vld [tilespmem:s26+$0xFFFFFF20];
	v39 =	vshrl.u32 v63, $0x3;
	[tilespmem:v58+s21+$0x0] =	vst.idx.msk $0xffff, v57  }
0x353: {  	s22 =	simm.s32 $0xA;
	s30 =	simm.s32 $0xD;
	v51 =	vadd.s32 v8, v45;
	v49 =	vld [tilespmem:s26+$0xFFFFFF70];
	v45 =	vshll.u32 v39, v1;
	v39 =	vmov s31;
	[tilespmem:v60+s21+$0x0] =	vst.idx.msk $0xffff, v59  }
0x354: {  	s0 =	simm.s32 $0xF;
	v52 =	vadd.s32 v12, v52;
	s1 =	simm.s32 $0x10;
	v50 =	vld [tilespmem:s26+$0xFFFFFFB0];
	[tilespmem:v38+s21+$0x0] =	vst.idx.msk $0xffff, v54;
	v54 =	vmov s22;
	v38 =	vmov s30  }
.LBB2_24:
0x355: {  	p0 =	slt.u32 s1, $0x78;
	v53 =	vshrl.u32 v53, $0x3;
	v55 =	vmov s0;
	v56 =	vld [tilespmem:s26+$0xFFFFFFF0];
	v35 =	vadd.s32 v16, v35;
	[tilespmem:v41+s21+$0x0] =	vst.idx.msk $0xffff, v40  }
0x356: {  	v40 =	vshrl.u32 v54, $0x3;
	v34 =	vadd.s32 v20, v34;
	v41 =	vshrl.u32 v55, $0x3;
	v54 =	vld [tilespmem:s26+$0x30];
	[tilespmem:v43+s21+$0x0] =	vst.idx.msk $0xffff, v42  }
0x357: {  	v37 =	vadd.s32 v24, v37;
	v42 =	vshrl.u32 v44, $0x3;
	v41 =	vshll.u32 v41, v1;
	[tilespmem:v48+s21+$0x0] =	vst.idx.msk $0xffff, v46;
	v43 =	vld [tilespmem:s26+$0x70]  }
0x358: {  	v36 =	vadd.s32 v28, v36;
	v44 =	vshrl.u32 v47, $0x3;
	v41 =	vbroadcast v41, $0x0;
	[tilespmem:v51+s21+$0x0] =	vst.idx.msk $0xffff, v49;
	v46 =	vld [tilespmem:s26+$0xB0]  }
0x359: {  	v47 =	vshll.u32 v53, v1;
	v49 =	vadd.s32 v4, v33;
	v33 =	vbroadcast v45, $0x0;
	v48 =	vld [tilespmem:s26+$0xFFFFFF30];
	[tilespmem:v52+s21+$0x0] =	vst.idx.msk $0xffff, v50;
	s26 =	sadd.s32 $0x200, s26  }
0x35a: {  	v40 =	vshll.u32 v40, v1;
	v45 =	vbroadcast v47, $0x0;
	v47 =	vld [tilespmem:s26+$0xC0];
	v50 =	vadd.s32 v29, v41;
	[tilespmem:v35+s21+$0x0] =	vst.idx.msk $0xffff, v56  }
0x35b: {  	v55 =	vbroadcast v40, $0x0;
	v52 =	vadd.s32 v0, v33;
	v35 =	vshll.u32 v42, v1;
	v51 =	vld [tilespmem:s26+$0xFFFFFF00];
	[tilespmem:v34+s21+$0x0] =	vst.idx.msk $0xffff, v54  }
0x35c: {  	v42 =	vadd.s32 v5, v45;
	v35 =	vbroadcast v35, $0x0;
	v34 =	vshll.u32 v44, v1;
	v40 =	vld [tilespmem:s26+$0xFFFFFF40];
	[tilespmem:v37+s21+$0x0] =	vst.idx.msk $0xffff, v43  }
0x35d: {  	v44 =	vadd.s32 v9, v55;
	v34 =	vbroadcast v34, $0x0;
	v37 =	vshrl.u32 v38, $0x3;
	v43 =	vld [tilespmem:s26+$0xFFFFFF80];
	[tilespmem:v36+s21+$0x0] =	vst.idx.msk $0xffff, v46  }
0x35e: {  	v39 =	vshrl.u32 v39, $0x3;
	v46 =	vadd.s32 v13, v35;
	v36 =	vshll.u32 v37, v1;
	v38 =	vld [tilespmem:s26+$0xFFFFFFC0];
	[tilespmem:v49+s21+$0x0] =	vst.idx.msk $0xffff, v48  }
0x35f: {  	v49 =	vadd.s32 v17, v34;
	v37 =	vbroadcast v36, $0x0;
	v36 =	vshll.u32 v39, v1;
	v48 =	vld [tilespmem:s26+$0x0];
	[tilespmem:v50+s21+$0x0] =	vst.idx.msk $0xffff, v47  }
0x360: {  	v36 =	vbroadcast v36, $0x0;
	v47 =	vadd.s32 v30, v41;
	[tilespmem:v52+s21+$0x0] =	vst.idx.msk $0xffff, v51;
	v39 =	vld [tilespmem:s26+$0xD0]  }
0x361: {  	[tilespmem:v42+s21+$0x0] =	vst.idx.msk $0xffff, v40;
	v40 =	vld [tilespmem:s26+$0x40];
	v42 =	vadd.s32 v21, v37  }
0x362: {  	[tilespmem:v44+s21+$0x0] =	vst.idx.msk $0xffff, v43;
	v43 =	vld [tilespmem:s26+$0x80];
	v44 =	vadd.s32 v25, v36  }
0x363: {  	v51 =	vadd.s32 v6, v45;
	v50 =	vld [tilespmem:s26+$0xFFFFFF50];
	[tilespmem:v46+s21+$0x0] =	vst.idx.msk $0xffff, v38  }
0x364: {  	v46 =	vadd.s32 v10, v55;
	v38 =	vld [tilespmem:s26+$0xFFFFFF90];
	[tilespmem:v49+s21+$0x0] =	vst.idx.msk $0xffff, v48  }
0x365: {  	v49 =	vadd.s32 v14, v35;
	v48 =	vld [tilespmem:s26+$0xFFFFFFD0];
	[tilespmem:v47+s21+$0x0] =	vst.idx.msk $0xffff, v39  }
0x366: {  	[tilespmem:v42+s21+$0x0] =	vst.idx.msk $0xffff, v40;
	v39 =	vld [tilespmem:s26+$0xE0];
	v40 =	vadd.s32 v31, v41  }
0x367: {  	v47 =	vadd.s32 v18, v34;
	v42 =	vld [tilespmem:s26+$0x10];
	[tilespmem:v44+s21+$0x0] =	vst.idx.msk $0xffff, v43  }
0x368: {  	v44 =	vadd.s32 v22, v37;
	[tilespmem:v51+s21+$0x0] =	vst.idx.msk $0xffff, v50;
	v43 =	vld [tilespmem:s26+$0x50]  }
0x369: {  	[tilespmem:v46+s21+$0x0] =	vst.idx.msk $0xffff, v38;
	v38 =	vld [tilespmem:s26+$0x90];
	v46 =	vadd.s32 v26, v36  }
0x36a: {  	v51 =	vadd.s32 v2, v33;
	v50 =	vld [tilespmem:s26+$0xFFFFFF10];
	[tilespmem:v49+s21+$0x0] =	vst.idx.msk $0xffff, v48  }
0x36b: {  	v49 =	vadd.s32 v7, v45;
	v48 =	vld [tilespmem:s26+$0xFFFFFF60];
	[tilespmem:v40+s21+$0x0] =	vst.idx.msk $0xffff, v39  }
0x36c: {  	[tilespmem:v47+s21+$0x0] =	vst.idx.msk $0xffff, v42;
	v39 =	vld [tilespmem:s26+$0xF0];
	v47 =	vadd.s32 v32, v41  }
0x36d: {  	v56 =	vadd.s32 v11, v55;
	v52 =	vld [tilespmem:s26+$0xFFFFFFA0];
	[tilespmem:v44+s21+$0x0] =	vst.idx.msk $0xffff, v43  }
0x36e: {  	v58 =	vadd.s32 v15, v35;
	v57 =	vld [tilespmem:s26+$0xFFFFFFE0];
	[tilespmem:v46+s21+$0x0] =	vst.idx.msk $0xffff, v38  }
0x36f: {  	v60 =	vadd.s32 v19, v34;
	[tilespmem:v51+s21+$0x0] =	vst.idx.msk $0xffff, v50;
	v59 =	vld [tilespmem:s26+$0x20]  }
.Ltmp11:
0x370: {  	s0 =	sadd.s32 $0x1, s1;
	v41 =	vadd.s32 v23, v37;
	v38 =	vmov s1;
	[tilespmem:v49+s21+$0x0] =	vst.idx.msk $0xffff, v48;
	v40 =	vld [tilespmem:s26+$0x60];
	(pc) =	sbr.rel @p0 .LBB2_24-.Ltmp11, $4  }
0x371: {  	s19 =	sadd.s32 $0x3, s1;
	v53 =	vmov s0;
	s0 =	sadd.s32 $0x2, s1;
	v43 =	vadd.s32 v27, v36;
	v50 =	vshrl.u32 v38, $0x3;
	v42 =	vld [tilespmem:s26+$0xA0];
	[tilespmem:v47+s21+$0x0] =	vst.idx.msk $0xffff, v39  }
0x372: {  	v54 =	vmov s0;
	s0 =	sadd.s32 $0x4, s1;
	v44 =	vmov s19;
	s19 =	sadd.s32 $0x5, s1;
	v48 =	vadd.s32 v3, v33;
	v46 =	vld [tilespmem:s26+$0xFFFFFF20];
	[tilespmem:v56+s21+$0x0] =	vst.idx.msk $0xffff, v52  }
0x373: {  	v38 =	vmov s19;
	v51 =	vadd.s32 v8, v45;
	v47 =	vmov s0;
	s0 =	sadd.s32 $0x6, s1;
	v49 =	vld [tilespmem:s26+$0xFFFFFF70];
	[tilespmem:v58+s21+$0x0] =	vst.idx.msk $0xffff, v57  }
0x374: {  	v45 =	vshll.u32 v50, v1;
	v39 =	vmov s0;
	s0 =	sadd.s32 $0x7, s1;
	s1 =	sadd.s32 $0x8, s1;
	v52 =	vadd.s32 v12, v55;
	v50 =	vld [tilespmem:s26+$0xFFFFFFB0];
	[tilespmem:v60+s21+$0x0] =	vst.idx.msk $0xffff, v59  }
0x375: {  	_ =	sdelay $0x2  }
0x376: {  	v53 =	vshrl.u32 v53, $0x3  }
0x377: {  	v55 =	vmov s0;
	v56 =	vld [tilespmem:s26+$0xFFFFFFF0];
	v35 =	vadd.s32 v16, v35;
	[tilespmem:v41+s21+$0x0] =	vst.idx.msk $0xffff, v40;
	v57 =	vshrl.u32 v54, $0x3  }
0x378: {  	v59 =	vld [tilespmem:s26+$0x30];
	v34 =	vadd.s32 v20, v34;
	v60 =	vshrl.u32 v44, $0x3;
	v58 =	vshrl.u32 v55, $0x3;
	[tilespmem:v43+s21+$0x0] =	vst.idx.msk $0xffff, v42  }
0x379: {  	v37 =	vadd.s32 v24, v37;
	v62 =	vshrl.u32 v47, $0x3;
	v61 =	vld [tilespmem:s26+$0x70];
	v41 =	vshll.u32 v58, v1;
	[tilespmem:v48+s21+$0x0] =	vst.idx.msk $0xffff, v46  }
0x37a: {  	v36 =	vadd.s32 v28, v36;
	v45 =	vbroadcast v45, $0x0;
	v63 =	vld [tilespmem:s26+$0xB0];
	v41 =	vbroadcast v41, $0x0;
	[tilespmem:v51+s21+$0x0] =	vst.idx.msk $0xffff, v49  }
0x37b: {  	v33 =	vadd.s32 v4, v33;
	s1 =	sadd.s32 $0x200, s26;
	v38 =	vshrl.u32 v38, $0x3;
	v55 =	vshll.u32 v53, v1;
	v48 =	vld [tilespmem:s26+$0xFFFFFF30];
	[tilespmem:v52+s21+$0x0] =	vst.idx.msk $0xffff, v50  }
0x37c: {  	v40 =	vshll.u32 v57, v1;
	v47 =	vbroadcast v55, $0x0;
	v49 =	vld [tilespmem:s1+$0xC0];
	v50 =	vadd.s32 v29, v41;
	[tilespmem:v35+s21+$0x0] =	vst.idx.msk $0xffff, v56  }
0x37d: {  	v42 =	vshll.u32 v60, v1;
	v40 =	vbroadcast v40, $0x0;
	v35 =	vld [tilespmem:s1+$0xFFFFFF00];
	v56 =	vadd.s32 v0, v45;
	[tilespmem:v34+s21+$0x0] =	vst.idx.msk $0xffff, v59  }
0x37e: {  	v57 =	vld [tilespmem:s1+$0xFFFFFF40];
	v44 =	vshll.u32 v62, v1;
	v42 =	vbroadcast v42, $0x0;
	v58 =	vadd.s32 v5, v47;
	[tilespmem:v37+s21+$0x0] =	vst.idx.msk $0xffff, v61  }
0x37f: {  	v38 =	vshll.u32 v38, v1;
	v44 =	vbroadcast v44, $0x0;
	v60 =	vadd.s32 v9, v40;
	v59 =	vld [tilespmem:s1+$0xFFFFFF80];
	[tilespmem:v36+s21+$0x0] =	vst.idx.msk $0xffff, v63  }
0x380: {  	v38 =	vbroadcast v38, $0x0;
	v62 =	vadd.s32 v13, v42;
	v61 =	vld [tilespmem:s1+$0xFFFFFFC0];
	[tilespmem:v33+s21+$0x0] =	vst.idx.msk $0xffff, v48  }
0x381: {  	v39 =	vshrl.u32 v39, $0x3;
	v63 =	vadd.s32 v17, v44;
	v33 =	vld [tilespmem:s1+$0x0];
	[tilespmem:v50+s21+$0x0] =	vst.idx.msk $0xffff, v49  }
0x382: {  	v39 =	vshll.u32 v39, v1;
	v34 =	vld [tilespmem:s1+$0x40];
	[tilespmem:v56+s21+$0x0] =	vst.idx.msk $0xffff, v35;
	v56 =	vadd.s32 v21, v38  }
0x383: {  	[tilespmem:v58+s21+$0x0] =	vst.idx.msk $0xffff, v57;
	v35 =	vbroadcast v39, $0x0;
	v49 =	vadd.s32 v30, v41;
	v39 =	vld [tilespmem:s1+$0xD0]  }
0x384: {  	[tilespmem:v60+s21+$0x0] =	vst.idx.msk $0xffff, v59;
	v59 =	vld [tilespmem:s1+$0xFFFFFF50];
	v60 =	vadd.s32 v6, v47  }
0x385: {  	v57 =	vld [tilespmem:s1+$0x80];
	[tilespmem:v62+s21+$0x0] =	vst.idx.msk $0xffff, v61;
	v58 =	vadd.s32 v25, v35  }
0x386: {  	v61 =	vld [tilespmem:s1+$0xFFFFFF90];
	v62 =	vadd.s32 v10, v40;
	[tilespmem:v63+s21+$0x0] =	vst.idx.msk $0xffff, v33  }
0x387: {  	v33 =	vld [tilespmem:s1+$0xFFFFFFD0];
	v63 =	vadd.s32 v14, v42;
	[tilespmem:v56+s21+$0x0] =	vst.idx.msk $0xffff, v34  }
0x388: {  	v56 =	vadd.s32 v18, v44;
	[tilespmem:v49+s21+$0x0] =	vst.idx.msk $0xffff, v39;
	v49 =	vld [tilespmem:s1+$0x10]  }
0x389: {  	[tilespmem:v60+s21+$0x0] =	vst.idx.msk $0xffff, v59;
	v39 =	vadd.s32 v31, v41;
	v34 =	vld [tilespmem:s1+$0xE0]  }
0x38a: {  	[tilespmem:v58+s21+$0x0] =	vst.idx.msk $0xffff, v57;
	v57 =	vld [tilespmem:s1+$0x50];
	v58 =	vadd.s32 v22, v38  }
0x38b: {  	[tilespmem:v62+s21+$0x0] =	vst.idx.msk $0xffff, v61;
	v61 =	vld [tilespmem:s1+$0xFFFFFF10];
	v62 =	vadd.s32 v2, v45  }
0x38c: {  	v60 =	vadd.s32 v26, v35;
	v59 =	vld [tilespmem:s1+$0x90];
	[tilespmem:v63+s21+$0x0] =	vst.idx.msk $0xffff, v33  }
0x38d: {  	v55 =	vadd.s32 v11, v40;
	v54 =	vadd.s32 v32, v41;
	v41 =	vld [tilespmem:s1+$0xFFFFFFA0];
	[tilespmem:v56+s21+$0x0] =	vst.idx.msk $0xffff, v49  }
0x38e: {  	v53 =	vadd.s32 v7, v47;
	v63 =	vld [tilespmem:s1+$0xFFFFFF60];
	[tilespmem:v39+s21+$0x0] =	vst.idx.msk $0xffff, v34  }
0x38f: {  	v56 =	vld [tilespmem:s1+$0xFFFFFFE0];
	[tilespmem:v58+s21+$0x0] =	vst.idx.msk $0xffff, v57;
	v57 =	vadd.s32 v15, v42  }
0x390: {  	[tilespmem:v62+s21+$0x0] =	vst.idx.msk $0xffff, v61;
	v34 =	vld [tilespmem:s1+$0xF0]  }
0x391: {  	v58 =	vld [tilespmem:s1+$0x20];
	[tilespmem:v60+s21+$0x0] =	vst.idx.msk $0xffff, v59;
	v59 =	vadd.s32 v19, v44  }
0x392: {  	v61 =	vadd.s32 v23, v38;
	[tilespmem:v55+s21+$0x0] =	vst.idx.msk $0xffff, v41;
	v60 =	vld [tilespmem:s1+$0x60]  }
0x393: {  	[tilespmem:v53+s21+$0x0] =	vst.idx.msk $0xffff, v63;
	v63 =	vadd.s32 v27, v35;
	v62 =	vld [tilespmem:s1+$0xA0]  }
0x394: {  	v47 =	vadd.s32 v8, v47;
	v55 =	vld [tilespmem:s1+$0xFFFFFF70];
	[tilespmem:v57+s21+$0x0] =	vst.idx.msk $0xffff, v56  }
0x395: {  	v53 =	vld [tilespmem:s1+$0xFFFFFF20];
	[tilespmem:v54+s21+$0x0] =	vst.idx.msk $0xffff, v34;
	v54 =	vadd.s32 v3, v45  }
0x396: {  	v40 =	vadd.s32 v12, v40;
	v56 =	vld [tilespmem:s1+$0xFFFFFFB0];
	[tilespmem:v59+s21+$0x0] =	vst.idx.msk $0xffff, v58  }
0x397: {  	v42 =	vadd.s32 v16, v42;
	v57 =	vld [tilespmem:s1+$0xFFFFFFF0];
	[tilespmem:v61+s21+$0x0] =	vst.idx.msk $0xffff, v60  }
0x398: {  	v59 =	vadd.s32 v20, v44;
	v58 =	vld [tilespmem:s1+$0x30];
	[tilespmem:v63+s21+$0x0] =	vst.idx.msk $0xffff, v62  }
0x399: {  	v38 =	vadd.s32 v24, v38;
	v60 =	vld [tilespmem:s1+$0x70];
	[tilespmem:v47+s21+$0x0] =	vst.idx.msk $0xffff, v55  }
0x39a: {  	v35 =	vadd.s32 v28, v35;
	v61 =	vld [tilespmem:s1+$0xB0];
	[tilespmem:v54+s21+$0x0] =	vst.idx.msk $0xffff, v53  }
0x39b: {  	v63 =	vadd.s32 v4, v45;
	[tilespmem:v40+s21+$0x0] =	vst.idx.msk $0xffff, v56;
	v62 =	vld [tilespmem:s1+$0xFFFFFF30]  }
0x39c: {  	[tilespmem:v42+s21+$0x0] =	vst.idx.msk $0xffff, v57  }
0x39d: {  	[tilespmem:v59+s21+$0x0] =	vst.idx.msk $0xffff, v58  }
0x39e: {  	[tilespmem:v38+s21+$0x0] =	vst.idx.msk $0xffff, v60  }
0x39f: {  	[tilespmem:v35+s21+$0x0] =	vst.idx.msk $0xffff, v61  }
0x3a0: {  	s1 =	simm.s32 $0xCA00;
	[tilespmem:v63+s21+$0x0] =	vst.idx.msk $0xffff, v62  }
0x3a1: {  	[hbm4b:s11+s3] =	stream.linear.scatter [tilespmem:s1], [sflag:$0x4], $0x80, $0x38;
	[tilespmem:$0xF000] =	vst v63  }
0x3a2: {  	s19 =	simm.s32 $0xCA98;
	s22 =	sadd.s32 $0x10, s11  }
0x3a3: {  	[hbm4b:s22+s3] =	stream.linear.scatter [tilespmem:s19], [sflag:$0x4], $0x80, $0x38;
	[tilespmem:$0xF000] =	vst v63  }
0x3a4: {  	s29 =	sadd.s32 $0x20, s11;
	s30 =	simm.s32 $0xCBC8;
	s26 =	simm.s32 $0xCB30  }
0x3a5: {  	[hbm4b:s29+s3] =	stream.linear.scatter [tilespmem:s26], [sflag:$0x4], $0x80, $0x38;
	[tilespmem:$0xF000] =	vst v63  }
0x3a6: {  	s31 =	sadd.s32 $0x30, s11;
	s28 =	simm.s32 $0x2600;
	s0 =	simm.s32 $0xCE28  }
0x3a7: {  	[hbm4b:s31+s3] =	stream.linear.scatter [tilespmem:s30], [sflag:$0x4], $0x80, $0x38;
	[tilespmem:$0xF000] =	vst v63  }
0x3a8: {  	s1 =	simm.s32 $0x4C0;
	s19 =	simm.s32 $0xCC60;
	s22 =	sadd.s32 $0x40, s11  }
0x3a9: {  	[hbm4b:s22+s3] =	stream.linear.scatter [tilespmem:s19], [sflag:$0x4], $0x80, $0x38;
	[tilespmem:$0xF000] =	vst v63  }
0x3aa: {  	s26 =	simm.s32 $0xCCF8;
	s29 =	sadd.s32 $0x50, s11;
	s30 =	simm.s32 $0xCD90  }
0x3ab: {  	[hbm4b:s29+s3] =	stream.linear.scatter [tilespmem:s26], [sflag:$0x4], $0x80, $0x38;
	[tilespmem:$0xF000] =	vst v63  }
0x3ac: {  	s31 =	sadd.s32 $0x60, s11;
	s19 =	sadd.s32 $0x70, s11;
	s26 =	sadd.s32 $0x4000, s11  }
0x3ad: {  	[hbm4b:s31+s3] =	stream.linear.scatter [tilespmem:s30], [sflag:$0x4], $0x80, $0x38;
	[tilespmem:$0xF000] =	vst v63  }
.LBB2_26:
0x3ae: {  	[hbm4b:s19+s3] =	stream.linear.scatter [tilespmem:s0], [sflag:$0x4], $0x80, $0x38;
	[tilespmem:$0xF000] =	vst v63  }
0x3af: {  	s0 =	smov.u32 s1;
	s1 =	smov.u32 s28  }
0x3b0: {  	s22 =	sadd.s32 $0x1300, s28;
	s1 =	sshra.s32 s1, $0x2;
	s19 =	sadd.s32 $0xCA00, s0  }
0x3b1: {  	[hbm4b:s26+s3] =	stream.linear.scatter [tilespmem:s19], [sflag:$0x4], $0x80, $0x38;
	[tilespmem:$0xF000] =	vst v63  }
0x3b2: {  	p0 =	sne.s32 s28, $0x8500;
	s28 =	sadd.s32 $0x10, s26;
	s19 =	sadd.s32 $0xCA98, s0  }
0x3b3: {  	[hbm4b:s28+s3] =	stream.linear.scatter [tilespmem:s19], [sflag:$0x4], $0x80, $0x38;
	[tilespmem:$0xF000] =	vst v63  }
0x3b4: {  	s19 =	sadd.s32 $0xCB30, s0;
	s28 =	sadd.s32 $0x20, s26  }
0x3b5: {  	[hbm4b:s28+s3] =	stream.linear.scatter [tilespmem:s19], [sflag:$0x4], $0x80, $0x38;
	[tilespmem:$0xF000] =	vst v63  }
0x3b6: {  	s19 =	sadd.s32 $0xCBC8, s0;
	s28 =	sadd.s32 $0x30, s26  }
0x3b7: {  	[hbm4b:s28+s3] =	stream.linear.scatter [tilespmem:s19], [sflag:$0x4], $0x80, $0x38;
	[tilespmem:$0xF000] =	vst v63  }
0x3b8: {  	s19 =	sadd.s32 $0xCC60, s0;
	s28 =	sadd.s32 $0x40, s26  }
0x3b9: {  	[hbm4b:s28+s3] =	stream.linear.scatter [tilespmem:s19], [sflag:$0x4], $0x80, $0x38;
	[tilespmem:$0xF000] =	vst v63  }
.Ltmp12:
0x3ba: {  	s19 =	sadd.s32 $0xCCF8, s0;
	s28 =	sadd.s32 $0x50, s26;
	(pc) =	sbr.rel @p0 .LBB2_26-.Ltmp12, $4  }
0x3bb: {  	[hbm4b:s28+s3] =	stream.linear.scatter [tilespmem:s19], [sflag:$0x4], $0x80, $0x38;
	[tilespmem:$0xF000] =	vst v63  }
0x3bc: {  	s19 =	sadd.s32 $0xCD90, s0;
	s28 =	sadd.s32 $0x60, s26;
	s0 =	sadd.s32 $0xCE28, s0  }
0x3bd: {  	[hbm4b:s28+s3] =	stream.linear.scatter [tilespmem:s19], [sflag:$0x4], $0x80, $0x38;
	[tilespmem:$0xF000] =	vst v63  }
0x3be: {  	s19 =	sadd.s32 $0x70, s26;
	s26 =	sadd.s32 $0x4000, s26;
	s28 =	smov.u32 s22  }
0x3bf: {  	[hbm4b:s19+s3] =	stream.linear.scatter [tilespmem:s0], [sflag:$0x4], $0x80, $0x38;
	[tilespmem:$0xF000] =	vst v63  }
0x3c0: {  	s29 =	sadd.s32 $0xCA00, s1  }
0x3c1: {  	[hbm4b:s26+s3] =	stream.linear.scatter [tilespmem:s29], [sflag:$0x4], $0x80, $0x38;
	[tilespmem:$0xF000] =	vst v63  }
0x3c2: {  	s30 =	sadd.s32 $0xCA98, s1;
	s31 =	sadd.s32 $0x10, s26  }
0x3c3: {  	[hbm4b:s31+s3] =	stream.linear.scatter [tilespmem:s30], [sflag:$0x4], $0x80, $0x38;
	[tilespmem:$0xF000] =	vst v63  }
0x3c4: {  	s19 =	sadd.s32 $0xCB30, s1;
	s22 =	sadd.s32 $0x20, s26  }
0x3c5: {  	[hbm4b:s22+s3] =	stream.linear.scatter [tilespmem:s19], [sflag:$0x4], $0x80, $0x38;
	[tilespmem:$0xF000] =	vst v63  }
0x3c6: {  	s28 =	sadd.s32 $0xCBC8, s1;
	s29 =	sadd.s32 $0x30, s26  }
0x3c7: {  	[hbm4b:s29+s3] =	stream.linear.scatter [tilespmem:s28], [sflag:$0x4], $0x80, $0x38;
	[tilespmem:$0xF000] =	vst v63  }
0x3c8: {  	s30 =	sadd.s32 $0xCC60, s1;
	s31 =	sadd.s32 $0x40, s26  }
0x3c9: {  	[hbm4b:s31+s3] =	stream.linear.scatter [tilespmem:s30], [sflag:$0x4], $0x80, $0x38;
	[tilespmem:$0xF000] =	vst v63  }
0x3ca: {  	s19 =	sadd.s32 $0xCCF8, s1;
	s22 =	sadd.s32 $0x50, s26  }
0x3cb: {  	[hbm4b:s22+s3] =	stream.linear.scatter [tilespmem:s19], [sflag:$0x4], $0x80, $0x38;
	[tilespmem:$0xF000] =	vst v63  }
0x3cc: {  	s28 =	sadd.s32 $0xCD90, s1;
	s29 =	sadd.s32 $0x60, s26  }
0x3cd: {  	[hbm4b:s29+s3] =	stream.linear.scatter [tilespmem:s28], [sflag:$0x4], $0x80, $0x38;
	[tilespmem:$0xF000] =	vst v63  }
0x3ce: {  	s25 =	sadd.s32 $0x1, s25;
	s30 =	sadd.s32 $0xCE28, s1;
	s31 =	sadd.s32 $0x70, s26  }
0x3cf: {  	[hbm4b:s31+s3] =	stream.linear.scatter [tilespmem:s30], [sflag:$0x4], $0x80, $0x38;
	[tilespmem:$0xF000] =	vst v63  }
0x3d0: {  	p0 =	sne.s32 s25, s12;
	_ =	swait.ge [sflag:s23], $0x2000  }
.Ltmp13:
0x3d1: {  	[sflag:s23] =	ssyncset.done $0x0;
	(pc) =	sbr.rel @p0 .LBB2_1-.Ltmp13, $4  }
0x3d2: {  	[sflag:s23] =	ssyncadd.s32 $0xFFFFE000  }
0x3d3: {  	_ =	swait.ge [sflag:s24], $0x2000  }
0x3d4: {  	[sflag:s24] =	ssyncset.done $0x0  }
0x3d5: {  	[sflag:s24] =	ssyncadd.s32 $0xFFFFE000  }
0x3d6: {  	_ =	sfence.sel $0x180000  }
0x3d7: {  	[bflag:$0x0] =	sbarrier.arrive $0xFFFF  }
0x3d8: {  	_ =	strace $0x90000047  }
0x3d9: {  	s0 =	stileid.u32;
	[bflag:$0x2] =	sbarrier.arrive $0xFFFF  }
0x3da: {  	p0 =	sne.s32 s0, $0x0;
	s0 =	rddreg [dreg:$0x2]  }
0x3db: {  	s0 =	sadd.s32 @!p0 $0x100000, s0  }
0x3dc: {  	[sflag:s0] =	ssyncadd.tile.s32 @!p0 $0x1;
	_ =	shalt  }
.Lfunc_end2:
_tile_overlayer_lowered:
.L_overlay_start_2:
0x3dd: {  	(tag) =	ssettag $0x2  }
0x3de: {  	s0 =	rddreg [dreg:$0x0];
	s2 =	stileid.u32  }
0x3df: {  	s1 =	rddreg [dreg:$0x1];
	p0 =	sne.s32 s2, $0x0  }
0x3e0: {  	s3 =	rddreg [dreg:$0x2];
	[bflag:$0x3] =	sbarrier.arrive $0xFFFF;
	s2 =	simm.s32 @!p0 $0x1C05  }
0x3e1: {  	[timem:s3], [sflag:s2] =	dma.local @!p0 [hbm:s0], s1  }
0x3e2: {  	s0 =	simm.s32 @!p0 $0x5  }
0x3e3: {  	_ =	swait.ge @!p0 [sflag:s0], s1  }
0x3e4: {  	s1 =	ssub.s32 @!p0 $0x0, s1;
	[sflag:s0] =	ssyncset.done @!p0 $0x0  }
0x3e5: {  	[sflag:s0] =	ssyncadd.s32 @!p0 s1  }
0x3e6: {  	[bflag:$0x3] =	sbarrier.arrive $0xFFFF  }
0x3e7: {  	_ =	shalt  }

</sc_bundles>
